<compile_context>
chip_gen: v7x
topology: tpu7x:2x2x1
jax: 0.10.2.dev20260603
libtpu: 0.0.44.dev20260713+nightly
codegen_flags: <defaults>
</compile_context>

<pallas_src>
import functools

import jax
import jax.numpy as jnp
from jax import lax
from jax.experimental import pallas as pl
from jax.experimental.pallas import tpu as pltpu
from jax.experimental.pallas import tpu_sc as plsc

N = 10000
NP = 10240
E = 320000
CH = 128
NCH = 2560
EP = NCH * CH
NC, NS = 2, 16
NW = NC * NS
CPW = NCH // NW
RPT = NP // NS
DUMMY = N
D_H = 128
D_OUT = 64
N_CLS = 40
BN_EPS = 1e-5

_mesh = plsc.VectorSubcoreMesh(core_axis_name="c", subcore_axis_name="s")
_f32 = jnp.float32



def _deg_body(srcs, dsts, out, idx_s, idx_d, ones, zbuf, acc_o, acc_i):
  cid = lax.axis_index("c")
  sid = lax.axis_index("s")
  wid = cid * NS + sid

  for k in range(CH // 16):
    ones[pl.ds(k * 16, 16)] = jnp.ones((16,), _f32)

  def zb(i, _):
    zbuf[pl.ds(i * 16, 16)] = jnp.zeros((16,), _f32)
    return 0
  lax.fori_loop(0, RPT // 16, zb, 0)
  pltpu.sync_copy(zbuf, acc_o.at[pl.ds(sid * RPT, RPT)])
  pltpu.sync_copy(zbuf, acc_i.at[pl.ds(sid * RPT, RPT)])
  plsc.subcore_barrier()

  pltpu.sync_copy(srcs.at[pl.ds(wid * CPW, CPW), :], idx_s)
  pltpu.sync_copy(dsts.at[pl.ds(wid * CPW, CPW), :], idx_d)

  def body(j, _):
    pltpu.sync_copy(ones, acc_o.at[idx_s.at[j]], add=True)
    pltpu.sync_copy(ones, acc_i.at[idx_d.at[j]], add=True)
    return 0
  lax.fori_loop(0, CPW, body, 0)

  plsc.subcore_barrier()
  pltpu.sync_copy(acc_o.at[pl.ds(sid * RPT, RPT)],
                  out.at[cid, 0, pl.ds(sid * RPT, RPT)])
  pltpu.sync_copy(acc_i.at[pl.ds(sid * RPT, RPT)],
                  out.at[cid, 1, pl.ds(sid * RPT, RPT)])


_deg_call = pl.kernel(
    _deg_body,
    out_type=jax.ShapeDtypeStruct((NC, 2, NP), _f32),
    mesh=_mesh,
    scratch_types=[
        pltpu.VMEM((CPW, CH), jnp.int32),
        pltpu.VMEM((CPW, CH), jnp.int32),
        pltpu.VMEM((CH,), _f32),
        pltpu.VMEM((RPT,), _f32),
        pltpu.VMEM_SHARED((NP,), _f32),
        pltpu.VMEM_SHARED((NP,), _f32),
    ],
)


def _make_agg(d):

  def body(h, srcs, dsts, out, idx_s, idx_d, rows, acc, sem):
    cid = lax.axis_index("c")
    sid = lax.axis_index("s")
    wid = cid * NS + sid

    def zb(r, _):
      for k in range(d // 16):
        rows[r, pl.ds(k * 16, 16)] = jnp.zeros((16,), _f32)
      return 0
    lax.fori_loop(0, CH, zb, 0)
    for t in range(RPT // CH):
      pltpu.sync_copy(rows, acc.at[pl.ds(sid * RPT + t * CH, CH), :])
    plsc.subcore_barrier()

    pltpu.sync_copy(srcs.at[pl.ds(wid * CPW, CPW), :], idx_s)
    pltpu.sync_copy(dsts.at[pl.ds(wid * CPW, CPW), :], idx_d)

    def step(j, _):
      pltpu.async_copy(h.at[idx_s.at[j]], rows, sem).wait()
      pltpu.sync_copy(rows, acc.at[idx_d.at[j]], add=True)
      return 0
    lax.fori_loop(0, CPW, step, 0)

    plsc.subcore_barrier()
    pltpu.sync_copy(acc.at[pl.ds(sid * RPT, RPT), :],
                    out.at[cid, pl.ds(sid * RPT, RPT), :])

  return pl.kernel(
      body,
      out_type=jax.ShapeDtypeStruct((NC, NP, d), _f32),
      mesh=_mesh,
      scratch_types=[
          pltpu.VMEM((CPW, CH), jnp.int32),
          pltpu.VMEM((CPW, CH), jnp.int32),
          pltpu.VMEM((CH, d), _f32),
          pltpu.VMEM_SHARED((NP, d), _f32),
          pltpu.SemaphoreType.DMA,
      ],
  )


_agg128 = _make_agg(D_H)



def _norm_body(deg_ref, out_ref):
  deg = deg_ref[0] + deg_ref[1]
  out_ref[...] = lax.rsqrt(jnp.clip(deg, 1.0, None))


def _norms(degp):
  return pl.pallas_call(
      _norm_body,
      out_shape=jax.ShapeDtypeStruct((2, NP), _f32),
  )(degp)


def _prep_body(x_ref, ns_ref, w_ref, out_ref):
  g = x_ref[...] * ns_ref[...]
  out_ref[...] = jnp.dot(g, w_ref[...], preferred_element_type=_f32)


def _prep(x, ns_col, w0):
  return pl.pallas_call(
      _prep_body,
      out_shape=jax.ShapeDtypeStruct((NP, D_H), _f32),
  )(x, ns_col, w0)


def _mid_body(w_ref, p_ref, nd_ref, b_ref, ga_ref, be_ref, ns_ref, out_ref):
  a = (p_ref[0] + p_ref[1]) * nd_ref[...] + b_ref[...]
  rmask = (lax.broadcasted_iota(jnp.int32, (NP, 1), 0) < N).astype(_f32)
  mean = jnp.sum(a * rmask, axis=0, keepdims=True) / N
  diff = (a - mean) * rmask
  var = jnp.sum(diff * diff, axis=0, keepdims=True) / N
  h = ga_ref[...] * (a - mean) * lax.rsqrt(var + BN_EPS) + be_ref[...]
  h = jnp.maximum(h, 0.0) * rmask * ns_ref[...]
  if w_ref is None:
    out_ref[...] = h
  else:
    out_ref[...] = jnp.dot(h, w_ref[...], preferred_element_type=_f32)


def _mid(p, nd_col, b, ga, be, ns_col, w=None):
  if w is None:
    return pl.pallas_call(
        functools.partial(_mid_body, None),
        out_shape=jax.ShapeDtypeStruct((NP, D_H), _f32),
    )(p, nd_col, b, ga, be, ns_col)
  return pl.pallas_call(
      _mid_body,
      out_shape=jax.ShapeDtypeStruct((NP, D_H), _f32),
  )(w, p, nd_col, b, ga, be, ns_col)


def _final_body(p_ref, nd_ref, w_ref, b_ref, out_ref):
  agg = (p_ref[0] + p_ref[1]) * nd_ref[...]
  s = jnp.dot(agg, w_ref[...], preferred_element_type=_f32) + b_ref[...]
  cmask = lax.broadcasted_iota(jnp.int32, (1, D_OUT), 1) < N_CLS
  sm = jnp.where(cmask, s, -jnp.inf)
  m = jnp.max(sm, axis=1, keepdims=True)
  e = jnp.where(cmask, jnp.exp(s - m), 0.0)
  lse = jnp.log(jnp.sum(e, axis=1, keepdims=True))
  out_ref[...] = s - m - lse


def _final(p, nd_col, w2p, b2p):
  return pl.pallas_call(
      _final_body,
      out_shape=jax.ShapeDtypeStruct((NP, D_OUT), _f32),
  )(p, nd_col, w2p, b2p)



def kernel(x, edge_index, W0, b0, gamma0, beta0, W1, b1, gamma1, beta1, W2, b2):
  pad = jnp.full((EP - E,), DUMMY, jnp.int32)
  srcs = jnp.concatenate([edge_index[0], pad]).reshape(NCH, CH)
  dsts = jnp.concatenate([edge_index[1], pad]).reshape(NCH, CH)
  x_pad = jnp.pad(x, ((0, NP - N), (0, 0)))
  w2p = jnp.pad(W2, ((0, 0), (0, D_OUT - N_CLS)))
  b2p = jnp.pad(b2, (0, D_OUT - N_CLS))

  degp = _deg_call(srcs, dsts)
  norms = _norms(degp)
  ns_col = norms[0][:, None]
  nd_col = norms[1][:, None]

  hw0 = _prep(x_pad, ns_col, W0)
  p0 = _agg128(hw0, srcs, dsts)
  hw1 = _mid(p0, nd_col, b0, gamma0, beta0, ns_col, W1)
  p1 = _agg128(hw1, srcs, dsts)
  g2 = _mid(p1, nd_col, b1, gamma1, beta1, ns_col)
  p2 = _agg128(g2, srcs, dsts)
  out = _final(p2, nd_col, w2p, b2p)
  return out[:N, :N_CLS]

# --- scband reference (transcript-rebuilt; emitter-appended) ---
"""Pipeline reference for scband-gcn-20710332301814 (READ-ONLY COPY).

The authoritative reference and input builder live on the scoring server;
editing this copy changes nothing except your own understanding.
"""

import jax, jax.numpy as jnp
import numpy as np

N = 10000
E = 320000
D_IN = 128
D_H = 128
N_CLS = 40
BN_EPS = 1e-5


def setup_inputs(seed: int = 0) -> dict:
    key = jax.random.key(seed)
    ks = jax.random.split(key, 12)
    x = jax.random.normal(ks[0], (N, D_IN), dtype=jnp.float32)
    edge_index = jax.random.randint(ks[1], (2, E), 0, N, dtype=jnp.int32)
    W0 = jax.random.normal(ks[2], (D_IN, D_H), dtype=jnp.float32) * (1.0 / np.sqrt(D_IN))
    b0 = jnp.zeros((D_H,), dtype=jnp.float32)
    gamma0 = jnp.ones((D_H,), dtype=jnp.float32)
    beta0 = jnp.zeros((D_H,), dtype=jnp.float32)
    W1 = jax.random.normal(ks[3], (D_H, D_H), dtype=jnp.float32) * (1.0 / np.sqrt(D_H))
    b1 = jnp.zeros((D_H,), dtype=jnp.float32)
    gamma1 = jnp.ones((D_H,), dtype=jnp.float32)
    beta1 = jnp.zeros((D_H,), dtype=jnp.float32)
    W2 = jax.random.normal(ks[4], (D_H, N_CLS), dtype=jnp.float32) * (1.0 / np.sqrt(D_H))
    b2 = jnp.zeros((N_CLS,), dtype=jnp.float32)
    return {"x": x, "edge_index": edge_index, "W0": W0, "b0": b0, "gamma0": gamma0, "beta0": beta0, "W1": W1, "b1": b1, "gamma1": gamma1, "beta1": beta1, "W2": W2, "b2": b2}


def graph_conv(x, src, dst, W, b):
    # DGL GraphConv with norm='both': D_out^{-1/2} A D_in^{-1/2} X W + b
    ones = jnp.ones((src.shape[0],), dtype=x.dtype)
    deg_out = jax.ops.segment_sum(ones, src, num_segments=N)
    deg_in = jax.ops.segment_sum(ones, dst, num_segments=N)
    norm_src = jnp.power(jnp.clip(deg_out, 1.0, None), -0.5)
    norm_dst = jnp.power(jnp.clip(deg_in, 1.0, None), -0.5)
    h = x * norm_src[:, None]
    h = h @ W
    agg = jax.ops.segment_sum(h[src], dst, num_segments=N)
    agg = agg * norm_dst[:, None]
    return agg + b


def batch_norm(x, gamma, beta):
    mean = jnp.mean(x, axis=0)
    var = jnp.var(x, axis=0)
    return gamma * (x - mean) / jnp.sqrt(var + BN_EPS) + beta


def reference(x, edge_index, W0, b0, gamma0, beta0, W1, b1, gamma1, beta1, W2, b2):
    src = edge_index[0]
    dst = edge_index[1]
    h = graph_conv(x, src, dst, W0, b0)
    h = batch_norm(h, gamma0, beta0)
    h = jax.nn.relu(h)
    h = graph_conv(h, src, dst, W1, b1)
    h = batch_norm(h, gamma1, beta1)
    h = jax.nn.relu(h)
    h = graph_conv(h, src, dst, W2, b2)
    return jax.nn.log_softmax(h, axis=-1)

if __name__ == "__main__":
    import jax
    _d = setup_inputs()
    print(jax.jit(kernel)(*tuple(_d.values())))

</pallas_src>

<mosaic_0001>
#map = affine_map<(d0, d1) -> (0, 0)>
#map1 = affine_map<(d0, d1) -> (0, 0, 0)>
module attributes {stable_mosaic.version = 14 : i64} {
  func.func @body(%arg0: i32, %arg1: i32, %arg2: memref<10240x128xf32, #tpu.memory_space<hbm>>, %arg3: memref<2560x128xi32, #tpu.memory_space<hbm>>, %arg4: memref<2560x128xi32, #tpu.memory_space<hbm>>, %arg5: memref<2x10240x128xf32, #tpu.memory_space<hbm>>, %arg6: memref<80x128xi32, #tpu.memory_space<vmem>>, %arg7: memref<80x128xi32, #tpu.memory_space<vmem>>, %arg8: memref<128x128xf32, #tpu.memory_space<vmem>>, %arg9: memref<10240x128xf32, #tpu.memory_space<vmem_shared>>, %arg10: memref<!tpu.dma_semaphore, #tpu.memory_space<semaphore_mem>>) attributes {dimension_semantics = [#tpu.dimension_semantics<core_parallel>, #tpu.dimension_semantics<subcore_parallel>], iteration_bounds = array<i64: 2, 16>, scalar_prefetch = 0 : i64, scratch_operands = 5 : i64, tpu.core_type = #tpu.core_type<sc_vector_subcore>, window_params = [{transform_indices = #map}, {transform_indices = #map}, {transform_indices = #map}, {transform_indices = #map1}]} {
    %mul3A = arith.constant 16 : i32
    %mul3A_0 = arith.muli %arg0, %mul3A : i32
    %add3A = arith.addi %mul3A_0, %arg1 : i32
    %scan3A = arith.constant 0 : i32
    %scan3A_1 = arith.constant 0 : i32
    %scan3A_2 = arith.constant 128 : i32
    %scan3A_3 = arith.addi %scan3A_1, %scan3A_2 : i32
    %scan3A_4 = arith.constant 1 : i32
    %scan3A_5 = scf.for %scan3A_43 = %scan3A_1 to %scan3A_3 step %scan3A_4 iter_args(%scan3A_44 = %scan3A) -> (i32)  : i32 {
      %broadcast_in_dim3A = arith.constant 0.000000e+00 : f32
      %broadcast_in_dim3A_45 = vector.broadcast %broadcast_in_dim3A : f32 to vector<16xf32>
      %swap3A = arith.index_cast %scan3A_43 : i32 to index
      %swap3A_46 = arith.constant 0 : index
      %swap3A_47 = tpu.vector_load %arg8[%swap3A, %swap3A_46] {strides = array<i32>} : memref<128x128xf32, #tpu.memory_space<vmem>>, vector<1x16xf32>,
      %swap3A_48 = vector.shape_cast %swap3A_47 : vector<1x16xf32> to vector<16xf32>
      %swap3A_49 = vector.shape_cast %broadcast_in_dim3A_45 : vector<16xf32> to vector<1x16xf32>
      tpu.vector_store %arg8[%swap3A, %swap3A_46], %swap3A_49 {strides = array<i32>} : memref<128x128xf32, #tpu.memory_space<vmem>>, vector<1x16xf32>,
      %broadcast_in_dim3A_50 = arith.constant 0.000000e+00 : f32
      %broadcast_in_dim3A_51 = vector.broadcast %broadcast_in_dim3A_50 : f32 to vector<16xf32>
      %swap3A_52 = arith.index_cast %scan3A_43 : i32 to index
      %swap3A_53 = arith.constant 16 : index
      %swap3A_54 = tpu.vector_load %arg8[%swap3A_52, %swap3A_53] {strides = array<i32>} : memref<128x128xf32, #tpu.memory_space<vmem>>, vector<1x16xf32>,
      %swap3A_55 = vector.shape_cast %swap3A_54 : vector<1x16xf32> to vector<16xf32>
      %swap3A_56 = vector.shape_cast %broadcast_in_dim3A_51 : vector<16xf32> to vector<1x16xf32>
      tpu.vector_store %arg8[%swap3A_52, %swap3A_53], %swap3A_56 {strides = array<i32>} : memref<128x128xf32, #tpu.memory_space<vmem>>, vector<1x16xf32>,
      %broadcast_in_dim3A_57 = arith.constant 0.000000e+00 : f32
      %broadcast_in_dim3A_58 = vector.broadcast %broadcast_in_dim3A_57 : f32 to vector<16xf32>
      %swap3A_59 = arith.index_cast %scan3A_43 : i32 to index
      %swap3A_60 = arith.constant 32 : index
      %swap3A_61 = tpu.vector_load %arg8[%swap3A_59, %swap3A_60] {strides = array<i32>} : memref<128x128xf32, #tpu.memory_space<vmem>>, vector<1x16xf32>,
      %swap3A_62 = vector.shape_cast %swap3A_61 : vector<1x16xf32> to vector<16xf32>
      %swap3A_63 = vector.shape_cast %broadcast_in_dim3A_58 : vector<16xf32> to vector<1x16xf32>
      tpu.vector_store %arg8[%swap3A_59, %swap3A_60], %swap3A_63 {strides = array<i32>} : memref<128x128xf32, #tpu.memory_space<vmem>>, vector<1x16xf32>,
      %broadcast_in_dim3A_64 = arith.constant 0.000000e+00 : f32
      %broadcast_in_dim3A_65 = vector.broadcast %broadcast_in_dim3A_64 : f32 to vector<16xf32>
      %swap3A_66 = arith.index_cast %scan3A_43 : i32 to index
      %swap3A_67 = arith.constant 48 : index
      %swap3A_68 = tpu.vector_load %arg8[%swap3A_66, %swap3A_67] {strides = array<i32>} : memref<128x128xf32, #tpu.memory_space<vmem>>, vector<1x16xf32>,
      %swap3A_69 = vector.shape_cast %swap3A_68 : vector<1x16xf32> to vector<16xf32>
      %swap3A_70 = vector.shape_cast %broadcast_in_dim3A_65 : vector<16xf32> to vector<1x16xf32>
      tpu.vector_store %arg8[%swap3A_66, %swap3A_67], %swap3A_70 {strides = array<i32>} : memref<128x128xf32, #tpu.memory_space<vmem>>, vector<1x16xf32>,
      %broadcast_in_dim3A_71 = arith.constant 0.000000e+00 : f32
      %broadcast_in_dim3A_72 = vector.broadcast %broadcast_in_dim3A_71 : f32 to vector<16xf32>
      %swap3A_73 = arith.index_cast %scan3A_43 : i32 to index
      %swap3A_74 = arith.constant 64 : index
      %swap3A_75 = tpu.vector_load %arg8[%swap3A_73, %swap3A_74] {strides = array<i32>} : memref<128x128xf32, #tpu.memory_space<vmem>>, vector<1x16xf32>,
      %swap3A_76 = vector.shape_cast %swap3A_75 : vector<1x16xf32> to vector<16xf32>
      %swap3A_77 = vector.shape_cast %broadcast_in_dim3A_72 : vector<16xf32> to vector<1x16xf32>
      tpu.vector_store %arg8[%swap3A_73, %swap3A_74], %swap3A_77 {strides = array<i32>} : memref<128x128xf32, #tpu.memory_space<vmem>>, vector<1x16xf32>,
      %broadcast_in_dim3A_78 = arith.constant 0.000000e+00 : f32
      %broadcast_in_dim3A_79 = vector.broadcast %broadcast_in_dim3A_78 : f32 to vector<16xf32>
      %swap3A_80 = arith.index_cast %scan3A_43 : i32 to index
      %swap3A_81 = arith.constant 80 : index
      %swap3A_82 = tpu.vector_load %arg8[%swap3A_80, %swap3A_81] {strides = array<i32>} : memref<128x128xf32, #tpu.memory_space<vmem>>, vector<1x16xf32>,
      %swap3A_83 = vector.shape_cast %swap3A_82 : vector<1x16xf32> to vector<16xf32>
      %swap3A_84 = vector.shape_cast %broadcast_in_dim3A_79 : vector<16xf32> to vector<1x16xf32>
      tpu.vector_store %arg8[%swap3A_80, %swap3A_81], %swap3A_84 {strides = array<i32>} : memref<128x128xf32, #tpu.memory_space<vmem>>, vector<1x16xf32>,
      %broadcast_in_dim3A_85 = arith.constant 0.000000e+00 : f32
      %broadcast_in_dim3A_86 = vector.broadcast %broadcast_in_dim3A_85 : f32 to vector<16xf32>
      %swap3A_87 = arith.index_cast %scan3A_43 : i32 to index
      %swap3A_88 = arith.constant 96 : index
      %swap3A_89 = tpu.vector_load %arg8[%swap3A_87, %swap3A_88] {strides = array<i32>} : memref<128x128xf32, #tpu.memory_space<vmem>>, vector<1x16xf32>,
      %swap3A_90 = vector.shape_cast %swap3A_89 : vector<1x16xf32> to vector<16xf32>
      %swap3A_91 = vector.shape_cast %broadcast_in_dim3A_86 : vector<16xf32> to vector<1x16xf32>
      tpu.vector_store %arg8[%swap3A_87, %swap3A_88], %swap3A_91 {strides = array<i32>} : memref<128x128xf32, #tpu.memory_space<vmem>>, vector<1x16xf32>,
      %broadcast_in_dim3A_92 = arith.constant 0.000000e+00 : f32
      %broadcast_in_dim3A_93 = vector.broadcast %broadcast_in_dim3A_92 : f32 to vector<16xf32>
      %swap3A_94 = arith.index_cast %scan3A_43 : i32 to index
      %swap3A_95 = arith.constant 112 : index
      %swap3A_96 = tpu.vector_load %arg8[%swap3A_94, %swap3A_95] {strides = array<i32>} : memref<128x128xf32, #tpu.memory_space<vmem>>, vector<1x16xf32>,
      %swap3A_97 = vector.shape_cast %swap3A_96 : vector<1x16xf32> to vector<16xf32>
      %swap3A_98 = vector.shape_cast %broadcast_in_dim3A_93 : vector<16xf32> to vector<1x16xf32>
      tpu.vector_store %arg8[%swap3A_94, %swap3A_95], %swap3A_98 {strides = array<i32>} : memref<128x128xf32, #tpu.memory_space<vmem>>, vector<1x16xf32>,
      %scan3A_99 = arith.constant 0 : i32
      scf.yield %scan3A_99 : i32
    }
    %scan3A_6 = arith.constant 128 : i32
    %mul3A_7 = arith.constant 640 : i32
    %mul3A_8 = arith.muli %arg1, %mul3A_7 : i32
    %add3A_9 = arith.constant 0 : i32
    %add3A_10 = arith.addi %mul3A_8, %add3A_9 : i32
    "tpu.region"() ({
      %run_scoped3A = tpu.sem_alloc : memref<!tpu.dma_semaphore, #tpu.memory_space<semaphore_mem>>
      %dma_start3A = arith.constant 0 : i32
      %dma_start3A_43 = tpu.memref_slice %arg9[%add3A_10, %dma_start3A] : memref<10240x128xf32, #tpu.memory_space<vmem_shared>> -> memref<128x128xf32, #tpu.memory_space<vmem_shared>>
      %dma_start3A_44 = arith.constant 0 : i32
      %dma_start3A_45 = tpu.memref_slice %arg9[%add3A_10, %dma_start3A_44] : memref<10240x128xf32, #tpu.memory_space<vmem_shared>> -> memref<128x128xf32, #tpu.memory_space<vmem_shared>>
      tpu.enqueue_dma source(%arg8 : memref<128x128xf32, #tpu.memory_space<vmem>>) target(%dma_start3A_45 : memref<128x128xf32, #tpu.memory_space<vmem_shared>>) target_semaphore(%run_scoped3A : memref<!tpu.dma_semaphore, #tpu.memory_space<semaphore_mem>>)
      %dma_wait3A = arith.constant 0 : i32
      %dma_wait3A_46 = tpu.memref_slice %arg9[%add3A_10, %dma_wait3A] : memref<10240x128xf32, #tpu.memory_space<vmem_shared>> -> memref<128x128xf32, #tpu.memory_space<vmem_shared>>
      %dma_wait3A_47 = arith.constant 0 : i32
      %dma_wait3A_48 = tpu.memref_slice %arg9[%add3A_10, %dma_wait3A_47] : memref<10240x128xf32, #tpu.memory_space<vmem_shared>> -> memref<128x128xf32, #tpu.memory_space<vmem_shared>>
      tpu.wait_dma2 semaphore(%run_scoped3A : memref<!tpu.dma_semaphore, #tpu.memory_space<semaphore_mem>>) src(%arg8 : memref<128x128xf32, #tpu.memory_space<vmem>>) dst(%dma_wait3A_48 : memref<128x128xf32, #tpu.memory_space<vmem_shared>>)
      tpu.yield
    }) : () -> ()
    %mul3A_11 = arith.constant 640 : i32
    %mul3A_12 = arith.muli %arg1, %mul3A_11 : i32
    %add3A_13 = arith.constant 128 : i32
    %add3A_14 = arith.addi %mul3A_12, %add3A_13 : i32
    "tpu.region"() ({
      %run_scoped3A = tpu.sem_alloc : memref<!tpu.dma_semaphore, #tpu.memory_space<semaphore_mem>>
      %dma_start3A = arith.constant 0 : i32
      %dma_start3A_43 = tpu.memref_slice %arg9[%add3A_14, %dma_start3A] : memref<10240x128xf32, #tpu.memory_space<vmem_shared>> -> memref<128x128xf32, #tpu.memory_space<vmem_shared>>
      %dma_start3A_44 = arith.constant 0 : i32
      %dma_start3A_45 = tpu.memref_slice %arg9[%add3A_14, %dma_start3A_44] : memref<10240x128xf32, #tpu.memory_space<vmem_shared>> -> memref<128x128xf32, #tpu.memory_space<vmem_shared>>
      tpu.enqueue_dma source(%arg8 : memref<128x128xf32, #tpu.memory_space<vmem>>) target(%dma_start3A_45 : memref<128x128xf32, #tpu.memory_space<vmem_shared>>) target_semaphore(%run_scoped3A : memref<!tpu.dma_semaphore, #tpu.memory_space<semaphore_mem>>)
      %dma_wait3A = arith.constant 0 : i32
      %dma_wait3A_46 = tpu.memref_slice %arg9[%add3A_14, %dma_wait3A] : memref<10240x128xf32, #tpu.memory_space<vmem_shared>> -> memref<128x128xf32, #tpu.memory_space<vmem_shared>>
      %dma_wait3A_47 = arith.constant 0 : i32
      %dma_wait3A_48 = tpu.memref_slice %arg9[%add3A_14, %dma_wait3A_47] : memref<10240x128xf32, #tpu.memory_space<vmem_shared>> -> memref<128x128xf32, #tpu.memory_space<vmem_shared>>
      tpu.wait_dma2 semaphore(%run_scoped3A : memref<!tpu.dma_semaphore, #tpu.memory_space<semaphore_mem>>) src(%arg8 : memref<128x128xf32, #tpu.memory_space<vmem>>) dst(%dma_wait3A_48 : memref<128x128xf32, #tpu.memory_space<vmem_shared>>)
      tpu.yield
    }) : () -> ()
    %mul3A_15 = arith.constant 640 : i32
    %mul3A_16 = arith.muli %arg1, %mul3A_15 : i32
    %add3A_17 = arith.constant 256 : i32
    %add3A_18 = arith.addi %mul3A_16, %add3A_17 : i32
    "tpu.region"() ({
      %run_scoped3A = tpu.sem_alloc : memref<!tpu.dma_semaphore, #tpu.memory_space<semaphore_mem>>
      %dma_start3A = arith.constant 0 : i32
      %dma_start3A_43 = tpu.memref_slice %arg9[%add3A_18, %dma_start3A] : memref<10240x128xf32, #tpu.memory_space<vmem_shared>> -> memref<128x128xf32, #tpu.memory_space<vmem_shared>>
      %dma_start3A_44 = arith.constant 0 : i32
      %dma_start3A_45 = tpu.memref_slice %arg9[%add3A_18, %dma_start3A_44] : memref<10240x128xf32, #tpu.memory_space<vmem_shared>> -> memref<128x128xf32, #tpu.memory_space<vmem_shared>>
      tpu.enqueue_dma source(%arg8 : memref<128x128xf32, #tpu.memory_space<vmem>>) target(%dma_start3A_45 : memref<128x128xf32, #tpu.memory_space<vmem_shared>>) target_semaphore(%run_scoped3A : memref<!tpu.dma_semaphore, #tpu.memory_space<semaphore_mem>>)
      %dma_wait3A = arith.constant 0 : i32
      %dma_wait3A_46 = tpu.memref_slice %arg9[%add3A_18, %dma_wait3A] : memref<10240x128xf32, #tpu.memory_space<vmem_shared>> -> memref<128x128xf32, #tpu.memory_space<vmem_shared>>
      %dma_wait3A_47 = arith.constant 0 : i32
      %dma_wait3A_48 = tpu.memref_slice %arg9[%add3A_18, %dma_wait3A_47] : memref<10240x128xf32, #tpu.memory_space<vmem_shared>> -> memref<128x128xf32, #tpu.memory_space<vmem_shared>>
      tpu.wait_dma2 semaphore(%run_scoped3A : memref<!tpu.dma_semaphore, #tpu.memory_space<semaphore_mem>>) src(%arg8 : memref<128x128xf32, #tpu.memory_space<vmem>>) dst(%dma_wait3A_48 : memref<128x128xf32, #tpu.memory_space<vmem_shared>>)
      tpu.yield
    }) : () -> ()
    %mul3A_19 = arith.constant 640 : i32
    %mul3A_20 = arith.muli %arg1, %mul3A_19 : i32
    %add3A_21 = arith.constant 384 : i32
    %add3A_22 = arith.addi %mul3A_20, %add3A_21 : i32
    "tpu.region"() ({
      %run_scoped3A = tpu.sem_alloc : memref<!tpu.dma_semaphore, #tpu.memory_space<semaphore_mem>>
      %dma_start3A = arith.constant 0 : i32
      %dma_start3A_43 = tpu.memref_slice %arg9[%add3A_22, %dma_start3A] : memref<10240x128xf32, #tpu.memory_space<vmem_shared>> -> memref<128x128xf32, #tpu.memory_space<vmem_shared>>
      %dma_start3A_44 = arith.constant 0 : i32
      %dma_start3A_45 = tpu.memref_slice %arg9[%add3A_22, %dma_start3A_44] : memref<10240x128xf32, #tpu.memory_space<vmem_shared>> -> memref<128x128xf32, #tpu.memory_space<vmem_shared>>
      tpu.enqueue_dma source(%arg8 : memref<128x128xf32, #tpu.memory_space<vmem>>) target(%dma_start3A_45 : memref<128x128xf32, #tpu.memory_space<vmem_shared>>) target_semaphore(%run_scoped3A : memref<!tpu.dma_semaphore, #tpu.memory_space<semaphore_mem>>)
      %dma_wait3A = arith.constant 0 : i32
      %dma_wait3A_46 = tpu.memref_slice %arg9[%add3A_22, %dma_wait3A] : memref<10240x128xf32, #tpu.memory_space<vmem_shared>> -> memref<128x128xf32, #tpu.memory_space<vmem_shared>>
      %dma_wait3A_47 = arith.constant 0 : i32
      %dma_wait3A_48 = tpu.memref_slice %arg9[%add3A_22, %dma_wait3A_47] : memref<10240x128xf32, #tpu.memory_space<vmem_shared>> -> memref<128x128xf32, #tpu.memory_space<vmem_shared>>
      tpu.wait_dma2 semaphore(%run_scoped3A : memref<!tpu.dma_semaphore, #tpu.memory_space<semaphore_mem>>) src(%arg8 : memref<128x128xf32, #tpu.memory_space<vmem>>) dst(%dma_wait3A_48 : memref<128x128xf32, #tpu.memory_space<vmem_shared>>)
      tpu.yield
    }) : () -> ()
    %mul3A_23 = arith.constant 640 : i32
    %mul3A_24 = arith.muli %arg1, %mul3A_23 : i32
    %add3A_25 = arith.constant 512 : i32
    %add3A_26 = arith.addi %mul3A_24, %add3A_25 : i32
    "tpu.region"() ({
      %run_scoped3A = tpu.sem_alloc : memref<!tpu.dma_semaphore, #tpu.memory_space<semaphore_mem>>
      %dma_start3A = arith.constant 0 : i32
      %dma_start3A_43 = tpu.memref_slice %arg9[%add3A_26, %dma_start3A] : memref<10240x128xf32, #tpu.memory_space<vmem_shared>> -> memref<128x128xf32, #tpu.memory_space<vmem_shared>>
      %dma_start3A_44 = arith.constant 0 : i32
      %dma_start3A_45 = tpu.memref_slice %arg9[%add3A_26, %dma_start3A_44] : memref<10240x128xf32, #tpu.memory_space<vmem_shared>> -> memref<128x128xf32, #tpu.memory_space<vmem_shared>>
      tpu.enqueue_dma source(%arg8 : memref<128x128xf32, #tpu.memory_space<vmem>>) target(%dma_start3A_45 : memref<128x128xf32, #tpu.memory_space<vmem_shared>>) target_semaphore(%run_scoped3A : memref<!tpu.dma_semaphore, #tpu.memory_space<semaphore_mem>>)
      %dma_wait3A = arith.constant 0 : i32
      %dma_wait3A_46 = tpu.memref_slice %arg9[%add3A_26, %dma_wait3A] : memref<10240x128xf32, #tpu.memory_space<vmem_shared>> -> memref<128x128xf32, #tpu.memory_space<vmem_shared>>
      %dma_wait3A_47 = arith.constant 0 : i32
      %dma_wait3A_48 = tpu.memref_slice %arg9[%add3A_26, %dma_wait3A_47] : memref<10240x128xf32, #tpu.memory_space<vmem_shared>> -> memref<128x128xf32, #tpu.memory_space<vmem_shared>>
      tpu.wait_dma2 semaphore(%run_scoped3A : memref<!tpu.dma_semaphore, #tpu.memory_space<semaphore_mem>>) src(%arg8 : memref<128x128xf32, #tpu.memory_space<vmem>>) dst(%dma_wait3A_48 : memref<128x128xf32, #tpu.memory_space<vmem_shared>>)
      tpu.yield
    }) : () -> ()
    %barrier3A = arith.constant 0 : index
    tpu.barrier barrier_id(%barrier3A)
    %mul3A_27 = arith.constant 80 : i32
    %mul3A_28 = arith.muli %add3A, %mul3A_27 : i32
    "tpu.region"() ({
      %run_scoped3A = tpu.sem_alloc : memref<!tpu.dma_semaphore, #tpu.memory_space<semaphore_mem>>
      %dma_start3A = arith.constant 0 : i32
      %dma_start3A_43 = tpu.memref_slice %arg3[%mul3A_28, %dma_start3A] : memref<2560x128xi32, #tpu.memory_space<hbm>> -> memref<80x128xi32, #tpu.memory_space<hbm>>
      %dma_start3A_44 = arith.constant 0 : i32
      %dma_start3A_45 = tpu.memref_slice %arg3[%mul3A_28, %dma_start3A_44] : memref<2560x128xi32, #tpu.memory_space<hbm>> -> memref<80x128xi32, #tpu.memory_space<hbm>>
      tpu.enqueue_dma source(%dma_start3A_45 : memref<80x128xi32, #tpu.memory_space<hbm>>) target(%arg6 : memref<80x128xi32, #tpu.memory_space<vmem>>) target_semaphore(%run_scoped3A : memref<!tpu.dma_semaphore, #tpu.memory_space<semaphore_mem>>)
      %dma_wait3A = arith.constant 0 : i32
      %dma_wait3A_46 = tpu.memref_slice %arg3[%mul3A_28, %dma_wait3A] : memref<2560x128xi32, #tpu.memory_space<hbm>> -> memref<80x128xi32, #tpu.memory_space<hbm>>
      %dma_wait3A_47 = arith.constant 0 : i32
      %dma_wait3A_48 = tpu.memref_slice %arg3[%mul3A_28, %dma_wait3A_47] : memref<2560x128xi32, #tpu.memory_space<hbm>> -> memref<80x128xi32, #tpu.memory_space<hbm>>
      tpu.wait_dma2 semaphore(%run_scoped3A : memref<!tpu.dma_semaphore, #tpu.memory_space<semaphore_mem>>) src(%dma_wait3A_48 : memref<80x128xi32, #tpu.memory_space<hbm>>) dst(%arg6 : memref<80x128xi32, #tpu.memory_space<vmem>>)
      tpu.yield
    }) : () -> ()
    %mul3A_29 = arith.constant 80 : i32
    %mul3A_30 = arith.muli %add3A, %mul3A_29 : i32
    "tpu.region"() ({
      %run_scoped3A = tpu.sem_alloc : memref<!tpu.dma_semaphore, #tpu.memory_space<semaphore_mem>>
      %dma_start3A = arith.constant 0 : i32
      %dma_start3A_43 = tpu.memref_slice %arg4[%mul3A_30, %dma_start3A] : memref<2560x128xi32, #tpu.memory_space<hbm>> -> memref<80x128xi32, #tpu.memory_space<hbm>>
      %dma_start3A_44 = arith.constant 0 : i32
      %dma_start3A_45 = tpu.memref_slice %arg4[%mul3A_30, %dma_start3A_44] : memref<2560x128xi32, #tpu.memory_space<hbm>> -> memref<80x128xi32, #tpu.memory_space<hbm>>
      tpu.enqueue_dma source(%dma_start3A_45 : memref<80x128xi32, #tpu.memory_space<hbm>>) target(%arg7 : memref<80x128xi32, #tpu.memory_space<vmem>>) target_semaphore(%run_scoped3A : memref<!tpu.dma_semaphore, #tpu.memory_space<semaphore_mem>>)
      %dma_wait3A = arith.constant 0 : i32
      %dma_wait3A_46 = tpu.memref_slice %arg4[%mul3A_30, %dma_wait3A] : memref<2560x128xi32, #tpu.memory_space<hbm>> -> memref<80x128xi32, #tpu.memory_space<hbm>>
      %dma_wait3A_47 = arith.constant 0 : i32
      %dma_wait3A_48 = tpu.memref_slice %arg4[%mul3A_30, %dma_wait3A_47] : memref<2560x128xi32, #tpu.memory_space<hbm>> -> memref<80x128xi32, #tpu.memory_space<hbm>>
      tpu.wait_dma2 semaphore(%run_scoped3A : memref<!tpu.dma_semaphore, #tpu.memory_space<semaphore_mem>>) src(%dma_wait3A_48 : memref<80x128xi32, #tpu.memory_space<hbm>>) dst(%arg7 : memref<80x128xi32, #tpu.memory_space<vmem>>)
      tpu.yield
    }) : () -> ()
    %scan3A_31 = arith.constant 0 : i32
    %scan3A_32 = arith.constant 0 : i32
    %scan3A_33 = arith.constant 80 : i32
    %scan3A_34 = arith.addi %scan3A_32, %scan3A_33 : i32
    %scan3A_35 = arith.constant 1 : i32
    %scan3A_36 = scf.for %scan3A_43 = %scan3A_32 to %scan3A_34 step %scan3A_35 iter_args(%scan3A_44 = %scan3A_31) -> (i32)  : i32 {
      %dma_start3A = arith.constant 0 : i32
      %dma_start3A_45 = tpu.memref_slice %arg6[%scan3A_43, %dma_start3A] : memref<80x128xi32, #tpu.memory_space<vmem>> -> memref<1x128xi32, #tpu.memory_space<vmem>>
      %dma_start3A_46 = tpu.memref_squeeze %dma_start3A_45 : memref<1x128xi32, #tpu.memory_space<vmem>> -> memref<128xi32, #tpu.memory_space<vmem>>
      %dma_start3A_47 = arith.constant 0 : i32
      %dma_start3A_48 = arith.constant 0 : i32
      %dma_start3A_49 = tpu.memref_slice %arg2[%dma_start3A_47, %dma_start3A_48] : memref<10240x128xf32, #tpu.memory_space<hbm>> -> memref<10240x128xf32, #tpu.memory_space<hbm>>
      tpu.enqueue_indirect_dma source(%dma_start3A_49 : memref<10240x128xf32, #tpu.memory_space<hbm>>) target(%arg8 : memref<128x128xf32, #tpu.memory_space<vmem>>) offsets(%dma_start3A_46 : memref<128xi32, #tpu.memory_space<vmem>>) semaphore(%arg10 : memref<!tpu.dma_semaphore, #tpu.memory_space<semaphore_mem>>)
      %dma_wait3A = arith.constant 0 : i32
      %dma_wait3A_50 = tpu.memref_slice %arg6[%scan3A_43, %dma_wait3A] : memref<80x128xi32, #tpu.memory_space<vmem>> -> memref<1x128xi32, #tpu.memory_space<vmem>>
      %dma_wait3A_51 = tpu.memref_squeeze %dma_wait3A_50 : memref<1x128xi32, #tpu.memory_space<vmem>> -> memref<128xi32, #tpu.memory_space<vmem>>
      %dma_wait3A_52 = arith.constant 0 : i32
      %dma_wait3A_53 = arith.constant 0 : i32
      %dma_wait3A_54 = tpu.memref_slice %arg2[%dma_wait3A_52, %dma_wait3A_53] : memref<10240x128xf32, #tpu.memory_space<hbm>> -> memref<10240x128xf32, #tpu.memory_space<hbm>>
      tpu.wait_indirect_dma semaphore(%arg10 : memref<!tpu.dma_semaphore, #tpu.memory_space<semaphore_mem>>) src(%dma_wait3A_54 : memref<10240x128xf32, #tpu.memory_space<hbm>>) dst(%arg8 : memref<128x128xf32, #tpu.memory_space<vmem>>)
      "tpu.region"() ({
        %run_scoped3A = tpu.sem_alloc : memref<!tpu.dma_semaphore, #tpu.memory_space<semaphore_mem>>
        %dma_start3A_56 = arith.constant 0 : i32
        %dma_start3A_57 = tpu.memref_slice %arg7[%scan3A_43, %dma_start3A_56] : memref<80x128xi32, #tpu.memory_space<vmem>> -> memref<1x128xi32, #tpu.memory_space<vmem>>
        %dma_start3A_58 = tpu.memref_squeeze %dma_start3A_57 : memref<1x128xi32, #tpu.memory_space<vmem>> -> memref<128xi32, #tpu.memory_space<vmem>>
        %dma_start3A_59 = arith.constant 0 : i32
        %dma_start3A_60 = arith.constant 0 : i32
        %dma_start3A_61 = tpu.memref_slice %arg9[%dma_start3A_59, %dma_start3A_60] : memref<10240x128xf32, #tpu.memory_space<vmem_shared>> -> memref<10240x128xf32, #tpu.memory_space<vmem_shared>>
        tpu.enqueue_indirect_dma source(%arg8 : memref<128x128xf32, #tpu.memory_space<vmem>>) target(%dma_start3A_61 : memref<10240x128xf32, #tpu.memory_space<vmem_shared>>) offsets(%dma_start3A_58 : memref<128xi32, #tpu.memory_space<vmem>>) semaphore(%run_scoped3A : memref<!tpu.dma_semaphore, #tpu.memory_space<semaphore_mem>>) {add = true}
        %dma_wait3A_62 = arith.constant 0 : i32
        %dma_wait3A_63 = tpu.memref_slice %arg7[%scan3A_43, %dma_wait3A_62] : memref<80x128xi32, #tpu.memory_space<vmem>> -> memref<1x128xi32, #tpu.memory_space<vmem>>
        %dma_wait3A_64 = tpu.memref_squeeze %dma_wait3A_63 : memref<1x128xi32, #tpu.memory_space<vmem>> -> memref<128xi32, #tpu.memory_space<vmem>>
        %dma_wait3A_65 = arith.constant 0 : i32
        %dma_wait3A_66 = arith.constant 0 : i32
        %dma_wait3A_67 = tpu.memref_slice %arg9[%dma_wait3A_65, %dma_wait3A_66] : memref<10240x128xf32, #tpu.memory_space<vmem_shared>> -> memref<10240x128xf32, #tpu.memory_space<vmem_shared>>
        tpu.wait_indirect_dma semaphore(%run_scoped3A : memref<!tpu.dma_semaphore, #tpu.memory_space<semaphore_mem>>) src(%arg8 : memref<128x128xf32, #tpu.memory_space<vmem>>) dst(%dma_wait3A_67 : memref<10240x128xf32, #tpu.memory_space<vmem_shared>>)
        tpu.yield
      }) : () -> ()
      %scan3A_55 = arith.constant 0 : i32
      scf.yield %scan3A_55 : i32
    }
    %scan3A_37 = arith.constant 80 : i32
    %barrier3A_38 = arith.constant 0 : index
    tpu.barrier barrier_id(%barrier3A_38)
    %mul3A_39 = arith.constant 640 : i32
    %mul3A_40 = arith.muli %arg1, %mul3A_39 : i32
    %mul3A_41 = arith.constant 640 : i32
    %mul3A_42 = arith.muli %arg1, %mul3A_41 : i32
    "tpu.region"() ({
      %run_scoped3A = tpu.sem_alloc : memref<!tpu.dma_semaphore, #tpu.memory_space<semaphore_mem>>
      %dma_start3A = arith.constant 0 : i32
      %dma_start3A_43 = tpu.memref_slice %arg5[%arg0, %mul3A_42, %dma_start3A] : memref<2x10240x128xf32, #tpu.memory_space<hbm>> -> memref<1x640x128xf32, #tpu.memory_space<hbm>>
      %dma_start3A_44 = tpu.memref_squeeze %dma_start3A_43 : memref<1x640x128xf32, #tpu.memory_space<hbm>> -> memref<640x128xf32, #tpu.memory_space<hbm>>
      %dma_start3A_45 = arith.constant 0 : i32
      %dma_start3A_46 = tpu.memref_slice %arg9[%mul3A_40, %dma_start3A_45] : memref<10240x128xf32, #tpu.memory_space<vmem_shared>> -> memref<640x128xf32, #tpu.memory_space<vmem_shared>>
      tpu.enqueue_dma source(%dma_start3A_46 : memref<640x128xf32, #tpu.memory_space<vmem_shared>>) target(%dma_start3A_44 : memref<640x128xf32, #tpu.memory_space<hbm>>) target_semaphore(%run_scoped3A : memref<!tpu.dma_semaphore, #tpu.memory_space<semaphore_mem>>)
      %dma_wait3A = arith.constant 0 : i32
      %dma_wait3A_47 = tpu.memref_slice %arg5[%arg0, %mul3A_42, %dma_wait3A] : memref<2x10240x128xf32, #tpu.memory_space<hbm>> -> memref<1x640x128xf32, #tpu.memory_space<hbm>>
      %dma_wait3A_48 = tpu.memref_squeeze %dma_wait3A_47 : memref<1x640x128xf32, #tpu.memory_space<hbm>> -> memref<640x128xf32, #tpu.memory_space<hbm>>
      %dma_wait3A_49 = arith.constant 0 : i32
      %dma_wait3A_50 = tpu.memref_slice %arg9[%mul3A_40, %dma_wait3A_49] : memref<10240x128xf32, #tpu.memory_space<vmem_shared>> -> memref<640x128xf32, #tpu.memory_space<vmem_shared>>
      tpu.wait_dma2 semaphore(%run_scoped3A : memref<!tpu.dma_semaphore, #tpu.memory_space<semaphore_mem>>) src(%dma_wait3A_50 : memref<640x128xf32, #tpu.memory_space<vmem_shared>>) dst(%dma_wait3A_48 : memref<640x128xf32, #tpu.memory_space<hbm>>)
      tpu.yield
    }) : () -> ()
    return
  }
}

#map = affine_map<(d0, d1) -> (0, 0)>
#map1 = affine_map<(d0, d1) -> (0, 0, 0)>
module attributes {stable_mosaic.version = 14 : i64} {
  func.func @body(%arg0: i32, %arg1: i32, %arg2: memref<10240x128xf32, #tpu.memory_space<hbm>>, %arg3: memref<2560x128xi32, #tpu.memory_space<hbm>>, %arg4: memref<2560x128xi32, #tpu.memory_space<hbm>>, %arg5: memref<2x10240x128xf32, #tpu.memory_space<hbm>>, %arg6: memref<80x128xi32, #tpu.memory_space<vmem>>, %arg7: memref<80x128xi32, #tpu.memory_space<vmem>>, %arg8: memref<128x128xf32, #tpu.memory_space<vmem>>, %arg9: memref<10240x128xf32, #tpu.memory_space<vmem_shared>>, %arg10: memref<!tpu.dma_semaphore, #tpu.memory_space<semaphore_mem>>) attributes {dimension_semantics = [#tpu.dimension_semantics<core_parallel>, #tpu.dimension_semantics<subcore_parallel>], iteration_bounds = array<i64: 2, 16>, scalar_prefetch = 0 : i64, scratch_operands = 5 : i64, tpu.core_type = #tpu.core_type<sc_vector_subcore>, window_params = [{transform_indices = #map}, {transform_indices = #map}, {transform_indices = #map}, {transform_indices = #map1}]} {
    %mul3A = arith.constant 16 : i32
    %mul3A_0 = arith.muli %arg0, %mul3A : i32
    %add3A = arith.addi %mul3A_0, %arg1 : i32
    %scan3A = arith.constant 0 : i32
    %scan3A_1 = arith.constant 0 : i32
    %scan3A_2 = arith.constant 128 : i32
    %scan3A_3 = arith.addi %scan3A_1, %scan3A_2 : i32
    %scan3A_4 = arith.constant 1 : i32
    %scan3A_5 = scf.for %scan3A_43 = %scan3A_1 to %scan3A_3 step %scan3A_4 iter_args(%scan3A_44 = %scan3A) -> (i32)  : i32 {
      %broadcast_in_dim3A = arith.constant 0.000000e+00 : f32
      %broadcast_in_dim3A_45 = vector.broadcast %broadcast_in_dim3A : f32 to vector<16xf32>
      %swap3A = arith.index_cast %scan3A_43 : i32 to index
      %swap3A_46 = arith.constant 0 : index
      %swap3A_47 = tpu.vector_load %arg8[%swap3A, %swap3A_46] {strides = array<i32>} : memref<128x128xf32, #tpu.memory_space<vmem>>, vector<1x16xf32>,
      %swap3A_48 = vector.shape_cast %swap3A_47 : vector<1x16xf32> to vector<16xf32>
      %swap3A_49 = vector.shape_cast %broadcast_in_dim3A_45 : vector<16xf32> to vector<1x16xf32>
      tpu.vector_store %arg8[%swap3A, %swap3A_46], %swap3A_49 {strides = array<i32>} : memref<128x128xf32, #tpu.memory_space<vmem>>, vector<1x16xf32>,
      %broadcast_in_dim3A_50 = arith.constant 0.000000e+00 : f32
      %broadcast_in_dim3A_51 = vector.broadcast %broadcast_in_dim3A_50 : f32 to vector<16xf32>
      %swap3A_52 = arith.index_cast %scan3A_43 : i32 to index
      %swap3A_53 = arith.constant 16 : index
      %swap3A_54 = tpu.vector_load %arg8[%swap3A_52, %swap3A_53] {strides = array<i32>} : memref<128x128xf32, #tpu.memory_space<vmem>>, vector<1x16xf32>,
      %swap3A_55 = vector.shape_cast %swap3A_54 : vector<1x16xf32> to vector<16xf32>
      %swap3A_56 = vector.shape_cast %broadcast_in_dim3A_51 : vector<16xf32> to vector<1x16xf32>
      tpu.vector_store %arg8[%swap3A_52, %swap3A_53], %swap3A_56 {strides = array<i32>} : memref<128x128xf32, #tpu.memory_space<vmem>>, vector<1x16xf32>,
      %broadcast_in_dim3A_57 = arith.constant 0.000000e+00 : f32
      %broadcast_in_dim3A_58 = vector.broadcast %broadcast_in_dim3A_57 : f32 to vector<16xf32>
      %swap3A_59 = arith.index_cast %scan3A_43 : i32 to index
      %swap3A_60 = arith.constant 32 : index
      %swap3A_61 = tpu.vector_load %arg8[%swap3A_59, %swap3A_60] {strides = array<i32>} : memref<128x128xf32, #tpu.memory_space<vmem>>, vector<1x16xf32>,
      %swap3A_62 = vector.shape_cast %swap3A_61 : vector<1x16xf32> to vector<16xf32>
      %swap3A_63 = vector.shape_cast %broadcast_in_dim3A_58 : vector<16xf32> to vector<1x16xf32>
      tpu.vector_store %arg8[%swap3A_59, %swap3A_60], %swap3A_63 {strides = array<i32>} : memref<128x128xf32, #tpu.memory_space<vmem>>, vector<1x16xf32>,
      %broadcast_in_dim3A_64 = arith.constant 0.000000e+00 : f32
      %broadcast_in_dim3A_65 = vector.broadcast %broadcast_in_dim3A_64 : f32 to vector<16xf32>
      %swap3A_66 = arith.index_cast %scan3A_43 : i32 to index
      %swap3A_67 = arith.constant 48 : index
      %swap3A_68 = tpu.vector_load %arg8[%swap3A_66, %swap3A_67] {strides = array<i32>} : memref<128x128xf32, #tpu.memory_space<vmem>>, vector<1x16xf32>,
      %swap3A_69 = vector.shape_cast %swap3A_68 : vector<1x16xf32> to vector<16xf32>
      %swap3A_70 = vector.shape_cast %broadcast_in_dim3A_65 : vector<16xf32> to vector<1x16xf32>
      tpu.vector_store %arg8[%swap3A_66, %swap3A_67], %swap3A_70 {strides = array<i32>} : memref<128x128xf32, #tpu.memory_space<vmem>>, vector<1x16xf32>,
      %broadcast_in_dim3A_71 = arith.constant 0.000000e+00 : f32
      %broadcast_in_dim3A_72 = vector.broadcast %broadcast_in_dim3A_71 : f32 to vector<16xf32>
      %swap3A_73 = arith.index_cast %scan3A_43 : i32 to index
      %swap3A_74 = arith.constant 64 : index
      %swap3A_75 = tpu.vector_load %arg8[%swap3A_73, %swap3A_74] {strides = array<i32>} : memref<128x128xf32, #tpu.memory_space<vmem>>, vector<1x16xf32>,
      %swap3A_76 = vector.shape_cast %swap3A_75 : vector<1x16xf32> to vector<16xf32>
      %swap3A_77 = vector.shape_cast %broadcast_in_dim3A_72 : vector<16xf32> to vector<1x16xf32>
      tpu.vector_store %arg8[%swap3A_73, %swap3A_74], %swap3A_77 {strides = array<i32>} : memref<128x128xf32, #tpu.memory_space<vmem>>, vector<1x16xf32>,
      %broadcast_in_dim3A_78 = arith.constant 0.000000e+00 : f32
      %broadcast_in_dim3A_79 = vector.broadcast %broadcast_in_dim3A_78 : f32 to vector<16xf32>
      %swap3A_80 = arith.index_cast %scan3A_43 : i32 to index
      %swap3A_81 = arith.constant 80 : index
      %swap3A_82 = tpu.vector_load %arg8[%swap3A_80, %swap3A_81] {strides = array<i32>} : memref<128x128xf32, #tpu.memory_space<vmem>>, vector<1x16xf32>,
      %swap3A_83 = vector.shape_cast %swap3A_82 : vector<1x16xf32> to vector<16xf32>
      %swap3A_84 = vector.shape_cast %broadcast_in_dim3A_79 : vector<16xf32> to vector<1x16xf32>
      tpu.vector_store %arg8[%swap3A_80, %swap3A_81], %swap3A_84 {strides = array<i32>} : memref<128x128xf32, #tpu.memory_space<vmem>>, vector<1x16xf32>,
      %broadcast_in_dim3A_85 = arith.constant 0.000000e+00 : f32
      %broadcast_in_dim3A_86 = vector.broadcast %broadcast_in_dim3A_85 : f32 to vector<16xf32>
      %swap3A_87 = arith.index_cast %scan3A_43 : i32 to index
      %swap3A_88 = arith.constant 96 : index
      %swap3A_89 = tpu.vector_load %arg8[%swap3A_87, %swap3A_88] {strides = array<i32>} : memref<128x128xf32, #tpu.memory_space<vmem>>, vector<1x16xf32>,
      %swap3A_90 = vector.shape_cast %swap3A_89 : vector<1x16xf32> to vector<16xf32>
      %swap3A_91 = vector.shape_cast %broadcast_in_dim3A_86 : vector<16xf32> to vector<1x16xf32>
      tpu.vector_store %arg8[%swap3A_87, %swap3A_88], %swap3A_91 {strides = array<i32>} : memref<128x128xf32, #tpu.memory_space<vmem>>, vector<1x16xf32>,
      %broadcast_in_dim3A_92 = arith.constant 0.000000e+00 : f32
      %broadcast_in_dim3A_93 = vector.broadcast %broadcast_in_dim3A_92 : f32 to vector<16xf32>
      %swap3A_94 = arith.index_cast %scan3A_43 : i32 to index
      %swap3A_95 = arith.constant 112 : index
      %swap3A_96 = tpu.vector_load %arg8[%swap3A_94, %swap3A_95] {strides = array<i32>} : memref<128x128xf32, #tpu.memory_space<vmem>>, vector<1x16xf32>,
      %swap3A_97 = vector.shape_cast %swap3A_96 : vector<1x16xf32> to vector<16xf32>
      %swap3A_98 = vector.shape_cast %broadcast_in_dim3A_93 : vector<16xf32> to vector<1x16xf32>
      tpu.vector_store %arg8[%swap3A_94, %swap3A_95], %swap3A_98 {strides = array<i32>} : memref<128x128xf32, #tpu.memory_space<vmem>>, vector<1x16xf32>,
      %scan3A_99 = arith.constant 0 : i32
      scf.yield %scan3A_99 : i32
    }
    %scan3A_6 = arith.constant 128 : i32
    %mul3A_7 = arith.constant 640 : i32
    %mul3A_8 = arith.muli %arg1, %mul3A_7 : i32
    %add3A_9 = arith.constant 0 : i32
    %add3A_10 = arith.addi %mul3A_8, %add3A_9 : i32
    "tpu.region"() ({
      %run_scoped3A = tpu.sem_alloc : memref<!tpu.dma_semaphore, #tpu.memory_space<semaphore_mem>>
      %dma_start3A = arith.constant 0 : i32
      %dma_start3A_43 = tpu.memref_slice %arg9[%add3A_10, %dma_start3A] : memref<10240x128xf32, #tpu.memory_space<vmem_shared>> -> memref<128x128xf32, #tpu.memory_space<vmem_shared>>
      %dma_start3A_44 = arith.constant 0 : i32
      %dma_start3A_45 = tpu.memref_slice %arg9[%add3A_10, %dma_start3A_44] : memref<10240x128xf32, #tpu.memory_space<vmem_shared>> -> memref<128x128xf32, #tpu.memory_space<vmem_shared>>
      tpu.enqueue_dma source(%arg8 : memref<128x128xf32, #tpu.memory_space<vmem>>) target(%dma_start3A_45 : memref<128x128xf32, #tpu.memory_space<vmem_shared>>) target_semaphore(%run_scoped3A : memref<!tpu.dma_semaphore, #tpu.memory_space<semaphore_mem>>)
      %dma_wait3A = arith.constant 0 : i32
      %dma_wait3A_46 = tpu.memref_slice %arg9[%add3A_10, %dma_wait3A] : memref<10240x128xf32, #tpu.memory_space<vmem_shared>> -> memref<128x128xf32, #tpu.memory_space<vmem_shared>>
      %dma_wait3A_47 = arith.constant 0 : i32
      %dma_wait3A_48 = tpu.memref_slice %arg9[%add3A_10, %dma_wait3A_47] : memref<10240x128xf32, #tpu.memory_space<vmem_shared>> -> memref<128x128xf32, #tpu.memory_space<vmem_shared>>
      tpu.wait_dma2 semaphore(%run_scoped3A : memref<!tpu.dma_semaphore, #tpu.memory_space<semaphore_mem>>) src(%arg8 : memref<128x128xf32, #tpu.memory_space<vmem>>) dst(%dma_wait3A_48 : memref<128x128xf32, #tpu.memory_space<vmem_shared>>)
      tpu.yield
    }) : () -> ()
    %mul3A_11 = arith.constant 640 : i32
    %mul3A_12 = arith.muli %arg1, %mul3A_11 : i32
    %add3A_13 = arith.constant 128 : i32
    %add3A_14 = arith.addi %mul3A_12, %add3A_13 : i32
    "tpu.region"() ({
      %run_scoped3A = tpu.sem_alloc : memref<!tpu.dma_semaphore, #tpu.memory_space<semaphore_mem>>
      %dma_start3A = arith.constant 0 : i32
      %dma_start3A_43 = tpu.memref_slice %arg9[%add3A_14, %dma_start3A] : memref<10240x128xf32, #tpu.memory_space<vmem_shared>> -> memref<128x128xf32, #tpu.memory_space<vmem_shared>>
      %dma_start3A_44 = arith.constant 0 : i32
      %dma_start3A_45 = tpu.memref_slice %arg9[%add3A_14, %dma_start3A_44] : memref<10240x128xf32, #tpu.memory_space<vmem_shared>> -> memref<128x128xf32, #tpu.memory_space<vmem_shared>>
      tpu.enqueue_dma source(%arg8 : memref<128x128xf32, #tpu.memory_space<vmem>>) target(%dma_start3A_45 : memref<128x128xf32, #tpu.memory_space<vmem_shared>>) target_semaphore(%run_scoped3A : memref<!tpu.dma_semaphore, #tpu.memory_space<semaphore_mem>>)
      %dma_wait3A = arith.constant 0 : i32
      %dma_wait3A_46 = tpu.memref_slice %arg9[%add3A_14, %dma_wait3A] : memref<10240x128xf32, #tpu.memory_space<vmem_shared>> -> memref<128x128xf32, #tpu.memory_space<vmem_shared>>
      %dma_wait3A_47 = arith.constant 0 : i32
      %dma_wait3A_48 = tpu.memref_slice %arg9[%add3A_14, %dma_wait3A_47] : memref<10240x128xf32, #tpu.memory_space<vmem_shared>> -> memref<128x128xf32, #tpu.memory_space<vmem_shared>>
      tpu.wait_dma2 semaphore(%run_scoped3A : memref<!tpu.dma_semaphore, #tpu.memory_space<semaphore_mem>>) src(%arg8 : memref<128x128xf32, #tpu.memory_space<vmem>>) dst(%dma_wait3A_48 : memref<128x128xf32, #tpu.memory_space<vmem_shared>>)
      tpu.yield
    }) : () -> ()
    %mul3A_15 = arith.constant 640 : i32
    %mul3A_16 = arith.muli %arg1, %mul3A_15 : i32
    %add3A_17 = arith.constant 256 : i32
    %add3A_18 = arith.addi %mul3A_16, %add3A_17 : i32
    "tpu.region"() ({
      %run_scoped3A = tpu.sem_alloc : memref<!tpu.dma_semaphore, #tpu.memory_space<semaphore_mem>>
      %dma_start3A = arith.constant 0 : i32
      %dma_start3A_43 = tpu.memref_slice %arg9[%add3A_18, %dma_start3A] : memref<10240x128xf32, #tpu.memory_space<vmem_shared>> -> memref<128x128xf32, #tpu.memory_space<vmem_shared>>
      %dma_start3A_44 = arith.constant 0 : i32
      %dma_start3A_45 = tpu.memref_slice %arg9[%add3A_18, %dma_start3A_44] : memref<10240x128xf32, #tpu.memory_space<vmem_shared>> -> memref<128x128xf32, #tpu.memory_space<vmem_shared>>
      tpu.enqueue_dma source(%arg8 : memref<128x128xf32, #tpu.memory_space<vmem>>) target(%dma_start3A_45 : memref<128x128xf32, #tpu.memory_space<vmem_shared>>) target_semaphore(%run_scoped3A : memref<!tpu.dma_semaphore, #tpu.memory_space<semaphore_mem>>)
      %dma_wait3A = arith.constant 0 : i32
      %dma_wait3A_46 = tpu.memref_slice %arg9[%add3A_18, %dma_wait3A] : memref<10240x128xf32, #tpu.memory_space<vmem_shared>> -> memref<128x128xf32, #tpu.memory_space<vmem_shared>>
      %dma_wait3A_47 = arith.constant 0 : i32
      %dma_wait3A_48 = tpu.memref_slice %arg9[%add3A_18, %dma_wait3A_47] : memref<10240x128xf32, #tpu.memory_space<vmem_shared>> -> memref<128x128xf32, #tpu.memory_space<vmem_shared>>
      tpu.wait_dma2 semaphore(%run_scoped3A : memref<!tpu.dma_semaphore, #tpu.memory_space<semaphore_mem>>) src(%arg8 : memref<128x128xf32, #tpu.memory_space<vmem>>) dst(%dma_wait3A_48 : memref<128x128xf32, #tpu.memory_space<vmem_shared>>)
      tpu.yield
    }) : () -> ()
    %mul3A_19 = arith.constant 640 : i32
    %mul3A_20 = arith.muli %arg1, %mul3A_19 : i32
    %add3A_21 = arith.constant 384 : i32
    %add3A_22 = arith.addi %mul3A_20, %add3A_21 : i32
    "tpu.region"() ({
      %run_scoped3A = tpu.sem_alloc : memref<!tpu.dma_semaphore, #tpu.memory_space<semaphore_mem>>
      %dma_start3A = arith.constant 0 : i32
      %dma_start3A_43 = tpu.memref_slice %arg9[%add3A_22, %dma_start3A] : memref<10240x128xf32, #tpu.memory_space<vmem_shared>> -> memref<128x128xf32, #tpu.memory_space<vmem_shared>>
      %dma_start3A_44 = arith.constant 0 : i32
      %dma_start3A_45 = tpu.memref_slice %arg9[%add3A_22, %dma_start3A_44] : memref<10240x128xf32, #tpu.memory_space<vmem_shared>> -> memref<128x128xf32, #tpu.memory_space<vmem_shared>>
      tpu.enqueue_dma source(%arg8 : memref<128x128xf32, #tpu.memory_space<vmem>>) target(%dma_start3A_45 : memref<128x128xf32, #tpu.memory_space<vmem_shared>>) target_semaphore(%run_scoped3A : memref<!tpu.dma_semaphore, #tpu.memory_space<semaphore_mem>>)
      %dma_wait3A = arith.constant 0 : i32
      %dma_wait3A_46 = tpu.memref_slice %arg9[%add3A_22, %dma_wait3A] : memref<10240x128xf32, #tpu.memory_space<vmem_shared>> -> memref<128x128xf32, #tpu.memory_space<vmem_shared>>
      %dma_wait3A_47 = arith.constant 0 : i32
      %dma_wait3A_48 = tpu.memref_slice %arg9[%add3A_22, %dma_wait3A_47] : memref<10240x128xf32, #tpu.memory_space<vmem_shared>> -> memref<128x128xf32, #tpu.memory_space<vmem_shared>>
      tpu.wait_dma2 semaphore(%run_scoped3A : memref<!tpu.dma_semaphore, #tpu.memory_space<semaphore_mem>>) src(%arg8 : memref<128x128xf32, #tpu.memory_space<vmem>>) dst(%dma_wait3A_48 : memref<128x128xf32, #tpu.memory_space<vmem_shared>>)
      tpu.yield
    }) : () -> ()
    %mul3A_23 = arith.constant 640 : i32
    %mul3A_24 = arith.muli %arg1, %mul3A_23 : i32
    %add3A_25 = arith.constant 512 : i32
    %add3A_26 = arith.addi %mul3A_24, %add3A_25 : i32
    "tpu.region"() ({
      %run_scoped3A = tpu.sem_alloc : memref<!tpu.dma_semaphore, #tpu.memory_space<semaphore_mem>>
      %dma_start3A = arith.constant 0 : i32
      %dma_start3A_43 = tpu.memref_slice %arg9[%add3A_26, %dma_start3A] : memref<10240x128xf32, #tpu.memory_space<vmem_shared>> -> memref<128x128xf32, #tpu.memory_space<vmem_shared>>
      %dma_start3A_44 = arith.constant 0 : i32
      %dma_start3A_45 = tpu.memref_slice %arg9[%add3A_26, %dma_start3A_44] : memref<10240x128xf32, #tpu.memory_space<vmem_shared>> -> memref<128x128xf32, #tpu.memory_space<vmem_shared>>
      tpu.enqueue_dma source(%arg8 : memref<128x128xf32, #tpu.memory_space<vmem>>) target(%dma_start3A_45 : memref<128x128xf32, #tpu.memory_space<vmem_shared>>) target_semaphore(%run_scoped3A : memref<!tpu.dma_semaphore, #tpu.memory_space<semaphore_mem>>)
      %dma_wait3A = arith.constant 0 : i32
      %dma_wait3A_46 = tpu.memref_slice %arg9[%add3A_26, %dma_wait3A] : memref<10240x128xf32, #tpu.memory_space<vmem_shared>> -> memref<128x128xf32, #tpu.memory_space<vmem_shared>>
      %dma_wait3A_47 = arith.constant 0 : i32
      %dma_wait3A_48 = tpu.memref_slice %arg9[%add3A_26, %dma_wait3A_47] : memref<10240x128xf32, #tpu.memory_space<vmem_shared>> -> memref<128x128xf32, #tpu.memory_space<vmem_shared>>
      tpu.wait_dma2 semaphore(%run_scoped3A : memref<!tpu.dma_semaphore, #tpu.memory_space<semaphore_mem>>) src(%arg8 : memref<128x128xf32, #tpu.memory_space<vmem>>) dst(%dma_wait3A_48 : memref<128x128xf32, #tpu.memory_space<vmem_shared>>)
      tpu.yield
    }) : () -> ()
    %barrier3A = arith.constant 0 : index
    tpu.barrier barrier_id(%barrier3A)
    %mul3A_27 = arith.constant 80 : i32
    %mul3A_28 = arith.muli %add3A, %mul3A_27 : i32
    "tpu.region"() ({
      %run_scoped3A = tpu.sem_alloc : memref<!tpu.dma_semaphore, #tpu.memory_space<semaphore_mem>>
      %dma_start3A = arith.constant 0 : i32
      %dma_start3A_43 = tpu.memref_slice %arg3[%mul3A_28, %dma_start3A] : memref<2560x128xi32, #tpu.memory_space<hbm>> -> memref<80x128xi32, #tpu.memory_space<hbm>>
      %dma_start3A_44 = arith.constant 0 : i32
      %dma_start3A_45 = tpu.memref_slice %arg3[%mul3A_28, %dma_start3A_44] : memref<2560x128xi32, #tpu.memory_space<hbm>> -> memref<80x128xi32, #tpu.memory_space<hbm>>
      tpu.enqueue_dma source(%dma_start3A_45 : memref<80x128xi32, #tpu.memory_space<hbm>>) target(%arg6 : memref<80x128xi32, #tpu.memory_space<vmem>>) target_semaphore(%run_scoped3A : memref<!tpu.dma_semaphore, #tpu.memory_space<semaphore_mem>>)
      %dma_wait3A = arith.constant 0 : i32
      %dma_wait3A_46 = tpu.memref_slice %arg3[%mul3A_28, %dma_wait3A] : memref<2560x128xi32, #tpu.memory_space<hbm>> -> memref<80x128xi32, #tpu.memory_space<hbm>>
      %dma_wait3A_47 = arith.constant 0 : i32
      %dma_wait3A_48 = tpu.memref_slice %arg3[%mul3A_28, %dma_wait3A_47] : memref<2560x128xi32, #tpu.memory_space<hbm>> -> memref<80x128xi32, #tpu.memory_space<hbm>>
      tpu.wait_dma2 semaphore(%run_scoped3A : memref<!tpu.dma_semaphore, #tpu.memory_space<semaphore_mem>>) src(%dma_wait3A_48 : memref<80x128xi32, #tpu.memory_space<hbm>>) dst(%arg6 : memref<80x128xi32, #tpu.memory_space<vmem>>)
      tpu.yield
    }) : () -> ()
    %mul3A_29 = arith.constant 80 : i32
    %mul3A_30 = arith.muli %add3A, %mul3A_29 : i32
    "tpu.region"() ({
      %run_scoped3A = tpu.sem_alloc : memref<!tpu.dma_semaphore, #tpu.memory_space<semaphore_mem>>
      %dma_start3A = arith.constant 0 : i32
      %dma_start3A_43 = tpu.memref_slice %arg4[%mul3A_30, %dma_start3A] : memref<2560x128xi32, #tpu.memory_space<hbm>> -> memref<80x128xi32, #tpu.memory_space<hbm>>
      %dma_start3A_44 = arith.constant 0 : i32
      %dma_start3A_45 = tpu.memref_slice %arg4[%mul3A_30, %dma_start3A_44] : memref<2560x128xi32, #tpu.memory_space<hbm>> -> memref<80x128xi32, #tpu.memory_space<hbm>>
      tpu.enqueue_dma source(%dma_start3A_45 : memref<80x128xi32, #tpu.memory_space<hbm>>) target(%arg7 : memref<80x128xi32, #tpu.memory_space<vmem>>) target_semaphore(%run_scoped3A : memref<!tpu.dma_semaphore, #tpu.memory_space<semaphore_mem>>)
      %dma_wait3A = arith.constant 0 : i32
      %dma_wait3A_46 = tpu.memref_slice %arg4[%mul3A_30, %dma_wait3A] : memref<2560x128xi32, #tpu.memory_space<hbm>> -> memref<80x128xi32, #tpu.memory_space<hbm>>
      %dma_wait3A_47 = arith.constant 0 : i32
      %dma_wait3A_48 = tpu.memref_slice %arg4[%mul3A_30, %dma_wait3A_47] : memref<2560x128xi32, #tpu.memory_space<hbm>> -> memref<80x128xi32, #tpu.memory_space<hbm>>
      tpu.wait_dma2 semaphore(%run_scoped3A : memref<!tpu.dma_semaphore, #tpu.memory_space<semaphore_mem>>) src(%dma_wait3A_48 : memref<80x128xi32, #tpu.memory_space<hbm>>) dst(%arg7 : memref<80x128xi32, #tpu.memory_space<vmem>>)
      tpu.yield
    }) : () -> ()
    %scan3A_31 = arith.constant 0 : i32
    %scan3A_32 = arith.constant 0 : i32
    %scan3A_33 = arith.constant 80 : i32
    %scan3A_34 = arith.addi %scan3A_32, %scan3A_33 : i32
    %scan3A_35 = arith.constant 1 : i32
    %scan3A_36 = scf.for %scan3A_43 = %scan3A_32 to %scan3A_34 step %scan3A_35 iter_args(%scan3A_44 = %scan3A_31) -> (i32)  : i32 {
      %dma_start3A = arith.constant 0 : i32
      %dma_start3A_45 = tpu.memref_slice %arg6[%scan3A_43, %dma_start3A] : memref<80x128xi32, #tpu.memory_space<vmem>> -> memref<1x128xi32, #tpu.memory_space<vmem>>
      %dma_start3A_46 = tpu.memref_squeeze %dma_start3A_45 : memref<1x128xi32, #tpu.memory_space<vmem>> -> memref<128xi32, #tpu.memory_space<vmem>>
      %dma_start3A_47 = arith.constant 0 : i32
      %dma_start3A_48 = arith.constant 0 : i32
      %dma_start3A_49 = tpu.memref_slice %arg2[%dma_start3A_47, %dma_start3A_48] : memref<10240x128xf32, #tpu.memory_space<hbm>> -> memref<10240x128xf32, #tpu.memory_space<hbm>>
      tpu.enqueue_indirect_dma source(%dma_start3A_49 : memref<10240x128xf32, #tpu.memory_space<hbm>>) target(%arg8 : memref<128x128xf32, #tpu.memory_space<vmem>>) offsets(%dma_start3A_46 : memref<128xi32, #tpu.memory_space<vmem>>) semaphore(%arg10 : memref<!tpu.dma_semaphore, #tpu.memory_space<semaphore_mem>>)
      %dma_wait3A = arith.constant 0 : i32
      %dma_wait3A_50 = tpu.memref_slice %arg6[%scan3A_43, %dma_wait3A] : memref<80x128xi32, #tpu.memory_space<vmem>> -> memref<1x128xi32, #tpu.memory_space<vmem>>
      %dma_wait3A_51 = tpu.memref_squeeze %dma_wait3A_50 : memref<1x128xi32, #tpu.memory_space<vmem>> -> memref<128xi32, #tpu.memory_space<vmem>>
      %dma_wait3A_52 = arith.constant 0 : i32
      %dma_wait3A_53 = arith.constant 0 : i32
      %dma_wait3A_54 = tpu.memref_slice %arg2[%dma_wait3A_52, %dma_wait3A_53] : memref<10240x128xf32, #tpu.memory_space<hbm>> -> memref<10240x128xf32, #tpu.memory_space<hbm>>
      tpu.wait_indirect_dma semaphore(%arg10 : memref<!tpu.dma_semaphore, #tpu.memory_space<semaphore_mem>>) src(%dma_wait3A_54 : memref<10240x128xf32, #tpu.memory_space<hbm>>) dst(%arg8 : memref<128x128xf32, #tpu.memory_space<vmem>>)
      "tpu.region"() ({
        %run_scoped3A = tpu.sem_alloc : memref<!tpu.dma_semaphore, #tpu.memory_space<semaphore_mem>>
        %dma_start3A_56 = arith.constant 0 : i32
        %dma_start3A_57 = tpu.memref_slice %arg7[%scan3A_43, %dma_start3A_56] : memref<80x128xi32, #tpu.memory_space<vmem>> -> memref<1x128xi32, #tpu.memory_space<vmem>>
        %dma_start3A_58 = tpu.memref_squeeze %dma_start3A_57 : memref<1x128xi32, #tpu.memory_space<vmem>> -> memref<128xi32, #tpu.memory_space<vmem>>
        %dma_start3A_59 = arith.constant 0 : i32
        %dma_start3A_60 = arith.constant 0 : i32
        %dma_start3A_61 = tpu.memref_slice %arg9[%dma_start3A_59, %dma_start3A_60] : memref<10240x128xf32, #tpu.memory_space<vmem_shared>> -> memref<10240x128xf32, #tpu.memory_space<vmem_shared>>
        tpu.enqueue_indirect_dma source(%arg8 : memref<128x128xf32, #tpu.memory_space<vmem>>) target(%dma_start3A_61 : memref<10240x128xf32, #tpu.memory_space<vmem_shared>>) offsets(%dma_start3A_58 : memref<128xi32, #tpu.memory_space<vmem>>) semaphore(%run_scoped3A : memref<!tpu.dma_semaphore, #tpu.memory_space<semaphore_mem>>) {add = true}
        %dma_wait3A_62 = arith.constant 0 : i32
        %dma_wait3A_63 = tpu.memref_slice %arg7[%scan3A_43, %dma_wait3A_62] : memref<80x128xi32, #tpu.memory_space<vmem>> -> memref<1x128xi32, #tpu.memory_space<vmem>>
        %dma_wait3A_64 = tpu.memref_squeeze %dma_wait3A_63 : memref<1x128xi32, #tpu.memory_space<vmem>> -> memref<128xi32, #tpu.memory_space<vmem>>
        %dma_wait3A_65 = arith.constant 0 : i32
        %dma_wait3A_66 = arith.constant 0 : i32
        %dma_wait3A_67 = tpu.memref_slice %arg9[%dma_wait3A_65, %dma_wait3A_66] : memref<10240x128xf32, #tpu.memory_space<vmem_shared>> -> memref<10240x128xf32, #tpu.memory_space<vmem_shared>>
        tpu.wait_indirect_dma semaphore(%run_scoped3A : memref<!tpu.dma_semaphore, #tpu.memory_space<semaphore_mem>>) src(%arg8 : memref<128x128xf32, #tpu.memory_space<vmem>>) dst(%dma_wait3A_67 : memref<10240x128xf32, #tpu.memory_space<vmem_shared>>)
        tpu.yield
      }) : () -> ()
      %scan3A_55 = arith.constant 0 : i32
      scf.yield %scan3A_55 : i32
    }
    %scan3A_37 = arith.constant 80 : i32
    %barrier3A_38 = arith.constant 0 : index
    tpu.barrier barrier_id(%barrier3A_38)
    %mul3A_39 = arith.constant 640 : i32
    %mul3A_40 = arith.muli %arg1, %mul3A_39 : i32
    %mul3A_41 = arith.constant 640 : i32
    %mul3A_42 = arith.muli %arg1, %mul3A_41 : i32
    "tpu.region"() ({
      %run_scoped3A = tpu.sem_alloc : memref<!tpu.dma_semaphore, #tpu.memory_space<semaphore_mem>>
      %dma_start3A = arith.constant 0 : i32
      %dma_start3A_43 = tpu.memref_slice %arg5[%arg0, %mul3A_42, %dma_start3A] : memref<2x10240x128xf32, #tpu.memory_space<hbm>> -> memref<1x640x128xf32, #tpu.memory_space<hbm>>
      %dma_start3A_44 = tpu.memref_squeeze %dma_start3A_43 : memref<1x640x128xf32, #tpu.memory_space<hbm>> -> memref<640x128xf32, #tpu.memory_space<hbm>>
      %dma_start3A_45 = arith.constant 0 : i32
      %dma_start3A_46 = tpu.memref_slice %arg9[%mul3A_40, %dma_start3A_45] : memref<10240x128xf32, #tpu.memory_space<vmem_shared>> -> memref<640x128xf32, #tpu.memory_space<vmem_shared>>
      tpu.enqueue_dma source(%dma_start3A_46 : memref<640x128xf32, #tpu.memory_space<vmem_shared>>) target(%dma_start3A_44 : memref<640x128xf32, #tpu.memory_space<hbm>>) target_semaphore(%run_scoped3A : memref<!tpu.dma_semaphore, #tpu.memory_space<semaphore_mem>>)
      %dma_wait3A = arith.constant 0 : i32
      %dma_wait3A_47 = tpu.memref_slice %arg5[%arg0, %mul3A_42, %dma_wait3A] : memref<2x10240x128xf32, #tpu.memory_space<hbm>> -> memref<1x640x128xf32, #tpu.memory_space<hbm>>
      %dma_wait3A_48 = tpu.memref_squeeze %dma_wait3A_47 : memref<1x640x128xf32, #tpu.memory_space<hbm>> -> memref<640x128xf32, #tpu.memory_space<hbm>>
      %dma_wait3A_49 = arith.constant 0 : i32
      %dma_wait3A_50 = tpu.memref_slice %arg9[%mul3A_40, %dma_wait3A_49] : memref<10240x128xf32, #tpu.memory_space<vmem_shared>> -> memref<640x128xf32, #tpu.memory_space<vmem_shared>>
      tpu.wait_dma2 semaphore(%run_scoped3A : memref<!tpu.dma_semaphore, #tpu.memory_space<semaphore_mem>>) src(%dma_wait3A_50 : memref<640x128xf32, #tpu.memory_space<vmem_shared>>) dst(%dma_wait3A_48 : memref<640x128xf32, #tpu.memory_space<hbm>>)
      tpu.yield
    }) : () -> ()
    return
  }
}

#map = affine_map<(d0, d1) -> (0, 0)>
#map1 = affine_map<(d0, d1) -> (0, 0, 0)>
module attributes {stable_mosaic.version = 14 : i64} {
  func.func @_deg_body(%arg0: i32, %arg1: i32, %arg2: memref<2560x128xi32, #tpu.memory_space<hbm>>, %arg3: memref<2560x128xi32, #tpu.memory_space<hbm>>, %arg4: memref<2x2x10240xf32, #tpu.memory_space<hbm>>, %arg5: memref<80x128xi32, #tpu.memory_space<vmem>>, %arg6: memref<80x128xi32, #tpu.memory_space<vmem>>, %arg7: memref<128xf32, #tpu.memory_space<vmem>>, %arg8: memref<640xf32, #tpu.memory_space<vmem>>, %arg9: memref<10240xf32, #tpu.memory_space<vmem_shared>>, %arg10: memref<10240xf32, #tpu.memory_space<vmem_shared>>) attributes {dimension_semantics = [#tpu.dimension_semantics<core_parallel>, #tpu.dimension_semantics<subcore_parallel>], iteration_bounds = array<i64: 2, 16>, scalar_prefetch = 0 : i64, scratch_operands = 6 : i64, tpu.core_type = #tpu.core_type<sc_vector_subcore>, window_params = [{transform_indices = #map}, {transform_indices = #map}, {transform_indices = #map1}]} {
    %mul3A = arith.constant 16 : i32
    %mul3A_0 = arith.muli %arg0, %mul3A : i32
    %add3A = arith.addi %mul3A_0, %arg1 : i32
    %broadcast_in_dim3A = arith.constant 1.000000e+00 : f32
    %broadcast_in_dim3A_1 = vector.broadcast %broadcast_in_dim3A : f32 to vector<16xf32>
    %swap3A = arith.constant 0 : index
    %swap3A_2 = tpu.vector_load %arg7[%swap3A] {strides = array<i32>} : memref<128xf32, #tpu.memory_space<vmem>>, vector<16xf32>,
    %swap3A_3 = vector.shape_cast %swap3A_2 : vector<16xf32> to vector<16xf32>
    %swap3A_4 = vector.shape_cast %broadcast_in_dim3A_1 : vector<16xf32> to vector<16xf32>
    tpu.vector_store %arg7[%swap3A], %swap3A_4 {strides = array<i32>} : memref<128xf32, #tpu.memory_space<vmem>>, vector<16xf32>,
    %broadcast_in_dim3A_5 = arith.constant 1.000000e+00 : f32
    %broadcast_in_dim3A_6 = vector.broadcast %broadcast_in_dim3A_5 : f32 to vector<16xf32>
    %swap3A_7 = arith.constant 16 : index
    %swap3A_8 = tpu.vector_load %arg7[%swap3A_7] {strides = array<i32>} : memref<128xf32, #tpu.memory_space<vmem>>, vector<16xf32>,
    %swap3A_9 = vector.shape_cast %swap3A_8 : vector<16xf32> to vector<16xf32>
    %swap3A_10 = vector.shape_cast %broadcast_in_dim3A_6 : vector<16xf32> to vector<16xf32>
    tpu.vector_store %arg7[%swap3A_7], %swap3A_10 {strides = array<i32>} : memref<128xf32, #tpu.memory_space<vmem>>, vector<16xf32>,
    %broadcast_in_dim3A_11 = arith.constant 1.000000e+00 : f32
    %broadcast_in_dim3A_12 = vector.broadcast %broadcast_in_dim3A_11 : f32 to vector<16xf32>
    %swap3A_13 = arith.constant 32 : index
    %swap3A_14 = tpu.vector_load %arg7[%swap3A_13] {strides = array<i32>} : memref<128xf32, #tpu.memory_space<vmem>>, vector<16xf32>,
    %swap3A_15 = vector.shape_cast %swap3A_14 : vector<16xf32> to vector<16xf32>
    %swap3A_16 = vector.shape_cast %broadcast_in_dim3A_12 : vector<16xf32> to vector<16xf32>
    tpu.vector_store %arg7[%swap3A_13], %swap3A_16 {strides = array<i32>} : memref<128xf32, #tpu.memory_space<vmem>>, vector<16xf32>,
    %broadcast_in_dim3A_17 = arith.constant 1.000000e+00 : f32
    %broadcast_in_dim3A_18 = vector.broadcast %broadcast_in_dim3A_17 : f32 to vector<16xf32>
    %swap3A_19 = arith.constant 48 : index
    %swap3A_20 = tpu.vector_load %arg7[%swap3A_19] {strides = array<i32>} : memref<128xf32, #tpu.memory_space<vmem>>, vector<16xf32>,
    %swap3A_21 = vector.shape_cast %swap3A_20 : vector<16xf32> to vector<16xf32>
    %swap3A_22 = vector.shape_cast %broadcast_in_dim3A_18 : vector<16xf32> to vector<16xf32>
    tpu.vector_store %arg7[%swap3A_19], %swap3A_22 {strides = array<i32>} : memref<128xf32, #tpu.memory_space<vmem>>, vector<16xf32>,
    %broadcast_in_dim3A_23 = arith.constant 1.000000e+00 : f32
    %broadcast_in_dim3A_24 = vector.broadcast %broadcast_in_dim3A_23 : f32 to vector<16xf32>
    %swap3A_25 = arith.constant 64 : index
    %swap3A_26 = tpu.vector_load %arg7[%swap3A_25] {strides = array<i32>} : memref<128xf32, #tpu.memory_space<vmem>>, vector<16xf32>,
    %swap3A_27 = vector.shape_cast %swap3A_26 : vector<16xf32> to vector<16xf32>
    %swap3A_28 = vector.shape_cast %broadcast_in_dim3A_24 : vector<16xf32> to vector<16xf32>
    tpu.vector_store %arg7[%swap3A_25], %swap3A_28 {strides = array<i32>} : memref<128xf32, #tpu.memory_space<vmem>>, vector<16xf32>,
    %broadcast_in_dim3A_29 = arith.constant 1.000000e+00 : f32
    %broadcast_in_dim3A_30 = vector.broadcast %broadcast_in_dim3A_29 : f32 to vector<16xf32>
    %swap3A_31 = arith.constant 80 : index
    %swap3A_32 = tpu.vector_load %arg7[%swap3A_31] {strides = array<i32>} : memref<128xf32, #tpu.memory_space<vmem>>, vector<16xf32>,
    %swap3A_33 = vector.shape_cast %swap3A_32 : vector<16xf32> to vector<16xf32>
    %swap3A_34 = vector.shape_cast %broadcast_in_dim3A_30 : vector<16xf32> to vector<16xf32>
    tpu.vector_store %arg7[%swap3A_31], %swap3A_34 {strides = array<i32>} : memref<128xf32, #tpu.memory_space<vmem>>, vector<16xf32>,
    %broadcast_in_dim3A_35 = arith.constant 1.000000e+00 : f32
    %broadcast_in_dim3A_36 = vector.broadcast %broadcast_in_dim3A_35 : f32 to vector<16xf32>
    %swap3A_37 = arith.constant 96 : index
    %swap3A_38 = tpu.vector_load %arg7[%swap3A_37] {strides = array<i32>} : memref<128xf32, #tpu.memory_space<vmem>>, vector<16xf32>,
    %swap3A_39 = vector.shape_cast %swap3A_38 : vector<16xf32> to vector<16xf32>
    %swap3A_40 = vector.shape_cast %broadcast_in_dim3A_36 : vector<16xf32> to vector<16xf32>
    tpu.vector_store %arg7[%swap3A_37], %swap3A_40 {strides = array<i32>} : memref<128xf32, #tpu.memory_space<vmem>>, vector<16xf32>,
    %broadcast_in_dim3A_41 = arith.constant 1.000000e+00 : f32
    %broadcast_in_dim3A_42 = vector.broadcast %broadcast_in_dim3A_41 : f32 to vector<16xf32>
    %swap3A_43 = arith.constant 112 : index
    %swap3A_44 = tpu.vector_load %arg7[%swap3A_43] {strides = array<i32>} : memref<128xf32, #tpu.memory_space<vmem>>, vector<16xf32>,
    %swap3A_45 = vector.shape_cast %swap3A_44 : vector<16xf32> to vector<16xf32>
    %swap3A_46 = vector.shape_cast %broadcast_in_dim3A_42 : vector<16xf32> to vector<16xf32>
    tpu.vector_store %arg7[%swap3A_43], %swap3A_46 {strides = array<i32>} : memref<128xf32, #tpu.memory_space<vmem>>, vector<16xf32>,
    %scan3A = arith.constant 0 : i32
    %scan3A_47 = arith.constant 0 : i32
    %scan3A_48 = arith.constant 40 : i32
    %scan3A_49 = arith.addi %scan3A_47, %scan3A_48 : i32
    %scan3A_50 = arith.constant 1 : i32
    %scan3A_51 = scf.for %scan3A_78 = %scan3A_47 to %scan3A_49 step %scan3A_50 iter_args(%scan3A_79 = %scan3A) -> (i32)  : i32 {
      %broadcast_in_dim3A_80 = arith.constant 0.000000e+00 : f32
      %broadcast_in_dim3A_81 = vector.broadcast %broadcast_in_dim3A_80 : f32 to vector<16xf32>
      %mul3A_82 = arith.constant 16 : i32
      %mul3A_83 = arith.muli %scan3A_78, %mul3A_82 : i32
      %swap3A_84 = arith.index_cast %mul3A_83 : i32 to index
      %swap3A_85 = tpu.vector_load %arg8[%swap3A_84] {strides = array<i32>} : memref<640xf32, #tpu.memory_space<vmem>>, vector<16xf32>,
      %swap3A_86 = vector.shape_cast %swap3A_85 : vector<16xf32> to vector<16xf32>
      %swap3A_87 = vector.shape_cast %broadcast_in_dim3A_81 : vector<16xf32> to vector<16xf32>
      tpu.vector_store %arg8[%swap3A_84], %swap3A_87 {strides = array<i32>} : memref<640xf32, #tpu.memory_space<vmem>>, vector<16xf32>,
      %scan3A_88 = arith.constant 0 : i32
      scf.yield %scan3A_88 : i32
    }
    %scan3A_52 = arith.constant 40 : i32
    %mul3A_53 = arith.constant 640 : i32
    %mul3A_54 = arith.muli %arg1, %mul3A_53 : i32
    "tpu.region"() ({
      %run_scoped3A_78 = tpu.sem_alloc : memref<!tpu.dma_semaphore, #tpu.memory_space<semaphore_mem>>
      %dma_start3A = tpu.memref_slice %arg9[%mul3A_54] : memref<10240xf32, #tpu.memory_space<vmem_shared>> -> memref<640xf32, #tpu.memory_space<vmem_shared>>
      %dma_start3A_79 = tpu.memref_slice %arg9[%mul3A_54] : memref<10240xf32, #tpu.memory_space<vmem_shared>> -> memref<640xf32, #tpu.memory_space<vmem_shared>>
      tpu.enqueue_dma source(%arg8 : memref<640xf32, #tpu.memory_space<vmem>>) target(%dma_start3A_79 : memref<640xf32, #tpu.memory_space<vmem_shared>>) target_semaphore(%run_scoped3A_78 : memref<!tpu.dma_semaphore, #tpu.memory_space<semaphore_mem>>)
      %dma_wait3A = tpu.memref_slice %arg9[%mul3A_54] : memref<10240xf32, #tpu.memory_space<vmem_shared>> -> memref<640xf32, #tpu.memory_space<vmem_shared>>
      %dma_wait3A_80 = tpu.memref_slice %arg9[%mul3A_54] : memref<10240xf32, #tpu.memory_space<vmem_shared>> -> memref<640xf32, #tpu.memory_space<vmem_shared>>
      tpu.wait_dma2 semaphore(%run_scoped3A_78 : memref<!tpu.dma_semaphore, #tpu.memory_space<semaphore_mem>>) src(%arg8 : memref<640xf32, #tpu.memory_space<vmem>>) dst(%dma_wait3A_80 : memref<640xf32, #tpu.memory_space<vmem_shared>>)
      tpu.yield
    }) : () -> ()
    %mul3A_55 = arith.constant 640 : i32
    %mul3A_56 = arith.muli %arg1, %mul3A_55 : i32
    "tpu.region"() ({
      %run_scoped3A_78 = tpu.sem_alloc : memref<!tpu.dma_semaphore, #tpu.memory_space<semaphore_mem>>
      %dma_start3A = tpu.memref_slice %arg10[%mul3A_56] : memref<10240xf32, #tpu.memory_space<vmem_shared>> -> memref<640xf32, #tpu.memory_space<vmem_shared>>
      %dma_start3A_79 = tpu.memref_slice %arg10[%mul3A_56] : memref<10240xf32, #tpu.memory_space<vmem_shared>> -> memref<640xf32, #tpu.memory_space<vmem_shared>>
      tpu.enqueue_dma source(%arg8 : memref<640xf32, #tpu.memory_space<vmem>>) target(%dma_start3A_79 : memref<640xf32, #tpu.memory_space<vmem_shared>>) target_semaphore(%run_scoped3A_78 : memref<!tpu.dma_semaphore, #tpu.memory_space<semaphore_mem>>)
      %dma_wait3A = tpu.memref_slice %arg10[%mul3A_56] : memref<10240xf32, #tpu.memory_space<vmem_shared>> -> memref<640xf32, #tpu.memory_space<vmem_shared>>
      %dma_wait3A_80 = tpu.memref_slice %arg10[%mul3A_56] : memref<10240xf32, #tpu.memory_space<vmem_shared>> -> memref<640xf32, #tpu.memory_space<vmem_shared>>
      tpu.wait_dma2 semaphore(%run_scoped3A_78 : memref<!tpu.dma_semaphore, #tpu.memory_space<semaphore_mem>>) src(%arg8 : memref<640xf32, #tpu.memory_space<vmem>>) dst(%dma_wait3A_80 : memref<640xf32, #tpu.memory_space<vmem_shared>>)
      tpu.yield
    }) : () -> ()
    %barrier3A = arith.constant 0 : index
    tpu.barrier barrier_id(%barrier3A)
    %mul3A_57 = arith.constant 80 : i32
    %mul3A_58 = arith.muli %add3A, %mul3A_57 : i32
    "tpu.region"() ({
      %run_scoped3A_78 = tpu.sem_alloc : memref<!tpu.dma_semaphore, #tpu.memory_space<semaphore_mem>>
      %dma_start3A = arith.constant 0 : i32
      %dma_start3A_79 = tpu.memref_slice %arg2[%mul3A_58, %dma_start3A] : memref<2560x128xi32, #tpu.memory_space<hbm>> -> memref<80x128xi32, #tpu.memory_space<hbm>>
      %dma_start3A_80 = arith.constant 0 : i32
      %dma_start3A_81 = tpu.memref_slice %arg2[%mul3A_58, %dma_start3A_80] : memref<2560x128xi32, #tpu.memory_space<hbm>> -> memref<80x128xi32, #tpu.memory_space<hbm>>
      tpu.enqueue_dma source(%dma_start3A_81 : memref<80x128xi32, #tpu.memory_space<hbm>>) target(%arg5 : memref<80x128xi32, #tpu.memory_space<vmem>>) target_semaphore(%run_scoped3A_78 : memref<!tpu.dma_semaphore, #tpu.memory_space<semaphore_mem>>)
      %dma_wait3A = arith.constant 0 : i32
      %dma_wait3A_82 = tpu.memref_slice %arg2[%mul3A_58, %dma_wait3A] : memref<2560x128xi32, #tpu.memory_space<hbm>> -> memref<80x128xi32, #tpu.memory_space<hbm>>
      %dma_wait3A_83 = arith.constant 0 : i32
      %dma_wait3A_84 = tpu.memref_slice %arg2[%mul3A_58, %dma_wait3A_83] : memref<2560x128xi32, #tpu.memory_space<hbm>> -> memref<80x128xi32, #tpu.memory_space<hbm>>
      tpu.wait_dma2 semaphore(%run_scoped3A_78 : memref<!tpu.dma_semaphore, #tpu.memory_space<semaphore_mem>>) src(%dma_wait3A_84 : memref<80x128xi32, #tpu.memory_space<hbm>>) dst(%arg5 : memref<80x128xi32, #tpu.memory_space<vmem>>)
      tpu.yield
    }) : () -> ()
    %mul3A_59 = arith.constant 80 : i32
    %mul3A_60 = arith.muli %add3A, %mul3A_59 : i32
    "tpu.region"() ({
      %run_scoped3A_78 = tpu.sem_alloc : memref<!tpu.dma_semaphore, #tpu.memory_space<semaphore_mem>>
      %dma_start3A = arith.constant 0 : i32
      %dma_start3A_79 = tpu.memref_slice %arg3[%mul3A_60, %dma_start3A] : memref<2560x128xi32, #tpu.memory_space<hbm>> -> memref<80x128xi32, #tpu.memory_space<hbm>>
      %dma_start3A_80 = arith.constant 0 : i32
      %dma_start3A_81 = tpu.memref_slice %arg3[%mul3A_60, %dma_start3A_80] : memref<2560x128xi32, #tpu.memory_space<hbm>> -> memref<80x128xi32, #tpu.memory_space<hbm>>
      tpu.enqueue_dma source(%dma_start3A_81 : memref<80x128xi32, #tpu.memory_space<hbm>>) target(%arg6 : memref<80x128xi32, #tpu.memory_space<vmem>>) target_semaphore(%run_scoped3A_78 : memref<!tpu.dma_semaphore, #tpu.memory_space<semaphore_mem>>)
      %dma_wait3A = arith.constant 0 : i32
      %dma_wait3A_82 = tpu.memref_slice %arg3[%mul3A_60, %dma_wait3A] : memref<2560x128xi32, #tpu.memory_space<hbm>> -> memref<80x128xi32, #tpu.memory_space<hbm>>
      %dma_wait3A_83 = arith.constant 0 : i32
      %dma_wait3A_84 = tpu.memref_slice %arg3[%mul3A_60, %dma_wait3A_83] : memref<2560x128xi32, #tpu.memory_space<hbm>> -> memref<80x128xi32, #tpu.memory_space<hbm>>
      tpu.wait_dma2 semaphore(%run_scoped3A_78 : memref<!tpu.dma_semaphore, #tpu.memory_space<semaphore_mem>>) src(%dma_wait3A_84 : memref<80x128xi32, #tpu.memory_space<hbm>>) dst(%arg6 : memref<80x128xi32, #tpu.memory_space<vmem>>)
      tpu.yield
    }) : () -> ()
    %scan3A_61 = arith.constant 0 : i32
    %scan3A_62 = arith.constant 0 : i32
    %scan3A_63 = arith.constant 80 : i32
    %scan3A_64 = arith.addi %scan3A_62, %scan3A_63 : i32
    %scan3A_65 = arith.constant 1 : i32
    %scan3A_66 = scf.for %scan3A_78 = %scan3A_62 to %scan3A_64 step %scan3A_65 iter_args(%scan3A_79 = %scan3A_61) -> (i32)  : i32 {
      "tpu.region"() ({
        %run_scoped3A_81 = tpu.sem_alloc : memref<!tpu.dma_semaphore, #tpu.memory_space<semaphore_mem>>
        %dma_start3A = arith.constant 0 : i32
        %dma_start3A_82 = tpu.memref_slice %arg5[%scan3A_78, %dma_start3A] : memref<80x128xi32, #tpu.memory_space<vmem>> -> memref<1x128xi32, #tpu.memory_space<vmem>>
        %dma_start3A_83 = tpu.memref_squeeze %dma_start3A_82 : memref<1x128xi32, #tpu.memory_space<vmem>> -> memref<128xi32, #tpu.memory_space<vmem>>
        %dma_start3A_84 = arith.constant 0 : i32
        %dma_start3A_85 = tpu.memref_slice %arg9[%dma_start3A_84] : memref<10240xf32, #tpu.memory_space<vmem_shared>> -> memref<10240xf32, #tpu.memory_space<vmem_shared>>
        tpu.enqueue_indirect_dma source(%arg7 : memref<128xf32, #tpu.memory_space<vmem>>) target(%dma_start3A_85 : memref<10240xf32, #tpu.memory_space<vmem_shared>>) offsets(%dma_start3A_83 : memref<128xi32, #tpu.memory_space<vmem>>) semaphore(%run_scoped3A_81 : memref<!tpu.dma_semaphore, #tpu.memory_space<semaphore_mem>>) {add = true}
        %dma_wait3A = arith.constant 0 : i32
        %dma_wait3A_86 = tpu.memref_slice %arg5[%scan3A_78, %dma_wait3A] : memref<80x128xi32, #tpu.memory_space<vmem>> -> memref<1x128xi32, #tpu.memory_space<vmem>>
        %dma_wait3A_87 = tpu.memref_squeeze %dma_wait3A_86 : memref<1x128xi32, #tpu.memory_space<vmem>> -> memref<128xi32, #tpu.memory_space<vmem>>
        %dma_wait3A_88 = arith.constant 0 : i32
        %dma_wait3A_89 = tpu.memref_slice %arg9[%dma_wait3A_88] : memref<10240xf32, #tpu.memory_space<vmem_shared>> -> memref<10240xf32, #tpu.memory_space<vmem_shared>>
        tpu.wait_indirect_dma semaphore(%run_scoped3A_81 : memref<!tpu.dma_semaphore, #tpu.memory_space<semaphore_mem>>) src(%arg7 : memref<128xf32, #tpu.memory_space<vmem>>) dst(%dma_wait3A_89 : memref<10240xf32, #tpu.memory_space<vmem_shared>>)
        tpu.yield
      }) : () -> ()
      "tpu.region"() ({
        %run_scoped3A_81 = tpu.sem_alloc : memref<!tpu.dma_semaphore, #tpu.memory_space<semaphore_mem>>
        %dma_start3A = arith.constant 0 : i32
        %dma_start3A_82 = tpu.memref_slice %arg6[%scan3A_78, %dma_start3A] : memref<80x128xi32, #tpu.memory_space<vmem>> -> memref<1x128xi32, #tpu.memory_space<vmem>>
        %dma_start3A_83 = tpu.memref_squeeze %dma_start3A_82 : memref<1x128xi32, #tpu.memory_space<vmem>> -> memref<128xi32, #tpu.memory_space<vmem>>
        %dma_start3A_84 = arith.constant 0 : i32
        %dma_start3A_85 = tpu.memref_slice %arg10[%dma_start3A_84] : memref<10240xf32, #tpu.memory_space<vmem_shared>> -> memref<10240xf32, #tpu.memory_space<vmem_shared>>
        tpu.enqueue_indirect_dma source(%arg7 : memref<128xf32, #tpu.memory_space<vmem>>) target(%dma_start3A_85 : memref<10240xf32, #tpu.memory_space<vmem_shared>>) offsets(%dma_start3A_83 : memref<128xi32, #tpu.memory_space<vmem>>) semaphore(%run_scoped3A_81 : memref<!tpu.dma_semaphore, #tpu.memory_space<semaphore_mem>>) {add = true}
        %dma_wait3A = arith.constant 0 : i32
        %dma_wait3A_86 = tpu.memref_slice %arg6[%scan3A_78, %dma_wait3A] : memref<80x128xi32, #tpu.memory_space<vmem>> -> memref<1x128xi32, #tpu.memory_space<vmem>>
        %dma_wait3A_87 = tpu.memref_squeeze %dma_wait3A_86 : memref<1x128xi32, #tpu.memory_space<vmem>> -> memref<128xi32, #tpu.memory_space<vmem>>
        %dma_wait3A_88 = arith.constant 0 : i32
        %dma_wait3A_89 = tpu.memref_slice %arg10[%dma_wait3A_88] : memref<10240xf32, #tpu.memory_space<vmem_shared>> -> memref<10240xf32, #tpu.memory_space<vmem_shared>>
        tpu.wait_indirect_dma semaphore(%run_scoped3A_81 : memref<!tpu.dma_semaphore, #tpu.memory_space<semaphore_mem>>) src(%arg7 : memref<128xf32, #tpu.memory_space<vmem>>) dst(%dma_wait3A_89 : memref<10240xf32, #tpu.memory_space<vmem_shared>>)
        tpu.yield
      }) : () -> ()
      %scan3A_80 = arith.constant 0 : i32
      scf.yield %scan3A_80 : i32
    }
    %scan3A_67 = arith.constant 80 : i32
    %barrier3A_68 = arith.constant 0 : index
    tpu.barrier barrier_id(%barrier3A_68)
    %mul3A_69 = arith.constant 640 : i32
    %mul3A_70 = arith.muli %arg1, %mul3A_69 : i32
    %mul3A_71 = arith.constant 640 : i32
    %mul3A_72 = arith.muli %arg1, %mul3A_71 : i32
    %run_scoped3A = arith.constant 0 : i32
    "tpu.region"() ({
      %run_scoped3A_78 = tpu.sem_alloc : memref<!tpu.dma_semaphore, #tpu.memory_space<semaphore_mem>>
      %dma_start3A = tpu.memref_slice %arg4[%arg0, %run_scoped3A, %mul3A_72] : memref<2x2x10240xf32, #tpu.memory_space<hbm>> -> memref<1x1x640xf32, #tpu.memory_space<hbm>>
      %dma_start3A_79 = tpu.memref_squeeze %dma_start3A : memref<1x1x640xf32, #tpu.memory_space<hbm>> -> memref<640xf32, #tpu.memory_space<hbm>>
      %dma_start3A_80 = tpu.memref_slice %arg9[%mul3A_70] : memref<10240xf32, #tpu.memory_space<vmem_shared>> -> memref<640xf32, #tpu.memory_space<vmem_shared>>
      tpu.enqueue_dma source(%dma_start3A_80 : memref<640xf32, #tpu.memory_space<vmem_shared>>) target(%dma_start3A_79 : memref<640xf32, #tpu.memory_space<hbm>>) target_semaphore(%run_scoped3A_78 : memref<!tpu.dma_semaphore, #tpu.memory_space<semaphore_mem>>)
      %dma_wait3A = tpu.memref_slice %arg4[%arg0, %run_scoped3A, %mul3A_72] : memref<2x2x10240xf32, #tpu.memory_space<hbm>> -> memref<1x1x640xf32, #tpu.memory_space<hbm>>
      %dma_wait3A_81 = tpu.memref_squeeze %dma_wait3A : memref<1x1x640xf32, #tpu.memory_space<hbm>> -> memref<640xf32, #tpu.memory_space<hbm>>
      %dma_wait3A_82 = tpu.memref_slice %arg9[%mul3A_70] : memref<10240xf32, #tpu.memory_space<vmem_shared>> -> memref<640xf32, #tpu.memory_space<vmem_shared>>
      tpu.wait_dma2 semaphore(%run_scoped3A_78 : memref<!tpu.dma_semaphore, #tpu.memory_space<semaphore_mem>>) src(%dma_wait3A_82 : memref<640xf32, #tpu.memory_space<vmem_shared>>) dst(%dma_wait3A_81 : memref<640xf32, #tpu.memory_space<hbm>>)
      tpu.yield
    }) : () -> ()
    %mul3A_73 = arith.constant 640 : i32
    %mul3A_74 = arith.muli %arg1, %mul3A_73 : i32
    %mul3A_75 = arith.constant 640 : i32
    %mul3A_76 = arith.muli %arg1, %mul3A_75 : i32
    %run_scoped3A_77 = arith.constant 1 : i32
    "tpu.region"() ({
      %run_scoped3A_78 = tpu.sem_alloc : memref<!tpu.dma_semaphore, #tpu.memory_space<semaphore_mem>>
      %dma_start3A = tpu.memref_slice %arg4[%arg0, %run_scoped3A_77, %mul3A_76] : memref<2x2x10240xf32, #tpu.memory_space<hbm>> -> memref<1x1x640xf32, #tpu.memory_space<hbm>>
      %dma_start3A_79 = tpu.memref_squeeze %dma_start3A : memref<1x1x640xf32, #tpu.memory_space<hbm>> -> memref<640xf32, #tpu.memory_space<hbm>>
      %dma_start3A_80 = tpu.memref_slice %arg10[%mul3A_74] : memref<10240xf32, #tpu.memory_space<vmem_shared>> -> memref<640xf32, #tpu.memory_space<vmem_shared>>
      tpu.enqueue_dma source(%dma_start3A_80 : memref<640xf32, #tpu.memory_space<vmem_shared>>) target(%dma_start3A_79 : memref<640xf32, #tpu.memory_space<hbm>>) target_semaphore(%run_scoped3A_78 : memref<!tpu.dma_semaphore, #tpu.memory_space<semaphore_mem>>)
      %dma_wait3A = tpu.memref_slice %arg4[%arg0, %run_scoped3A_77, %mul3A_76] : memref<2x2x10240xf32, #tpu.memory_space<hbm>> -> memref<1x1x640xf32, #tpu.memory_space<hbm>>
      %dma_wait3A_81 = tpu.memref_squeeze %dma_wait3A : memref<1x1x640xf32, #tpu.memory_space<hbm>> -> memref<640xf32, #tpu.memory_space<hbm>>
      %dma_wait3A_82 = tpu.memref_slice %arg10[%mul3A_74] : memref<10240xf32, #tpu.memory_space<vmem_shared>> -> memref<640xf32, #tpu.memory_space<vmem_shared>>
      tpu.wait_dma2 semaphore(%run_scoped3A_78 : memref<!tpu.dma_semaphore, #tpu.memory_space<semaphore_mem>>) src(%dma_wait3A_82 : memref<640xf32, #tpu.memory_space<vmem_shared>>) dst(%dma_wait3A_81 : memref<640xf32, #tpu.memory_space<hbm>>)
      tpu.yield
    }) : () -> ()
    return
  }
}

#map = affine_map<(d0, d1) -> (0, 0)>
#map1 = affine_map<(d0, d1) -> (0, 0, 0)>
module attributes {stable_mosaic.version = 14 : i64} {
  func.func @body(%arg0: i32, %arg1: i32, %arg2: memref<10240x128xf32, #tpu.memory_space<hbm>>, %arg3: memref<2560x128xi32, #tpu.memory_space<hbm>>, %arg4: memref<2560x128xi32, #tpu.memory_space<hbm>>, %arg5: memref<2x10240x128xf32, #tpu.memory_space<hbm>>, %arg6: memref<80x128xi32, #tpu.memory_space<vmem>>, %arg7: memref<80x128xi32, #tpu.memory_space<vmem>>, %arg8: memref<128x128xf32, #tpu.memory_space<vmem>>, %arg9: memref<10240x128xf32, #tpu.memory_space<vmem_shared>>, %arg10: memref<!tpu.dma_semaphore, #tpu.memory_space<semaphore_mem>>) attributes {dimension_semantics = [#tpu.dimension_semantics<core_parallel>, #tpu.dimension_semantics<subcore_parallel>], iteration_bounds = array<i64: 2, 16>, scalar_prefetch = 0 : i64, scratch_operands = 5 : i64, tpu.core_type = #tpu.core_type<sc_vector_subcore>, window_params = [{transform_indices = #map}, {transform_indices = #map}, {transform_indices = #map}, {transform_indices = #map1}]} {
    %mul3A = arith.constant 16 : i32
    %mul3A_0 = arith.muli %arg0, %mul3A : i32
    %add3A = arith.addi %mul3A_0, %arg1 : i32
    %scan3A = arith.constant 0 : i32
    %scan3A_1 = arith.constant 0 : i32
    %scan3A_2 = arith.constant 128 : i32
    %scan3A_3 = arith.addi %scan3A_1, %scan3A_2 : i32
    %scan3A_4 = arith.constant 1 : i32
    %scan3A_5 = scf.for %scan3A_43 = %scan3A_1 to %scan3A_3 step %scan3A_4 iter_args(%scan3A_44 = %scan3A) -> (i32)  : i32 {
      %broadcast_in_dim3A = arith.constant 0.000000e+00 : f32
      %broadcast_in_dim3A_45 = vector.broadcast %broadcast_in_dim3A : f32 to vector<16xf32>
      %swap3A = arith.index_cast %scan3A_43 : i32 to index
      %swap3A_46 = arith.constant 0 : index
      %swap3A_47 = tpu.vector_load %arg8[%swap3A, %swap3A_46] {strides = array<i32>} : memref<128x128xf32, #tpu.memory_space<vmem>>, vector<1x16xf32>,
      %swap3A_48 = vector.shape_cast %swap3A_47 : vector<1x16xf32> to vector<16xf32>
      %swap3A_49 = vector.shape_cast %broadcast_in_dim3A_45 : vector<16xf32> to vector<1x16xf32>
      tpu.vector_store %arg8[%swap3A, %swap3A_46], %swap3A_49 {strides = array<i32>} : memref<128x128xf32, #tpu.memory_space<vmem>>, vector<1x16xf32>,
      %broadcast_in_dim3A_50 = arith.constant 0.000000e+00 : f32
      %broadcast_in_dim3A_51 = vector.broadcast %broadcast_in_dim3A_50 : f32 to vector<16xf32>
      %swap3A_52 = arith.index_cast %scan3A_43 : i32 to index
      %swap3A_53 = arith.constant 16 : index
      %swap3A_54 = tpu.vector_load %arg8[%swap3A_52, %swap3A_53] {strides = array<i32>} : memref<128x128xf32, #tpu.memory_space<vmem>>, vector<1x16xf32>,
      %swap3A_55 = vector.shape_cast %swap3A_54 : vector<1x16xf32> to vector<16xf32>
      %swap3A_56 = vector.shape_cast %broadcast_in_dim3A_51 : vector<16xf32> to vector<1x16xf32>
      tpu.vector_store %arg8[%swap3A_52, %swap3A_53], %swap3A_56 {strides = array<i32>} : memref<128x128xf32, #tpu.memory_space<vmem>>, vector<1x16xf32>,
      %broadcast_in_dim3A_57 = arith.constant 0.000000e+00 : f32
      %broadcast_in_dim3A_58 = vector.broadcast %broadcast_in_dim3A_57 : f32 to vector<16xf32>
      %swap3A_59 = arith.index_cast %scan3A_43 : i32 to index
      %swap3A_60 = arith.constant 32 : index
      %swap3A_61 = tpu.vector_load %arg8[%swap3A_59, %swap3A_60] {strides = array<i32>} : memref<128x128xf32, #tpu.memory_space<vmem>>, vector<1x16xf32>,
      %swap3A_62 = vector.shape_cast %swap3A_61 : vector<1x16xf32> to vector<16xf32>
      %swap3A_63 = vector.shape_cast %broadcast_in_dim3A_58 : vector<16xf32> to vector<1x16xf32>
      tpu.vector_store %arg8[%swap3A_59, %swap3A_60], %swap3A_63 {strides = array<i32>} : memref<128x128xf32, #tpu.memory_space<vmem>>, vector<1x16xf32>,
      %broadcast_in_dim3A_64 = arith.constant 0.000000e+00 : f32
      %broadcast_in_dim3A_65 = vector.broadcast %broadcast_in_dim3A_64 : f32 to vector<16xf32>
      %swap3A_66 = arith.index_cast %scan3A_43 : i32 to index
      %swap3A_67 = arith.constant 48 : index
      %swap3A_68 = tpu.vector_load %arg8[%swap3A_66, %swap3A_67] {strides = array<i32>} : memref<128x128xf32, #tpu.memory_space<vmem>>, vector<1x16xf32>,
      %swap3A_69 = vector.shape_cast %swap3A_68 : vector<1x16xf32> to vector<16xf32>
      %swap3A_70 = vector.shape_cast %broadcast_in_dim3A_65 : vector<16xf32> to vector<1x16xf32>
      tpu.vector_store %arg8[%swap3A_66, %swap3A_67], %swap3A_70 {strides = array<i32>} : memref<128x128xf32, #tpu.memory_space<vmem>>, vector<1x16xf32>,
      %broadcast_in_dim3A_71 = arith.constant 0.000000e+00 : f32
      %broadcast_in_dim3A_72 = vector.broadcast %broadcast_in_dim3A_71 : f32 to vector<16xf32>
      %swap3A_73 = arith.index_cast %scan3A_43 : i32 to index
      %swap3A_74 = arith.constant 64 : index
      %swap3A_75 = tpu.vector_load %arg8[%swap3A_73, %swap3A_74] {strides = array<i32>} : memref<128x128xf32, #tpu.memory_space<vmem>>, vector<1x16xf32>,
      %swap3A_76 = vector.shape_cast %swap3A_75 : vector<1x16xf32> to vector<16xf32>
      %swap3A_77 = vector.shape_cast %broadcast_in_dim3A_72 : vector<16xf32> to vector<1x16xf32>
      tpu.vector_store %arg8[%swap3A_73, %swap3A_74], %swap3A_77 {strides = array<i32>} : memref<128x128xf32, #tpu.memory_space<vmem>>, vector<1x16xf32>,
      %broadcast_in_dim3A_78 = arith.constant 0.000000e+00 : f32
      %broadcast_in_dim3A_79 = vector.broadcast %broadcast_in_dim3A_78 : f32 to vector<16xf32>
      %swap3A_80 = arith.index_cast %scan3A_43 : i32 to index
      %swap3A_81 = arith.constant 80 : index
      %swap3A_82 = tpu.vector_load %arg8[%swap3A_80, %swap3A_81] {strides = array<i32>} : memref<128x128xf32, #tpu.memory_space<vmem>>, vector<1x16xf32>,
      %swap3A_83 = vector.shape_cast %swap3A_82 : vector<1x16xf32> to vector<16xf32>
      %swap3A_84 = vector.shape_cast %broadcast_in_dim3A_79 : vector<16xf32> to vector<1x16xf32>
      tpu.vector_store %arg8[%swap3A_80, %swap3A_81], %swap3A_84 {strides = array<i32>} : memref<128x128xf32, #tpu.memory_space<vmem>>, vector<1x16xf32>,
      %broadcast_in_dim3A_85 = arith.constant 0.000000e+00 : f32
      %broadcast_in_dim3A_86 = vector.broadcast %broadcast_in_dim3A_85 : f32 to vector<16xf32>
      %swap3A_87 = arith.index_cast %scan3A_43 : i32 to index
      %swap3A_88 = arith.constant 96 : index
      %swap3A_89 = tpu.vector_load %arg8[%swap3A_87, %swap3A_88] {strides = array<i32>} : memref<128x128xf32, #tpu.memory_space<vmem>>, vector<1x16xf32>,
      %swap3A_90 = vector.shape_cast %swap3A_89 : vector<1x16xf32> to vector<16xf32>
      %swap3A_91 = vector.shape_cast %broadcast_in_dim3A_86 : vector<16xf32> to vector<1x16xf32>
      tpu.vector_store %arg8[%swap3A_87, %swap3A_88], %swap3A_91 {strides = array<i32>} : memref<128x128xf32, #tpu.memory_space<vmem>>, vector<1x16xf32>,
      %broadcast_in_dim3A_92 = arith.constant 0.000000e+00 : f32
      %broadcast_in_dim3A_93 = vector.broadcast %broadcast_in_dim3A_92 : f32 to vector<16xf32>
      %swap3A_94 = arith.index_cast %scan3A_43 : i32 to index
      %swap3A_95 = arith.constant 112 : index
      %swap3A_96 = tpu.vector_load %arg8[%swap3A_94, %swap3A_95] {strides = array<i32>} : memref<128x128xf32, #tpu.memory_space<vmem>>, vector<1x16xf32>,
      %swap3A_97 = vector.shape_cast %swap3A_96 : vector<1x16xf32> to vector<16xf32>
      %swap3A_98 = vector.shape_cast %broadcast_in_dim3A_93 : vector<16xf32> to vector<1x16xf32>
      tpu.vector_store %arg8[%swap3A_94, %swap3A_95], %swap3A_98 {strides = array<i32>} : memref<128x128xf32, #tpu.memory_space<vmem>>, vector<1x16xf32>,
      %scan3A_99 = arith.constant 0 : i32
      scf.yield %scan3A_99 : i32
    }
    %scan3A_6 = arith.constant 128 : i32
    %mul3A_7 = arith.constant 640 : i32
    %mul3A_8 = arith.muli %arg1, %mul3A_7 : i32
    %add3A_9 = arith.constant 0 : i32
    %add3A_10 = arith.addi %mul3A_8, %add3A_9 : i32
    "tpu.region"() ({
      %run_scoped3A = tpu.sem_alloc : memref<!tpu.dma_semaphore, #tpu.memory_space<semaphore_mem>>
      %dma_start3A = arith.constant 0 : i32
      %dma_start3A_43 = tpu.memref_slice %arg9[%add3A_10, %dma_start3A] : memref<10240x128xf32, #tpu.memory_space<vmem_shared>> -> memref<128x128xf32, #tpu.memory_space<vmem_shared>>
      %dma_start3A_44 = arith.constant 0 : i32
      %dma_start3A_45 = tpu.memref_slice %arg9[%add3A_10, %dma_start3A_44] : memref<10240x128xf32, #tpu.memory_space<vmem_shared>> -> memref<128x128xf32, #tpu.memory_space<vmem_shared>>
      tpu.enqueue_dma source(%arg8 : memref<128x128xf32, #tpu.memory_space<vmem>>) target(%dma_start3A_45 : memref<128x128xf32, #tpu.memory_space<vmem_shared>>) target_semaphore(%run_scoped3A : memref<!tpu.dma_semaphore, #tpu.memory_space<semaphore_mem>>)
      %dma_wait3A = arith.constant 0 : i32
      %dma_wait3A_46 = tpu.memref_slice %arg9[%add3A_10, %dma_wait3A] : memref<10240x128xf32, #tpu.memory_space<vmem_shared>> -> memref<128x128xf32, #tpu.memory_space<vmem_shared>>
      %dma_wait3A_47 = arith.constant 0 : i32
      %dma_wait3A_48 = tpu.memref_slice %arg9[%add3A_10, %dma_wait3A_47] : memref<10240x128xf32, #tpu.memory_space<vmem_shared>> -> memref<128x128xf32, #tpu.memory_space<vmem_shared>>
      tpu.wait_dma2 semaphore(%run_scoped3A : memref<!tpu.dma_semaphore, #tpu.memory_space<semaphore_mem>>) src(%arg8 : memref<128x128xf32, #tpu.memory_space<vmem>>) dst(%dma_wait3A_48 : memref<128x128xf32, #tpu.memory_space<vmem_shared>>)
      tpu.yield
    }) : () -> ()
    %mul3A_11 = arith.constant 640 : i32
    %mul3A_12 = arith.muli %arg1, %mul3A_11 : i32
    %add3A_13 = arith.constant 128 : i32
    %add3A_14 = arith.addi %mul3A_12, %add3A_13 : i32
    "tpu.region"() ({
      %run_scoped3A = tpu.sem_alloc : memref<!tpu.dma_semaphore, #tpu.memory_space<semaphore_mem>>
      %dma_start3A = arith.constant 0 : i32
      %dma_start3A_43 = tpu.memref_slice %arg9[%add3A_14, %dma_start3A] : memref<10240x128xf32, #tpu.memory_space<vmem_shared>> -> memref<128x128xf32, #tpu.memory_space<vmem_shared>>
      %dma_start3A_44 = arith.constant 0 : i32
      %dma_start3A_45 = tpu.memref_slice %arg9[%add3A_14, %dma_start3A_44] : memref<10240x128xf32, #tpu.memory_space<vmem_shared>> -> memref<128x128xf32, #tpu.memory_space<vmem_shared>>
      tpu.enqueue_dma source(%arg8 : memref<128x128xf32, #tpu.memory_space<vmem>>) target(%dma_start3A_45 : memref<128x128xf32, #tpu.memory_space<vmem_shared>>) target_semaphore(%run_scoped3A : memref<!tpu.dma_semaphore, #tpu.memory_space<semaphore_mem>>)
      %dma_wait3A = arith.constant 0 : i32
      %dma_wait3A_46 = tpu.memref_slice %arg9[%add3A_14, %dma_wait3A] : memref<10240x128xf32, #tpu.memory_space<vmem_shared>> -> memref<128x128xf32, #tpu.memory_space<vmem_shared>>
      %dma_wait3A_47 = arith.constant 0 : i32
      %dma_wait3A_48 = tpu.memref_slice %arg9[%add3A_14, %dma_wait3A_47] : memref<10240x128xf32, #tpu.memory_space<vmem_shared>> -> memref<128x128xf32, #tpu.memory_space<vmem_shared>>
      tpu.wait_dma2 semaphore(%run_scoped3A : memref<!tpu.dma_semaphore, #tpu.memory_space<semaphore_mem>>) src(%arg8 : memref<128x128xf32, #tpu.memory_space<vmem>>) dst(%dma_wait3A_48 : memref<128x128xf32, #tpu.memory_space<vmem_shared>>)
      tpu.yield
    }) : () -> ()
    %mul3A_15 = arith.constant 640 : i32
    %mul3A_16 = arith.muli %arg1, %mul3A_15 : i32
    %add3A_17 = arith.constant 256 : i32
    %add3A_18 = arith.addi %mul3A_16, %add3A_17 : i32
    "tpu.region"() ({
      %run_scoped3A = tpu.sem_alloc : memref<!tpu.dma_semaphore, #tpu.memory_space<semaphore_mem>>
      %dma_start3A = arith.constant 0 : i32
      %dma_start3A_43 = tpu.memref_slice %arg9[%add3A_18, %dma_start3A] : memref<10240x128xf32, #tpu.memory_space<vmem_shared>> -> memref<128x128xf32, #tpu.memory_space<vmem_shared>>
      %dma_start3A_44 = arith.constant 0 : i32
      %dma_start3A_45 = tpu.memref_slice %arg9[%add3A_18, %dma_start3A_44] : memref<10240x128xf32, #tpu.memory_space<vmem_shared>> -> memref<128x128xf32, #tpu.memory_space<vmem_shared>>
      tpu.enqueue_dma source(%arg8 : memref<128x128xf32, #tpu.memory_space<vmem>>) target(%dma_start3A_45 : memref<128x128xf32, #tpu.memory_space<vmem_shared>>) target_semaphore(%run_scoped3A : memref<!tpu.dma_semaphore, #tpu.memory_space<semaphore_mem>>)
      %dma_wait3A = arith.constant 0 : i32
      %dma_wait3A_46 = tpu.memref_slice %arg9[%add3A_18, %dma_wait3A] : memref<10240x128xf32, #tpu.memory_space<vmem_shared>> -> memref<128x128xf32, #tpu.memory_space<vmem_shared>>
      %dma_wait3A_47 = arith.constant 0 : i32
      %dma_wait3A_48 = tpu.memref_slice %arg9[%add3A_18, %dma_wait3A_47] : memref<10240x128xf32, #tpu.memory_space<vmem_shared>> -> memref<128x128xf32, #tpu.memory_space<vmem_shared>>
      tpu.wait_dma2 semaphore(%run_scoped3A : memref<!tpu.dma_semaphore, #tpu.memory_space<semaphore_mem>>) src(%arg8 : memref<128x128xf32, #tpu.memory_space<vmem>>) dst(%dma_wait3A_48 : memref<128x128xf32, #tpu.memory_space<vmem_shared>>)
      tpu.yield
    }) : () -> ()
    %mul3A_19 = arith.constant 640 : i32
    %mul3A_20 = arith.muli %arg1, %mul3A_19 : i32
    %add3A_21 = arith.constant 384 : i32
    %add3A_22 = arith.addi %mul3A_20, %add3A_21 : i32
    "tpu.region"() ({
      %run_scoped3A = tpu.sem_alloc : memref<!tpu.dma_semaphore, #tpu.memory_space<semaphore_mem>>
      %dma_start3A = arith.constant 0 : i32
      %dma_start3A_43 = tpu.memref_slice %arg9[%add3A_22, %dma_start3A] : memref<10240x128xf32, #tpu.memory_space<vmem_shared>> -> memref<128x128xf32, #tpu.memory_space<vmem_shared>>
      %dma_start3A_44 = arith.constant 0 : i32
      %dma_start3A_45 = tpu.memref_slice %arg9[%add3A_22, %dma_start3A_44] : memref<10240x128xf32, #tpu.memory_space<vmem_shared>> -> memref<128x128xf32, #tpu.memory_space<vmem_shared>>
      tpu.enqueue_dma source(%arg8 : memref<128x128xf32, #tpu.memory_space<vmem>>) target(%dma_start3A_45 : memref<128x128xf32, #tpu.memory_space<vmem_shared>>) target_semaphore(%run_scoped3A : memref<!tpu.dma_semaphore, #tpu.memory_space<semaphore_mem>>)
      %dma_wait3A = arith.constant 0 : i32
      %dma_wait3A_46 = tpu.memref_slice %arg9[%add3A_22, %dma_wait3A] : memref<10240x128xf32, #tpu.memory_space<vmem_shared>> -> memref<128x128xf32, #tpu.memory_space<vmem_shared>>
      %dma_wait3A_47 = arith.constant 0 : i32
      %dma_wait3A_48 = tpu.memref_slice %arg9[%add3A_22, %dma_wait3A_47] : memref<10240x128xf32, #tpu.memory_space<vmem_shared>> -> memref<128x128xf32, #tpu.memory_space<vmem_shared>>
      tpu.wait_dma2 semaphore(%run_scoped3A : memref<!tpu.dma_semaphore, #tpu.memory_space<semaphore_mem>>) src(%arg8 : memref<128x128xf32, #tpu.memory_space<vmem>>) dst(%dma_wait3A_48 : memref<128x128xf32, #tpu.memory_space<vmem_shared>>)
      tpu.yield
    }) : () -> ()
    %mul3A_23 = arith.constant 640 : i32
    %mul3A_24 = arith.muli %arg1, %mul3A_23 : i32
    %add3A_25 = arith.constant 512 : i32
    %add3A_26 = arith.addi %mul3A_24, %add3A_25 : i32
    "tpu.region"() ({
      %run_scoped3A = tpu.sem_alloc : memref<!tpu.dma_semaphore, #tpu.memory_space<semaphore_mem>>
      %dma_start3A = arith.constant 0 : i32
      %dma_start3A_43 = tpu.memref_slice %arg9[%add3A_26, %dma_start3A] : memref<10240x128xf32, #tpu.memory_space<vmem_shared>> -> memref<128x128xf32, #tpu.memory_space<vmem_shared>>
      %dma_start3A_44 = arith.constant 0 : i32
      %dma_start3A_45 = tpu.memref_slice %arg9[%add3A_26, %dma_start3A_44] : memref<10240x128xf32, #tpu.memory_space<vmem_shared>> -> memref<128x128xf32, #tpu.memory_space<vmem_shared>>
      tpu.enqueue_dma source(%arg8 : memref<128x128xf32, #tpu.memory_space<vmem>>) target(%dma_start3A_45 : memref<128x128xf32, #tpu.memory_space<vmem_shared>>) target_semaphore(%run_scoped3A : memref<!tpu.dma_semaphore, #tpu.memory_space<semaphore_mem>>)
      %dma_wait3A = arith.constant 0 : i32
      %dma_wait3A_46 = tpu.memref_slice %arg9[%add3A_26, %dma_wait3A] : memref<10240x128xf32, #tpu.memory_space<vmem_shared>> -> memref<128x128xf32, #tpu.memory_space<vmem_shared>>
      %dma_wait3A_47 = arith.constant 0 : i32
      %dma_wait3A_48 = tpu.memref_slice %arg9[%add3A_26, %dma_wait3A_47] : memref<10240x128xf32, #tpu.memory_space<vmem_shared>> -> memref<128x128xf32, #tpu.memory_space<vmem_shared>>
      tpu.wait_dma2 semaphore(%run_scoped3A : memref<!tpu.dma_semaphore, #tpu.memory_space<semaphore_mem>>) src(%arg8 : memref<128x128xf32, #tpu.memory_space<vmem>>) dst(%dma_wait3A_48 : memref<128x128xf32, #tpu.memory_space<vmem_shared>>)
      tpu.yield
    }) : () -> ()
    %barrier3A = arith.constant 0 : index
    tpu.barrier barrier_id(%barrier3A)
    %mul3A_27 = arith.constant 80 : i32
    %mul3A_28 = arith.muli %add3A, %mul3A_27 : i32
    "tpu.region"() ({
      %run_scoped3A = tpu.sem_alloc : memref<!tpu.dma_semaphore, #tpu.memory_space<semaphore_mem>>
      %dma_start3A = arith.constant 0 : i32
      %dma_start3A_43 = tpu.memref_slice %arg3[%mul3A_28, %dma_start3A] : memref<2560x128xi32, #tpu.memory_space<hbm>> -> memref<80x128xi32, #tpu.memory_space<hbm>>
      %dma_start3A_44 = arith.constant 0 : i32
      %dma_start3A_45 = tpu.memref_slice %arg3[%mul3A_28, %dma_start3A_44] : memref<2560x128xi32, #tpu.memory_space<hbm>> -> memref<80x128xi32, #tpu.memory_space<hbm>>
      tpu.enqueue_dma source(%dma_start3A_45 : memref<80x128xi32, #tpu.memory_space<hbm>>) target(%arg6 : memref<80x128xi32, #tpu.memory_space<vmem>>) target_semaphore(%run_scoped3A : memref<!tpu.dma_semaphore, #tpu.memory_space<semaphore_mem>>)
      %dma_wait3A = arith.constant 0 : i32
      %dma_wait3A_46 = tpu.memref_slice %arg3[%mul3A_28, %dma_wait3A] : memref<2560x128xi32, #tpu.memory_space<hbm>> -> memref<80x128xi32, #tpu.memory_space<hbm>>
      %dma_wait3A_47 = arith.constant 0 : i32
      %dma_wait3A_48 = tpu.memref_slice %arg3[%mul3A_28, %dma_wait3A_47] : memref<2560x128xi32, #tpu.memory_space<hbm>> -> memref<80x128xi32, #tpu.memory_space<hbm>>
      tpu.wait_dma2 semaphore(%run_scoped3A : memref<!tpu.dma_semaphore, #tpu.memory_space<semaphore_mem>>) src(%dma_wait3A_48 : memref<80x128xi32, #tpu.memory_space<hbm>>) dst(%arg6 : memref<80x128xi32, #tpu.memory_space<vmem>>)
      tpu.yield
    }) : () -> ()
    %mul3A_29 = arith.constant 80 : i32
    %mul3A_30 = arith.muli %add3A, %mul3A_29 : i32
    "tpu.region"() ({
      %run_scoped3A = tpu.sem_alloc : memref<!tpu.dma_semaphore, #tpu.memory_space<semaphore_mem>>
      %dma_start3A = arith.constant 0 : i32
      %dma_start3A_43 = tpu.memref_slice %arg4[%mul3A_30, %dma_start3A] : memref<2560x128xi32, #tpu.memory_space<hbm>> -> memref<80x128xi32, #tpu.memory_space<hbm>>
      %dma_start3A_44 = arith.constant 0 : i32
      %dma_start3A_45 = tpu.memref_slice %arg4[%mul3A_30, %dma_start3A_44] : memref<2560x128xi32, #tpu.memory_space<hbm>> -> memref<80x128xi32, #tpu.memory_space<hbm>>
      tpu.enqueue_dma source(%dma_start3A_45 : memref<80x128xi32, #tpu.memory_space<hbm>>) target(%arg7 : memref<80x128xi32, #tpu.memory_space<vmem>>) target_semaphore(%run_scoped3A : memref<!tpu.dma_semaphore, #tpu.memory_space<semaphore_mem>>)
      %dma_wait3A = arith.constant 0 : i32
      %dma_wait3A_46 = tpu.memref_slice %arg4[%mul3A_30, %dma_wait3A] : memref<2560x128xi32, #tpu.memory_space<hbm>> -> memref<80x128xi32, #tpu.memory_space<hbm>>
      %dma_wait3A_47 = arith.constant 0 : i32
      %dma_wait3A_48 = tpu.memref_slice %arg4[%mul3A_30, %dma_wait3A_47] : memref<2560x128xi32, #tpu.memory_space<hbm>> -> memref<80x128xi32, #tpu.memory_space<hbm>>
      tpu.wait_dma2 semaphore(%run_scoped3A : memref<!tpu.dma_semaphore, #tpu.memory_space<semaphore_mem>>) src(%dma_wait3A_48 : memref<80x128xi32, #tpu.memory_space<hbm>>) dst(%arg7 : memref<80x128xi32, #tpu.memory_space<vmem>>)
      tpu.yield
    }) : () -> ()
    %scan3A_31 = arith.constant 0 : i32
    %scan3A_32 = arith.constant 0 : i32
    %scan3A_33 = arith.constant 80 : i32
    %scan3A_34 = arith.addi %scan3A_32, %scan3A_33 : i32
    %scan3A_35 = arith.constant 1 : i32
    %scan3A_36 = scf.for %scan3A_43 = %scan3A_32 to %scan3A_34 step %scan3A_35 iter_args(%scan3A_44 = %scan3A_31) -> (i32)  : i32 {
      %dma_start3A = arith.constant 0 : i32
      %dma_start3A_45 = tpu.memref_slice %arg6[%scan3A_43, %dma_start3A] : memref<80x128xi32, #tpu.memory_space<vmem>> -> memref<1x128xi32, #tpu.memory_space<vmem>>
      %dma_start3A_46 = tpu.memref_squeeze %dma_start3A_45 : memref<1x128xi32, #tpu.memory_space<vmem>> -> memref<128xi32, #tpu.memory_space<vmem>>
      %dma_start3A_47 = arith.constant 0 : i32
      %dma_start3A_48 = arith.constant 0 : i32
      %dma_start3A_49 = tpu.memref_slice %arg2[%dma_start3A_47, %dma_start3A_48] : memref<10240x128xf32, #tpu.memory_space<hbm>> -> memref<10240x128xf32, #tpu.memory_space<hbm>>
      tpu.enqueue_indirect_dma source(%dma_start3A_49 : memref<10240x128xf32, #tpu.memory_space<hbm>>) target(%arg8 : memref<128x128xf32, #tpu.memory_space<vmem>>) offsets(%dma_start3A_46 : memref<128xi32, #tpu.memory_space<vmem>>) semaphore(%arg10 : memref<!tpu.dma_semaphore, #tpu.memory_space<semaphore_mem>>)
      %dma_wait3A = arith.constant 0 : i32
      %dma_wait3A_50 = tpu.memref_slice %arg6[%scan3A_43, %dma_wait3A] : memref<80x128xi32, #tpu.memory_space<vmem>> -> memref<1x128xi32, #tpu.memory_space<vmem>>
      %dma_wait3A_51 = tpu.memref_squeeze %dma_wait3A_50 : memref<1x128xi32, #tpu.memory_space<vmem>> -> memref<128xi32, #tpu.memory_space<vmem>>
      %dma_wait3A_52 = arith.constant 0 : i32
      %dma_wait3A_53 = arith.constant 0 : i32
      %dma_wait3A_54 = tpu.memref_slice %arg2[%dma_wait3A_52, %dma_wait3A_53] : memref<10240x128xf32, #tpu.memory_space<hbm>> -> memref<10240x128xf32, #tpu.memory_space<hbm>>
      tpu.wait_indirect_dma semaphore(%arg10 : memref<!tpu.dma_semaphore, #tpu.memory_space<semaphore_mem>>) src(%dma_wait3A_54 : memref<10240x128xf32, #tpu.memory_space<hbm>>) dst(%arg8 : memref<128x128xf32, #tpu.memory_space<vmem>>)
      "tpu.region"() ({
        %run_scoped3A = tpu.sem_alloc : memref<!tpu.dma_semaphore, #tpu.memory_space<semaphore_mem>>
        %dma_start3A_56 = arith.constant 0 : i32
        %dma_start3A_57 = tpu.memref_slice %arg7[%scan3A_43, %dma_start3A_56] : memref<80x128xi32, #tpu.memory_space<vmem>> -> memref<1x128xi32, #tpu.memory_space<vmem>>
        %dma_start3A_58 = tpu.memref_squeeze %dma_start3A_57 : memref<1x128xi32, #tpu.memory_space<vmem>> -> memref<128xi32, #tpu.memory_space<vmem>>
        %dma_start3A_59 = arith.constant 0 : i32
        %dma_start3A_60 = arith.constant 0 : i32
        %dma_start3A_61 = tpu.memref_slice %arg9[%dma_start3A_59, %dma_start3A_60] : memref<10240x128xf32, #tpu.memory_space<vmem_shared>> -> memref<10240x128xf32, #tpu.memory_space<vmem_shared>>
        tpu.enqueue_indirect_dma source(%arg8 : memref<128x128xf32, #tpu.memory_space<vmem>>) target(%dma_start3A_61 : memref<10240x128xf32, #tpu.memory_space<vmem_shared>>) offsets(%dma_start3A_58 : memref<128xi32, #tpu.memory_space<vmem>>) semaphore(%run_scoped3A : memref<!tpu.dma_semaphore, #tpu.memory_space<semaphore_mem>>) {add = true}
        %dma_wait3A_62 = arith.constant 0 : i32
        %dma_wait3A_63 = tpu.memref_slice %arg7[%scan3A_43, %dma_wait3A_62] : memref<80x128xi32, #tpu.memory_space<vmem>> -> memref<1x128xi32, #tpu.memory_space<vmem>>
        %dma_wait3A_64 = tpu.memref_squeeze %dma_wait3A_63 : memref<1x128xi32, #tpu.memory_space<vmem>> -> memref<128xi32, #tpu.memory_space<vmem>>
        %dma_wait3A_65 = arith.constant 0 : i32
        %dma_wait3A_66 = arith.constant 0 : i32
        %dma_wait3A_67 = tpu.memref_slice %arg9[%dma_wait3A_65, %dma_wait3A_66] : memref<10240x128xf32, #tpu.memory_space<vmem_shared>> -> memref<10240x128xf32, #tpu.memory_space<vmem_shared>>
        tpu.wait_indirect_dma semaphore(%run_scoped3A : memref<!tpu.dma_semaphore, #tpu.memory_space<semaphore_mem>>) src(%arg8 : memref<128x128xf32, #tpu.memory_space<vmem>>) dst(%dma_wait3A_67 : memref<10240x128xf32, #tpu.memory_space<vmem_shared>>)
        tpu.yield
      }) : () -> ()
      %scan3A_55 = arith.constant 0 : i32
      scf.yield %scan3A_55 : i32
    }
    %scan3A_37 = arith.constant 80 : i32
    %barrier3A_38 = arith.constant 0 : index
    tpu.barrier barrier_id(%barrier3A_38)
    %mul3A_39 = arith.constant 640 : i32
    %mul3A_40 = arith.muli %arg1, %mul3A_39 : i32
    %mul3A_41 = arith.constant 640 : i32
    %mul3A_42 = arith.muli %arg1, %mul3A_41 : i32
    "tpu.region"() ({
      %run_scoped3A = tpu.sem_alloc : memref<!tpu.dma_semaphore, #tpu.memory_space<semaphore_mem>>
      %dma_start3A = arith.constant 0 : i32
      %dma_start3A_43 = tpu.memref_slice %arg5[%arg0, %mul3A_42, %dma_start3A] : memref<2x10240x128xf32, #tpu.memory_space<hbm>> -> memref<1x640x128xf32, #tpu.memory_space<hbm>>
      %dma_start3A_44 = tpu.memref_squeeze %dma_start3A_43 : memref<1x640x128xf32, #tpu.memory_space<hbm>> -> memref<640x128xf32, #tpu.memory_space<hbm>>
      %dma_start3A_45 = arith.constant 0 : i32
      %dma_start3A_46 = tpu.memref_slice %arg9[%mul3A_40, %dma_start3A_45] : memref<10240x128xf32, #tpu.memory_space<vmem_shared>> -> memref<640x128xf32, #tpu.memory_space<vmem_shared>>
      tpu.enqueue_dma source(%dma_start3A_46 : memref<640x128xf32, #tpu.memory_space<vmem_shared>>) target(%dma_start3A_44 : memref<640x128xf32, #tpu.memory_space<hbm>>) target_semaphore(%run_scoped3A : memref<!tpu.dma_semaphore, #tpu.memory_space<semaphore_mem>>)
      %dma_wait3A = arith.constant 0 : i32
      %dma_wait3A_47 = tpu.memref_slice %arg5[%arg0, %mul3A_42, %dma_wait3A] : memref<2x10240x128xf32, #tpu.memory_space<hbm>> -> memref<1x640x128xf32, #tpu.memory_space<hbm>>
      %dma_wait3A_48 = tpu.memref_squeeze %dma_wait3A_47 : memref<1x640x128xf32, #tpu.memory_space<hbm>> -> memref<640x128xf32, #tpu.memory_space<hbm>>
      %dma_wait3A_49 = arith.constant 0 : i32
      %dma_wait3A_50 = tpu.memref_slice %arg9[%mul3A_40, %dma_wait3A_49] : memref<10240x128xf32, #tpu.memory_space<vmem_shared>> -> memref<640x128xf32, #tpu.memory_space<vmem_shared>>
      tpu.wait_dma2 semaphore(%run_scoped3A : memref<!tpu.dma_semaphore, #tpu.memory_space<semaphore_mem>>) src(%dma_wait3A_50 : memref<640x128xf32, #tpu.memory_space<vmem_shared>>) dst(%dma_wait3A_48 : memref<640x128xf32, #tpu.memory_space<hbm>>)
      tpu.yield
    }) : () -> ()
    return
  }
}

module attributes {stable_mosaic.version = 14 : i64} {
  func.func @_norm_body(%arg0: memref<2x2x10240xf32, #tpu.memory_space<vmem>>, %arg1: memref<2x10240xf32, #tpu.memory_space<vmem>>) attributes {dimension_semantics = [], scalar_prefetch = 0 : i64, scratch_operands = 0 : i64, tpu.core_type = #tpu.core_type<tc>} {
    %get3A = arith.constant 0 : index
    %get3A_0 = arith.constant 0 : index
    %get3A_1 = arith.constant 0 : index
    %get3A_2 = vector.load %arg0[%get3A, %get3A_0, %get3A_1] : memref<2x2x10240xf32, #tpu.memory_space<vmem>>, vector<1x2x10240xf32>
    %get3A_3 = vector.shape_cast %get3A_2 : vector<1x2x10240xf32> to vector<2x10240xf32>
    %get3A_4 = arith.constant 1 : index
    %get3A_5 = arith.constant 0 : index
    %get3A_6 = arith.constant 0 : index
    %get3A_7 = vector.load %arg0[%get3A_4, %get3A_5, %get3A_6] : memref<2x2x10240xf32, #tpu.memory_space<vmem>>, vector<1x2x10240xf32>
    %get3A_8 = vector.shape_cast %get3A_7 : vector<1x2x10240xf32> to vector<2x10240xf32>
    %add3A = arith.addf %get3A_3, %get3A_8 : vector<2x10240xf32>
    %jit3A = arith.constant 1.000000e+00 : f32
    %max3A = vector.broadcast %jit3A : f32 to vector<2x10240xf32>
    %max3A_9 = arith.maximumf %max3A, %add3A : vector<2x10240xf32>
    %rsqrt3A = math.rsqrt %max3A_9 : vector<2x10240xf32>
    %swap3A = arith.constant 0 : index
    %swap3A_10 = arith.constant 0 : index
    %swap3A_11 = vector.load %arg1[%swap3A, %swap3A_10] : memref<2x10240xf32, #tpu.memory_space<vmem>>, vector<2x10240xf32>
    tpu.vector_store %arg1[%swap3A, %swap3A_10], %rsqrt3A {strides = array<i32>} : memref<2x10240xf32, #tpu.memory_space<vmem>>, vector<2x10240xf32>,
    return
  }
}

module attributes {stable_mosaic.version = 14 : i64} {
  func.func @_mid_body(%arg0: memref<128x128xf32, #tpu.memory_space<vmem>>, %arg1: memref<2x10240x128xf32, #tpu.memory_space<vmem>>, %arg2: memref<10240x1xf32, #tpu.memory_space<vmem>>, %arg3: memref<128xf32, #tpu.memory_space<vmem>>, %arg4: memref<128xf32, #tpu.memory_space<vmem>>, %arg5: memref<128xf32, #tpu.memory_space<vmem>>, %arg6: memref<10240x1xf32, #tpu.memory_space<vmem>>, %arg7: memref<10240x128xf32, #tpu.memory_space<vmem>>) attributes {dimension_semantics = [], scalar_prefetch = 0 : i64, scratch_operands = 0 : i64, tpu.core_type = #tpu.core_type<tc>} {
    %get3A = arith.constant 0 : index
    %get3A_0 = arith.constant 0 : index
    %get3A_1 = arith.constant 0 : index
    %get3A_2 = vector.load %arg1[%get3A, %get3A_0, %get3A_1] : memref<2x10240x128xf32, #tpu.memory_space<vmem>>, vector<1x10240x128xf32>
    %get3A_3 = vector.shape_cast %get3A_2 : vector<1x10240x128xf32> to vector<10240x128xf32>
    %get3A_4 = arith.constant 1 : index
    %get3A_5 = arith.constant 0 : index
    %get3A_6 = arith.constant 0 : index
    %get3A_7 = vector.load %arg1[%get3A_4, %get3A_5, %get3A_6] : memref<2x10240x128xf32, #tpu.memory_space<vmem>>, vector<1x10240x128xf32>
    %get3A_8 = vector.shape_cast %get3A_7 : vector<1x10240x128xf32> to vector<10240x128xf32>
    %add3A = arith.addf %get3A_3, %get3A_8 : vector<10240x128xf32>
    %get3A_9 = arith.constant 0 : index
    %get3A_10 = arith.constant 0 : index
    %get3A_11 = vector.load %arg2[%get3A_9, %get3A_10] : memref<10240x1xf32, #tpu.memory_space<vmem>>, vector<10240x1xf32>
    %mul3A = vector.broadcast %get3A_11 : vector<10240x1xf32> to vector<10240x128xf32>
    %mul3A_12 = arith.mulf %add3A, %mul3A : vector<10240x128xf32>
    %get3A_13 = arith.constant 0 : index
    %get3A_14 = vector.load %arg3[%get3A_13] : memref<128xf32, #tpu.memory_space<vmem>>, vector<128xf32>
    %broadcast_in_dim3A = vector.shape_cast %get3A_14 : vector<128xf32> to vector<1x128xf32>
    %add3A_15 = vector.broadcast %broadcast_in_dim3A : vector<1x128xf32> to vector<10240x128xf32>
    %add3A_16 = arith.addf %mul3A_12, %add3A_15 : vector<10240x128xf32>
    %iota3A = tpu.iota {dimensions = array<i32: 0>} : vector<10240x1xi32>
    %lt3A = arith.constant 10000 : i32
    %lt3A_17 = vector.broadcast %lt3A : i32 to vector<10240x1xi32>
    %lt3A_18 = arith.cmpi slt, %iota3A, %lt3A_17 : vector<10240x1xi32>
    %convert_element_type3A = arith.extui %lt3A_18 : vector<10240x1xi1> to vector<10240x1xi32>
    %convert_element_type3A_19 = arith.sitofp %convert_element_type3A : vector<10240x1xi32> to vector<10240x1xf32>
    %mul3A_20 = vector.broadcast %convert_element_type3A_19 : vector<10240x1xf32> to vector<10240x128xf32>
    %mul3A_21 = arith.mulf %add3A_16, %mul3A_20 : vector<10240x128xf32>
    %reduce_sum3A = arith.constant dense<0.000000e+00> : vector<128xf32>
    %reduce_sum3A_22 = vector.multi_reduction <add>, %mul3A_21, %reduce_sum3A [0] : vector<10240x128xf32> to vector<128xf32>
    %broadcast_in_dim3A_23 = vector.shape_cast %reduce_sum3A_22 : vector<128xf32> to vector<1x128xf32>
    %div3A = arith.constant 1.000000e+04 : f32
    %div3A_24 = vector.broadcast %div3A : f32 to vector<1x128xf32>
    %div3A_25 = arith.divf %broadcast_in_dim3A_23, %div3A_24 : vector<1x128xf32>
    %sub3A = vector.broadcast %div3A_25 : vector<1x128xf32> to vector<10240x128xf32>
    %sub3A_26 = arith.subf %add3A_16, %sub3A : vector<10240x128xf32>
    %mul3A_27 = vector.broadcast %convert_element_type3A_19 : vector<10240x1xf32> to vector<10240x128xf32>
    %mul3A_28 = arith.mulf %sub3A_26, %mul3A_27 : vector<10240x128xf32>
    %mul3A_29 = arith.mulf %mul3A_28, %mul3A_28 : vector<10240x128xf32>
    %reduce_sum3A_30 = arith.constant dense<0.000000e+00> : vector<128xf32>
    %reduce_sum3A_31 = vector.multi_reduction <add>, %mul3A_29, %reduce_sum3A_30 [0] : vector<10240x128xf32> to vector<128xf32>
    %broadcast_in_dim3A_32 = vector.shape_cast %reduce_sum3A_31 : vector<128xf32> to vector<1x128xf32>
    %div3A_33 = arith.constant 1.000000e+04 : f32
    %div3A_34 = vector.broadcast %div3A_33 : f32 to vector<1x128xf32>
    %div3A_35 = arith.divf %broadcast_in_dim3A_32, %div3A_34 : vector<1x128xf32>
    %get3A_36 = arith.constant 0 : index
    %get3A_37 = vector.load %arg4[%get3A_36] : memref<128xf32, #tpu.memory_space<vmem>>, vector<128xf32>
    %sub3A_38 = vector.broadcast %div3A_25 : vector<1x128xf32> to vector<10240x128xf32>
    %sub3A_39 = arith.subf %add3A_16, %sub3A_38 : vector<10240x128xf32>
    %broadcast_in_dim3A_40 = vector.shape_cast %get3A_37 : vector<128xf32> to vector<1x128xf32>
    %mul3A_41 = vector.broadcast %broadcast_in_dim3A_40 : vector<1x128xf32> to vector<10240x128xf32>
    %mul3A_42 = arith.mulf %mul3A_41, %sub3A_39 : vector<10240x128xf32>
    %add3A_43 = arith.constant 9.99999974E-6 : f32
    %add3A_44 = vector.broadcast %add3A_43 : f32 to vector<1x128xf32>
    %add3A_45 = arith.addf %div3A_35, %add3A_44 : vector<1x128xf32>
    %rsqrt3A = math.rsqrt %add3A_45 : vector<1x128xf32>
    %mul3A_46 = vector.broadcast %rsqrt3A : vector<1x128xf32> to vector<10240x128xf32>
    %mul3A_47 = arith.mulf %mul3A_42, %mul3A_46 : vector<10240x128xf32>
    %get3A_48 = arith.constant 0 : index
    %get3A_49 = vector.load %arg5[%get3A_48] : memref<128xf32, #tpu.memory_space<vmem>>, vector<128xf32>
    %broadcast_in_dim3A_50 = vector.shape_cast %get3A_49 : vector<128xf32> to vector<1x128xf32>
    %add3A_51 = vector.broadcast %broadcast_in_dim3A_50 : vector<1x128xf32> to vector<10240x128xf32>
    %add3A_52 = arith.addf %mul3A_47, %add3A_51 : vector<10240x128xf32>
    %max3A = arith.constant 0.000000e+00 : f32
    %max3A_53 = vector.broadcast %max3A : f32 to vector<10240x128xf32>
    %max3A_54 = arith.maximumf %add3A_52, %max3A_53 : vector<10240x128xf32>
    %mul3A_55 = vector.broadcast %convert_element_type3A_19 : vector<10240x1xf32> to vector<10240x128xf32>
    %mul3A_56 = arith.mulf %max3A_54, %mul3A_55 : vector<10240x128xf32>
    %get3A_57 = arith.constant 0 : index
    %get3A_58 = arith.constant 0 : index
    %get3A_59 = vector.load %arg6[%get3A_57, %get3A_58] : memref<10240x1xf32, #tpu.memory_space<vmem>>, vector<10240x1xf32>
    %mul3A_60 = vector.broadcast %get3A_59 : vector<10240x1xf32> to vector<10240x128xf32>
    %mul3A_61 = arith.mulf %mul3A_56, %mul3A_60 : vector<10240x128xf32>
    %get3A_62 = arith.constant 0 : index
    %get3A_63 = arith.constant 0 : index
    %get3A_64 = vector.load %arg0[%get3A_62, %get3A_63] : memref<128x128xf32, #tpu.memory_space<vmem>>, vector<128x128xf32>
    %dot_general3A = arith.constant dense<0.000000e+00> : vector<10240x128xf32>
    %dot_general3A_65 = tpu.matmul %mul3A_61, %get3A_64, %dot_general3A {dimension_numbers = #tpu.dot_dimension_numbers<[1], [0], [0], [1], [0, 0, 1, 1], [], []>, transpose_lhs_hint = false} : vector<10240x128xf32>, vector<128x128xf32>, vector<10240x128xf32> -> vector<10240x128xf32>
    %swap3A = arith.constant 0 : index
    %swap3A_66 = arith.constant 0 : index
    %swap3A_67 = vector.load %arg7[%swap3A, %swap3A_66] : memref<10240x128xf32, #tpu.memory_space<vmem>>, vector<10240x128xf32>
    tpu.vector_store %arg7[%swap3A, %swap3A_66], %dot_general3A_65 {strides = array<i32>} : memref<10240x128xf32, #tpu.memory_space<vmem>>, vector<10240x128xf32>,
    return
  }
}

module attributes {stable_mosaic.version = 14 : i64} {
  func.func @_prep_body(%arg0: memref<10240x128xf32, #tpu.memory_space<vmem>>, %arg1: memref<10240x1xf32, #tpu.memory_space<vmem>>, %arg2: memref<128x128xf32, #tpu.memory_space<vmem>>, %arg3: memref<10240x128xf32, #tpu.memory_space<vmem>>) attributes {dimension_semantics = [], scalar_prefetch = 0 : i64, scratch_operands = 0 : i64, tpu.core_type = #tpu.core_type<tc>} {
    %get3A = arith.constant 0 : index
    %get3A_0 = arith.constant 0 : index
    %get3A_1 = vector.load %arg0[%get3A, %get3A_0] : memref<10240x128xf32, #tpu.memory_space<vmem>>, vector<10240x128xf32>
    %get3A_2 = arith.constant 0 : index
    %get3A_3 = arith.constant 0 : index
    %get3A_4 = vector.load %arg1[%get3A_2, %get3A_3] : memref<10240x1xf32, #tpu.memory_space<vmem>>, vector<10240x1xf32>
    %mul3A = vector.broadcast %get3A_4 : vector<10240x1xf32> to vector<10240x128xf32>
    %mul3A_5 = arith.mulf %get3A_1, %mul3A : vector<10240x128xf32>
    %get3A_6 = arith.constant 0 : index
    %get3A_7 = arith.constant 0 : index
    %get3A_8 = vector.load %arg2[%get3A_6, %get3A_7] : memref<128x128xf32, #tpu.memory_space<vmem>>, vector<128x128xf32>
    %dot_general3A = arith.constant dense<0.000000e+00> : vector<10240x128xf32>
    %dot_general3A_9 = tpu.matmul %mul3A_5, %get3A_8, %dot_general3A {dimension_numbers = #tpu.dot_dimension_numbers<[1], [0], [0], [1], [0, 0, 1, 1], [], []>, transpose_lhs_hint = false} : vector<10240x128xf32>, vector<128x128xf32>, vector<10240x128xf32> -> vector<10240x128xf32>
    %swap3A = arith.constant 0 : index
    %swap3A_10 = arith.constant 0 : index
    %swap3A_11 = vector.load %arg3[%swap3A, %swap3A_10] : memref<10240x128xf32, #tpu.memory_space<vmem>>, vector<10240x128xf32>
    tpu.vector_store %arg3[%swap3A, %swap3A_10], %dot_general3A_9 {strides = array<i32>} : memref<10240x128xf32, #tpu.memory_space<vmem>>, vector<10240x128xf32>,
    return
  }
}

module attributes {stable_mosaic.version = 14 : i64} {
  func.func @_mid_body(%arg0: memref<2x10240x128xf32, #tpu.memory_space<vmem>>, %arg1: memref<10240x1xf32, #tpu.memory_space<vmem>>, %arg2: memref<128xf32, #tpu.memory_space<vmem>>, %arg3: memref<128xf32, #tpu.memory_space<vmem>>, %arg4: memref<128xf32, #tpu.memory_space<vmem>>, %arg5: memref<10240x1xf32, #tpu.memory_space<vmem>>, %arg6: memref<10240x128xf32, #tpu.memory_space<vmem>>) attributes {dimension_semantics = [], scalar_prefetch = 0 : i64, scratch_operands = 0 : i64, tpu.core_type = #tpu.core_type<tc>} {
    %get3A = arith.constant 0 : index
    %get3A_0 = arith.constant 0 : index
    %get3A_1 = arith.constant 0 : index
    %get3A_2 = vector.load %arg0[%get3A, %get3A_0, %get3A_1] : memref<2x10240x128xf32, #tpu.memory_space<vmem>>, vector<1x10240x128xf32>
    %get3A_3 = vector.shape_cast %get3A_2 : vector<1x10240x128xf32> to vector<10240x128xf32>
    %get3A_4 = arith.constant 1 : index
    %get3A_5 = arith.constant 0 : index
    %get3A_6 = arith.constant 0 : index
    %get3A_7 = vector.load %arg0[%get3A_4, %get3A_5, %get3A_6] : memref<2x10240x128xf32, #tpu.memory_space<vmem>>, vector<1x10240x128xf32>
    %get3A_8 = vector.shape_cast %get3A_7 : vector<1x10240x128xf32> to vector<10240x128xf32>
    %add3A = arith.addf %get3A_3, %get3A_8 : vector<10240x128xf32>
    %get3A_9 = arith.constant 0 : index
    %get3A_10 = arith.constant 0 : index
    %get3A_11 = vector.load %arg1[%get3A_9, %get3A_10] : memref<10240x1xf32, #tpu.memory_space<vmem>>, vector<10240x1xf32>
    %mul3A = vector.broadcast %get3A_11 : vector<10240x1xf32> to vector<10240x128xf32>
    %mul3A_12 = arith.mulf %add3A, %mul3A : vector<10240x128xf32>
    %get3A_13 = arith.constant 0 : index
    %get3A_14 = vector.load %arg2[%get3A_13] : memref<128xf32, #tpu.memory_space<vmem>>, vector<128xf32>
    %broadcast_in_dim3A = vector.shape_cast %get3A_14 : vector<128xf32> to vector<1x128xf32>
    %add3A_15 = vector.broadcast %broadcast_in_dim3A : vector<1x128xf32> to vector<10240x128xf32>
    %add3A_16 = arith.addf %mul3A_12, %add3A_15 : vector<10240x128xf32>
    %iota3A = tpu.iota {dimensions = array<i32: 0>} : vector<10240x1xi32>
    %lt3A = arith.constant 10000 : i32
    %lt3A_17 = vector.broadcast %lt3A : i32 to vector<10240x1xi32>
    %lt3A_18 = arith.cmpi slt, %iota3A, %lt3A_17 : vector<10240x1xi32>
    %convert_element_type3A = arith.extui %lt3A_18 : vector<10240x1xi1> to vector<10240x1xi32>
    %convert_element_type3A_19 = arith.sitofp %convert_element_type3A : vector<10240x1xi32> to vector<10240x1xf32>
    %mul3A_20 = vector.broadcast %convert_element_type3A_19 : vector<10240x1xf32> to vector<10240x128xf32>
    %mul3A_21 = arith.mulf %add3A_16, %mul3A_20 : vector<10240x128xf32>
    %reduce_sum3A = arith.constant dense<0.000000e+00> : vector<128xf32>
    %reduce_sum3A_22 = vector.multi_reduction <add>, %mul3A_21, %reduce_sum3A [0] : vector<10240x128xf32> to vector<128xf32>
    %broadcast_in_dim3A_23 = vector.shape_cast %reduce_sum3A_22 : vector<128xf32> to vector<1x128xf32>
    %div3A = arith.constant 1.000000e+04 : f32
    %div3A_24 = vector.broadcast %div3A : f32 to vector<1x128xf32>
    %div3A_25 = arith.divf %broadcast_in_dim3A_23, %div3A_24 : vector<1x128xf32>
    %sub3A = vector.broadcast %div3A_25 : vector<1x128xf32> to vector<10240x128xf32>
    %sub3A_26 = arith.subf %add3A_16, %sub3A : vector<10240x128xf32>
    %mul3A_27 = vector.broadcast %convert_element_type3A_19 : vector<10240x1xf32> to vector<10240x128xf32>
    %mul3A_28 = arith.mulf %sub3A_26, %mul3A_27 : vector<10240x128xf32>
    %mul3A_29 = arith.mulf %mul3A_28, %mul3A_28 : vector<10240x128xf32>
    %reduce_sum3A_30 = arith.constant dense<0.000000e+00> : vector<128xf32>
    %reduce_sum3A_31 = vector.multi_reduction <add>, %mul3A_29, %reduce_sum3A_30 [0] : vector<10240x128xf32> to vector<128xf32>
    %broadcast_in_dim3A_32 = vector.shape_cast %reduce_sum3A_31 : vector<128xf32> to vector<1x128xf32>
    %div3A_33 = arith.constant 1.000000e+04 : f32
    %div3A_34 = vector.broadcast %div3A_33 : f32 to vector<1x128xf32>
    %div3A_35 = arith.divf %broadcast_in_dim3A_32, %div3A_34 : vector<1x128xf32>
    %get3A_36 = arith.constant 0 : index
    %get3A_37 = vector.load %arg3[%get3A_36] : memref<128xf32, #tpu.memory_space<vmem>>, vector<128xf32>
    %sub3A_38 = vector.broadcast %div3A_25 : vector<1x128xf32> to vector<10240x128xf32>
    %sub3A_39 = arith.subf %add3A_16, %sub3A_38 : vector<10240x128xf32>
    %broadcast_in_dim3A_40 = vector.shape_cast %get3A_37 : vector<128xf32> to vector<1x128xf32>
    %mul3A_41 = vector.broadcast %broadcast_in_dim3A_40 : vector<1x128xf32> to vector<10240x128xf32>
    %mul3A_42 = arith.mulf %mul3A_41, %sub3A_39 : vector<10240x128xf32>
    %add3A_43 = arith.constant 9.99999974E-6 : f32
    %add3A_44 = vector.broadcast %add3A_43 : f32 to vector<1x128xf32>
    %add3A_45 = arith.addf %div3A_35, %add3A_44 : vector<1x128xf32>
    %rsqrt3A = math.rsqrt %add3A_45 : vector<1x128xf32>
    %mul3A_46 = vector.broadcast %rsqrt3A : vector<1x128xf32> to vector<10240x128xf32>
    %mul3A_47 = arith.mulf %mul3A_42, %mul3A_46 : vector<10240x128xf32>
    %get3A_48 = arith.constant 0 : index
    %get3A_49 = vector.load %arg4[%get3A_48] : memref<128xf32, #tpu.memory_space<vmem>>, vector<128xf32>
    %broadcast_in_dim3A_50 = vector.shape_cast %get3A_49 : vector<128xf32> to vector<1x128xf32>
    %add3A_51 = vector.broadcast %broadcast_in_dim3A_50 : vector<1x128xf32> to vector<10240x128xf32>
    %add3A_52 = arith.addf %mul3A_47, %add3A_51 : vector<10240x128xf32>
    %max3A = arith.constant 0.000000e+00 : f32
    %max3A_53 = vector.broadcast %max3A : f32 to vector<10240x128xf32>
    %max3A_54 = arith.maximumf %add3A_52, %max3A_53 : vector<10240x128xf32>
    %mul3A_55 = vector.broadcast %convert_element_type3A_19 : vector<10240x1xf32> to vector<10240x128xf32>
    %mul3A_56 = arith.mulf %max3A_54, %mul3A_55 : vector<10240x128xf32>
    %get3A_57 = arith.constant 0 : index
    %get3A_58 = arith.constant 0 : index
    %get3A_59 = vector.load %arg5[%get3A_57, %get3A_58] : memref<10240x1xf32, #tpu.memory_space<vmem>>, vector<10240x1xf32>
    %mul3A_60 = vector.broadcast %get3A_59 : vector<10240x1xf32> to vector<10240x128xf32>
    %mul3A_61 = arith.mulf %mul3A_56, %mul3A_60 : vector<10240x128xf32>
    %swap3A = arith.constant 0 : index
    %swap3A_62 = arith.constant 0 : index
    %swap3A_63 = vector.load %arg6[%swap3A, %swap3A_62] : memref<10240x128xf32, #tpu.memory_space<vmem>>, vector<10240x128xf32>
    tpu.vector_store %arg6[%swap3A, %swap3A_62], %mul3A_61 {strides = array<i32>} : memref<10240x128xf32, #tpu.memory_space<vmem>>, vector<10240x128xf32>,
    return
  }
}

module attributes {stable_mosaic.version = 14 : i64} {
  func.func @_final_body(%arg0: memref<2x10240x128xf32, #tpu.memory_space<vmem>>, %arg1: memref<10240x1xf32, #tpu.memory_space<vmem>>, %arg2: memref<128x64xf32, #tpu.memory_space<vmem>>, %arg3: memref<64xf32, #tpu.memory_space<vmem>>, %arg4: memref<10240x64xf32, #tpu.memory_space<vmem>>) attributes {dimension_semantics = [], scalar_prefetch = 0 : i64, scratch_operands = 0 : i64, tpu.core_type = #tpu.core_type<tc>} {
    %get3A = arith.constant 0 : index
    %get3A_0 = arith.constant 0 : index
    %get3A_1 = arith.constant 0 : index
    %get3A_2 = vector.load %arg0[%get3A, %get3A_0, %get3A_1] : memref<2x10240x128xf32, #tpu.memory_space<vmem>>, vector<1x10240x128xf32>
    %get3A_3 = vector.shape_cast %get3A_2 : vector<1x10240x128xf32> to vector<10240x128xf32>
    %get3A_4 = arith.constant 1 : index
    %get3A_5 = arith.constant 0 : index
    %get3A_6 = arith.constant 0 : index
    %get3A_7 = vector.load %arg0[%get3A_4, %get3A_5, %get3A_6] : memref<2x10240x128xf32, #tpu.memory_space<vmem>>, vector<1x10240x128xf32>
    %get3A_8 = vector.shape_cast %get3A_7 : vector<1x10240x128xf32> to vector<10240x128xf32>
    %add3A = arith.addf %get3A_3, %get3A_8 : vector<10240x128xf32>
    %get3A_9 = arith.constant 0 : index
    %get3A_10 = arith.constant 0 : index
    %get3A_11 = vector.load %arg1[%get3A_9, %get3A_10] : memref<10240x1xf32, #tpu.memory_space<vmem>>, vector<10240x1xf32>
    %mul3A = vector.broadcast %get3A_11 : vector<10240x1xf32> to vector<10240x128xf32>
    %mul3A_12 = arith.mulf %add3A, %mul3A : vector<10240x128xf32>
    %get3A_13 = arith.constant 0 : index
    %get3A_14 = arith.constant 0 : index
    %get3A_15 = vector.load %arg2[%get3A_13, %get3A_14] : memref<128x64xf32, #tpu.memory_space<vmem>>, vector<128x64xf32>
    %dot_general3A = arith.constant dense<0.000000e+00> : vector<10240x64xf32>
    %dot_general3A_16 = tpu.matmul %mul3A_12, %get3A_15, %dot_general3A {dimension_numbers = #tpu.dot_dimension_numbers<[1], [0], [0], [1], [0, 0, 1, 1], [], []>, transpose_lhs_hint = false} : vector<10240x128xf32>, vector<128x64xf32>, vector<10240x64xf32> -> vector<10240x64xf32>
    %get3A_17 = arith.constant 0 : index
    %get3A_18 = vector.load %arg3[%get3A_17] : memref<64xf32, #tpu.memory_space<vmem>>, vector<64xf32>
    %broadcast_in_dim3A = vector.shape_cast %get3A_18 : vector<64xf32> to vector<1x64xf32>
    %add3A_19 = vector.broadcast %broadcast_in_dim3A : vector<1x64xf32> to vector<10240x64xf32>
    %add3A_20 = arith.addf %dot_general3A_16, %add3A_19 : vector<10240x64xf32>
    %iota3A = tpu.iota {dimensions = array<i32: 1>} : vector<1x64xi32>
    %lt3A = arith.constant 40 : i32
    %lt3A_21 = vector.broadcast %lt3A : i32 to vector<1x64xi32>
    %lt3A_22 = arith.cmpi slt, %iota3A, %lt3A_21 : vector<1x64xi32>
    %jit3A = arith.constant 0xFF800000 : f32
    %broadcast_in_dim3A_23 = vector.shape_cast %lt3A_22 : vector<1x64xi1> to vector<1x64xi1>
    %broadcast_in_dim3A_24 = vector.broadcast %broadcast_in_dim3A_23 : vector<1x64xi1> to vector<10240x64xi1>
    %broadcast_in_dim3A_25 = vector.broadcast %jit3A : f32 to vector<10240x64xf32>
    %select_n3A = arith.select %broadcast_in_dim3A_24, %add3A_20, %broadcast_in_dim3A_25 : vector<10240x64xi1>, vector<10240x64xf32>
    %reduce_max3A = arith.constant dense<0xFF800000> : vector<10240xf32>
    %reduce_max3A_26 = vector.multi_reduction <maximumf>, %select_n3A, %reduce_max3A [1] : vector<10240x64xf32> to vector<10240xf32>
    %broadcast_in_dim3A_27 = vector.shape_cast %reduce_max3A_26 : vector<10240xf32> to vector<10240x1xf32>
    %sub3A = vector.broadcast %broadcast_in_dim3A_27 : vector<10240x1xf32> to vector<10240x64xf32>
    %sub3A_28 = arith.subf %add3A_20, %sub3A : vector<10240x64xf32>
    %exp3A = math.exp %sub3A_28 : vector<10240x64xf32>
    %jit3A_29 = arith.constant 0.000000e+00 : f32
    %broadcast_in_dim3A_30 = vector.shape_cast %lt3A_22 : vector<1x64xi1> to vector<1x64xi1>
    %broadcast_in_dim3A_31 = vector.broadcast %broadcast_in_dim3A_30 : vector<1x64xi1> to vector<10240x64xi1>
    %broadcast_in_dim3A_32 = vector.broadcast %jit3A_29 : f32 to vector<10240x64xf32>
    %select_n3A_33 = arith.select %broadcast_in_dim3A_31, %exp3A, %broadcast_in_dim3A_32 : vector<10240x64xi1>, vector<10240x64xf32>
    %reduce_sum3A = arith.constant dense<0.000000e+00> : vector<10240xf32>
    %reduce_sum3A_34 = vector.multi_reduction <add>, %select_n3A_33, %reduce_sum3A [1] : vector<10240x64xf32> to vector<10240xf32>
    %broadcast_in_dim3A_35 = vector.shape_cast %reduce_sum3A_34 : vector<10240xf32> to vector<10240x1xf32>
    %log3A = math.log %broadcast_in_dim3A_35 : vector<10240x1xf32>
    %sub3A_36 = vector.broadcast %broadcast_in_dim3A_27 : vector<10240x1xf32> to vector<10240x64xf32>
    %sub3A_37 = arith.subf %add3A_20, %sub3A_36 : vector<10240x64xf32>
    %sub3A_38 = vector.broadcast %log3A : vector<10240x1xf32> to vector<10240x64xf32>
    %sub3A_39 = arith.subf %sub3A_37, %sub3A_38 : vector<10240x64xf32>
    %swap3A = arith.constant 0 : index
    %swap3A_40 = arith.constant 0 : index
    %swap3A_41 = vector.load %arg4[%swap3A, %swap3A_40] : memref<10240x64xf32, #tpu.memory_space<vmem>>, vector<10240x64xf32>
    tpu.vector_store %arg4[%swap3A, %swap3A_40], %sub3A_39 {strides = array<i32>} : memref<10240x64xf32, #tpu.memory_space<vmem>>, vector<10240x64xf32>,
    return
  }
}

</mosaic_0001>

<sc_bundles>
// kernel: kernel.11.cloned.1.call-start
scs
__scs_entry_jumppad:
0x0: {  	(pc) =	sbr.rel $0x88, $3  }
0x1: {  	(tag) =	ssettag $0x0;
	lr =	simm.s32 $0x1  }
0x2: {  	[smem:$0x3F95] =	sst lr;
	_ =	strace $0xD0000000  }
0x3: {  	_ = 	snop  }
0x4: {  	_ = 	snop  }
0x5: {  	_ = 	snop  }
0x6: {  	_ = 	snop  }
0x7: {  	_ = 	snop  }
__scs_overlays_trampoline_lowered:
0x8: {  	[smem:$0x3FA4] =	sst s0  }
0x9: {  	[smem:$0x3FA5] =	sst s1  }
0xa: {  	[smem:$0x3FA6] =	sst s2  }
0xb: {  	[smem:$0x3FA7] =	sst s3  }
0xc: {  	[smem:$0x3FA8] =	sst s4  }
0xd: {  	[smem:$0x3FA9] =	sst s5  }
0xe: {  	[smem:$0x3FAA] =	sst s6  }
0xf: {  	[smem:$0x3FAB] =	sst s7  }
0x10: {  	[smem:$0x3FAC] =	sst s8  }
0x11: {  	[smem:$0x3FAD] =	sst s9;
	s0 =	simm.s32 @!p0 $0x0  }
0x12: {  	s1 =	sld [smem:$0x3F93];
	s0 =	simm.s32 @p0 $0x1  }
0x13: {  	[smem:$0x3FAE] =	sst s0;
	s0 =	simm.s32 @!p1 $0x0  }
0x14: {  	s2 =	sld [smem:$0x3F92];
	s0 =	simm.s32 @p1 $0x1  }
0x15: {  	[smem:$0x3FAF] =	sst s0;
	s0 =	simm.s32 @!p2 $0x0  }
0x16: {  	s3 =	sld [smem:$0x3FDB];
	s0 =	simm.s32 @p2 $0x1  }
0x17: {  	s4 =	simm.s32 $0x1BF5;
	[smem:$0x3FB1] =	sst s0  }
0x18: {  	s0 =	sld [smem:$0x3F94];
	_ =	swait.ge [sflag:s4], $0x0  }
0x19: {  	s7 =	sld [smem:$0x3F95]  }
0x1a: {  	s8 =	sadd.s32 $0xFFFFE003, lr  }
0x1b: {  	s9 =	sadd.s32 $0xFFFFFEF7, lr;
	s5 =	simm.s32 $0xFFFFFFFF;
	p2 =	slt.u32 s8, $0xFFFFF086  }
0x1c: {  	p1 =	slt.u32 s9, $0xF7A;
	s5 =	simm.s32 @!p2 $0x0  }
0x1d: {  	s5 =	simm.s32 @p1 $0x1;
	p0 =	seq.s32 s7, s2  }
0x1e: {  	s7 =	smul.u32 @!p0 $0xF7A, s2;
	p2 =	seq.s32 @!p0 s5, $0x0  }
0x1f: {  	s9 =	smul.u32 $0xF7A, s1;
	s8 =	simm.s32 @!p0 $0x1BF5;
	p2 =	por !p2, p0  }
0x20: {  	[sflag:s8] =	ssyncset.s32 @!p0 $0xFFFFF086;
	s6 =	sadd.s32 @!p0 s3, s7;
	s7 =	simm.s32 @!p0 $0x108  }
0x21: {  	s3 =	sadd.s32 s3, s9;
	s6 =	sadd.s32 @!p0 $0x88, s6;
	s7 =	simm.s32 @p2 $0x1082  }
0x22: {  	[simem:s7], [sflag:s8] =	dma.local @!p0 [hbm:s6], $0xF7A  }
0x23: {  	s9 =	sor.u32 $0xD0000000, s2;
	s6 =	simm.s32 $0x108;
	_ =	swait.ge @!p0 [sflag:s8], $0x0  }
0x24: {  	s3 =	sadd.s32 $0x88, s3;
	s6 =	simm.s32 @!p1 $0x1082;
	[sflag:s4] =	ssyncset.s32 $0xFFFFF086  }
0x25: {  	[simem:s6], [sflag:s4] =	dma.local [hbm:s3], $0xF7A  }
0x26: {  	[smem:$0x3F95] =	sst s1;
	(tag) =	ssettag s2;
	_ =	strace s9  }
0x27: {  	s1 =	sld [smem:$0x3FA5]  }
0x28: {  	s2 =	sld [smem:$0x3FA6]  }
0x29: {  	s4 =	sld [smem:$0x3FA8]  }
0x2a: {  	p0 =	seq.s32 s5, $0x0;
	s5 =	sld [smem:$0x3FA9]  }
0x2b: {  	s6 =	sld [smem:$0x3FAA]  }
0x2c: {  	s7 =	sld [smem:$0x3FAB]  }
0x2d: {  	s3 =	simm.s32 $0x108;
	s8 =	sld [smem:$0x3FAC]  }
0x2e: {  	s3 =	simm.s32 @!p0 $0x1082;
	s9 =	sld [smem:$0x3FAD]  }
0x2f: {  	lr =	sadd.s32 s0, s3;
	s0 =	sld [smem:$0x3FA4]  }
0x30: {  	s3 =	sld [smem:$0x3FA7]  }
0x31: {  	[smem:$0x3FB0] =	sst s10  }
0x32: {  	s10 =	sld [smem:$0x3FAE];
	_ =	sdelay $0x3  }
0x33: {  	p0 =	seq.s32 s10, $0x1;
	s10 =	sld [smem:$0x3FB0];
	_ =	sdelay $0x3  }
0x34: {  	[smem:$0x3FB0] =	sst s10  }
0x35: {  	s10 =	sld [smem:$0x3FAF];
	_ =	sdelay $0x3  }
0x36: {  	p1 =	seq.s32 s10, $0x1;
	s10 =	sld [smem:$0x3FB0];
	_ =	sdelay $0x3  }
0x37: {  	[smem:$0x3FB0] =	sst s10  }
0x38: {  	s10 =	sld [smem:$0x3FB1]  }
0x39: {  	_ = 	snop;
	(pc) =	sbr.ind lr, $3  }
0x3a: {  	_ = 	snop  }
0x3b: {  	_ = 	snop  }
0x3c: {  	p2 =	seq.s32 s10, $0x1;
	s10 =	sld [smem:$0x3FB0]  }
0x3d: {  	_ =	shalt  }
0x3e: {  	_ =	shalt  }
0x3f: {  	_ =	shalt  }
0x40: {  	_ =	shalt  }
0x41: {  	_ =	shalt  }
0x42: {  	_ =	shalt  }
0x43: {  	_ =	shalt  }
0x44: {  	_ =	shalt  }
0x45: {  	_ =	shalt  }
0x46: {  	_ =	shalt  }
0x47: {  	_ =	shalt  }
0x48: {  	_ =	shalt  }
0x49: {  	_ =	shalt  }
0x4a: {  	_ =	shalt  }
0x4b: {  	_ =	shalt  }
0x4c: {  	_ =	shalt  }
0x4d: {  	_ =	shalt  }
0x4e: {  	_ =	shalt  }
0x4f: {  	_ =	shalt  }
0x50: {  	_ =	shalt  }
0x51: {  	_ =	shalt  }
0x52: {  	_ =	shalt  }
0x53: {  	_ =	shalt  }
0x54: {  	_ =	shalt  }
0x55: {  	_ =	shalt  }
0x56: {  	_ =	shalt  }
0x57: {  	_ =	shalt  }
0x58: {  	_ =	shalt  }
0x59: {  	_ =	shalt  }
0x5a: {  	_ =	shalt  }
0x5b: {  	_ =	shalt  }
0x5c: {  	_ =	shalt  }
0x5d: {  	_ =	shalt  }
0x5e: {  	_ =	shalt  }
0x5f: {  	_ =	shalt  }
0x60: {  	_ =	shalt  }
0x61: {  	_ =	shalt  }
0x62: {  	_ =	shalt  }
0x63: {  	_ =	shalt  }
0x64: {  	_ =	shalt  }
0x65: {  	_ =	shalt  }
0x66: {  	_ =	shalt  }
0x67: {  	_ =	shalt  }
0x68: {  	_ =	shalt  }
0x69: {  	_ =	shalt  }
0x6a: {  	_ =	shalt  }
0x6b: {  	_ =	shalt  }
0x6c: {  	_ =	shalt  }
0x6d: {  	_ =	shalt  }
0x6e: {  	_ =	shalt  }
0x6f: {  	_ =	shalt  }
0x70: {  	_ =	shalt  }
0x71: {  	_ =	shalt  }
0x72: {  	_ =	shalt  }
0x73: {  	_ =	shalt  }
0x74: {  	_ =	shalt  }
0x75: {  	_ =	shalt  }
0x76: {  	_ =	shalt  }
0x77: {  	_ =	shalt  }
0x78: {  	_ =	shalt  }
0x79: {  	_ =	shalt  }
0x7a: {  	_ =	shalt  }
0x7b: {  	_ =	shalt  }
0x7c: {  	_ =	shalt  }
0x7d: {  	_ =	shalt  }
0x7e: {  	_ =	shalt  }
0x7f: {  	_ =	shalt  }
0x80: {  	_ =	shalt  }
0x81: {  	_ =	shalt  }
0x82: {  	_ =	shalt  }
0x83: {  	_ =	shalt  }
0x84: {  	_ =	shalt  }
0x85: {  	_ =	shalt  }
0x86: {  	_ =	shalt  }
0x87: {  	_ =	shalt  }
.Lfunc_end0:
.L_simem_size_0:
called_computation_lowered:
.L_overlay_start_0:
0x88: {  	s2 =	sld [smem:$0x3FD9]  }
0x89: {  	s3 =	sld [smem:$0x3FFE];
	_ =	sdelay $0x1  }
0x8a: {  	s1 =	srdreg.scid  }
0x8b: {  	s0 =	sand.u32 $0x1, s1  }
0x8c: {  	s17 =	sshll.u32 s0, $0xA;
	s2 =	sadd.s32 s3, s2  }
0x8d: {  	s2 =	sadd.s32 s2, s17  }
0x8e: {  	[smem:$0x3FBC] =	sst s2  }
0x8f: {  	_ = 	snop  }
0x90: {  	s2 =	sld [smem:$0x3FD0];
	(tm) =	ssettm $0x1  }
0x91: {  	s18 =	sld [smem:$0x3FFB];
	_ =	sdelay $0x3  }
0x92: {  	_ =	strace s18  }
0x93: {  	s3 =	sld [smem:$0x3FFC];
	_ =	sdelay $0x3  }
0x94: {  	_ =	strace s3  }
0x95: {  	s3 =	sld [smem:$0x3FFD];
	_ =	sdelay $0x3  }
0x96: {  	_ =	strace s3  }
0x97: {  	_ =	strace $0x8FFFFFFF  }
0x98: {  	s19 =	sld [smem:$0x3FDB];
	_ =	sdelay $0x1  }
0x99: {  	s4 =	simm.s32 $_scs_section_size  }
0x9a: {  	s5 =	simm.s32 $_size__tile_overlayer_lowered;
	s6 =	simm.s32 $_tile_overlayer_lowered  }
0x9b: {  	s22 =	simm.s32 $0x1BFF;
	s21 =	sshll.u32 s6, $0x1;
	s3 =	sadd.s32 s4, s19  }
0x9c: {  	s7 =	simm.s32 $0x0;
	s20 =	sshll.u32 s5, $0x1;
	s5 =	sadd.s32 s21, s3  }
0x9d: {  	[timem:s7], [sflag:s22] =	dma.local [hbm:s5], s20  }
0x9e: {  	_ =	swait.ge [sflag:s22], s20  }
0x9f: {  	s4 =	ssub.s32 $0x0, s20;
	[sflag:s22] =	ssyncset.done $0x0  }
0xa0: {  	[sflag:s22] =	ssyncadd.s32 s4;
	_ =	sdelay $0x1  }
0xa1: {  	s23 =	simm.s32 $0x1B8B  }
0xa2: {  	_ =	swait.ge [sflag:s23], $0x1  }
0xa3: {  	[sflag:s23] =	ssyncset.done $0x0  }
0xa4: {  	s25 =	simm.s32 $0x1B8E;
	s24 =	sld [smem:$0x3FFE];
	[sflag:s23] =	ssyncadd.s32 $0xFFFFFFFF  }
0xa5: {  	s26 =	simm.s32 $execute0_lowered;
	[smem:$0x3FD2] =	sst s25  }
0xa6: {  	s5 =	sshll.u32 s26, $0x1;
	_ =	strace $0x80000046;
	[dreg:$0x1] =	wrdreg $0xFFFFFFFF  }
0xa7: {  	s28 =	simm.s32 $_size_execute0_lowered;
	s3 =	sadd.s32 s3, s5;
	[dreg:$0x0] =	wrdreg $0x0  }
0xa8: {  	s5 =	sshll.u32 s28, $0x1;
	[dreg:$0x2] =	wrdreg s3  }
0xa9: {  	[dreg:$0x3] =	wrdreg s5  }
0xaa: {  	[dreg:$0x4] =	wrdreg $0xC0  }
0xab: {  	_ =	task [dreg:s7], $0x5FFFF  }
0xac: {  	[dreg:$0x1] =	wrdreg $0xFFFFFFFF  }
0xad: {  	[dreg:$0x0] =	wrdreg $0x60  }
0xae: {  	[dreg:$0x2] =	wrdreg s24  }
0xaf: {  	[dreg:$0x3] =	wrdreg s2  }
0xb0: {  	[dreg:$0x4] =	wrdreg $0x53000  }
0xb1: {  	[dreg:$0x5] =	wrdreg $0x55800  }
0xb2: {  	[dreg:$0x6] =	wrdreg $0x9  }
0xb3: {  	_ =	task.clear_ibuf [dreg:s7], $0x7FFFF;
	_ =	strace $0x90000046  }
0xb4: {  	s29 =	simm.s32 $0x9;
	_ =	strace $0x80000048  }
0xb5: {  	_ =	swait.ge [sflag:s29], $0x1  }
0xb6: {  	[sflag:s29] =	ssyncadd.s32 $0xFFFFFFFF  }
0xb7: {  	_ =	strace $0x90000048  }
0xb8: {  	_ =	sfence  }
0xb9: {  	s30 =	sld [smem:$0x0];
	_ =	sdelay $0x2  }
0xba: {  	s31 =	sshll.u32 s1, $0xD;
	s1 =	sshrl.u32 s1, $0x2  }
0xbb: {  	s3 =	sand.u32 $0x4000, s31;
	s1 =	sadd.s32 s1, s30  }
0xbc: {  	s0 =	sor.u32 s3, s0;
	s1 =	sshll.u32 s1, $0x11  }
0xbd: {  	s0 =	sor.u32 s1, s0  }
0xbe: {  	s0 =	sadd.s32 $0x8F2B, s0  }
0xbf: {  	[sflag:s0] =	ssyncadd.remote.s32 $0x1  }
0xc0: {  	_ =	sfence.sel $0xFFFF  }
0xc1: {  	[dreg:$0x0] =	wrdreg $0xFFFFFFFF;
	(pc) =	sbr.abs _section_cstart, $3  }
0xc2: {  	[dreg:$0x1] =	wrdreg $0xFFFFFFFF  }
0xc3: {  	_ =	task.clear_ibuf [dreg:s7], $0x2FFFF;
	_ =	strace $0x9FFFFFFF  }
0xc4: {  	(tm) =	ssettm $0x7FFFFFFF  }
0xc5: {  	_ =	shalt  }
tec
execute0_lowered:
.L_overlay_start_1:
0x0: {  	(tag) =	ssettag $0x1  }
0x1: {  	s5 =	rddreg [dreg:$0x0]  }
0x2: {  	s8 =	rddreg [dreg:$0x1]  }
0x3: {  	s1 =	rddreg [dreg:$0x2]  }
0x4: {  	s2 =	rddreg [dreg:$0x3]  }
0x5: {  	s3 =	srdreg.scid;
	s0 =	rddreg [dreg:$0x4];
	s4 =	simm.s32 $0x0  }
0x6: {  	s14 =	simm.s32 $0x2800;
	s15 =	simm.s32 $0x80;
	s16 =	simm.s32 $0x5000  }
0x7: {  	s19 =	simm.s32 $0x20;
	s20 =	simm.s32 $0x10;
	s6 =	sand.u32 $0x1, s3  }
0x8: {  	s22 =	simm.s32 $0x0;
	s3 =	stileid.u32;
	s9 =	smul.u32 $0x5000, s6  }
0x9: {  	[smem:$0x7FF] =	sst s4;
	s7 =	sshll.u32 s6, $0x4;
	s10 =	smul.u32 $0x500, s3  }
0xa: {  	_ =	strace $0x80000047;
	s6 =	ssub.s32 $0x2, s6;
	s30 =	smul.u32 $0x280, s3  }
0xb: {  	s17 =	sshll.u32 s3, $0x6;
	s7 =	sor.u32 s3, s7;
	s12 =	sshrl.u32 s6, $0x1  }
0xc: {  	s17 =	sor.u32 $0x1C01, s17;
	s11 =	smul.u32 $0x500, s7;
	s29 =	sadd.s32 s10, s9  }
0xd: {  	s12 =	ssub.s32 s6, s12;
	s6 =	sadd.s32 s30, s2;
	s7 =	sshrl.u32 s29, $0x3  }
0xe: {  	s21 =	sshrl.u32 s6, $0x3;
	s31 =	sadd.s32 s11, s5;
	s13 =	sadd.s32 s7, s5  }
0xf: {  	s5 =	sadd.s32 s30, s1;
	s8 =	sadd.s32 s8, s11;
	s11 =	smax.u32 s12, $0x1  }
0x10: {  	s12 =	simm.s32 $0x5080;
	s7 =	sadd.s32 $0x3200, s31;
	s9 =	sadd.s32 $0xD200, s13  }
0x11: {  	v0 =	vimm.f32 $1.000000000e+00;
	v1 =	vimm.f32 $0.0e+00;
	s10 =	sadd.s32 $0xD210, s13;
	s13 =	simm.s32 $0x1;
	s18 =	sshrl.u32 s5, $0x3  }
.LBB2_1:
0x12: {  	[tilespmem:$0x5000] =	vst v0  }
0x13: {  	[tilespmem:$0x5010] =	vst v0  }
0x14: {  	[tilespmem:$0x5020] =	vst v0  }
0x15: {  	[tilespmem:$0x5030] =	vst v0  }
0x16: {  	[tilespmem:$0x5040] =	vst v0  }
0x17: {  	[tilespmem:$0x5050] =	vst v0  }
0x18: {  	[tilespmem:$0x5060] =	vst v0  }
0x19: {  	[tilespmem:$0x5070] =	vst v0  }
0x1a: {  	[tilespmem:$0x5080] =	vst v1  }
0x1b: {  	[tilespmem:$0x5090] =	vst v1  }
0x1c: {  	[tilespmem:$0x50A0] =	vst v1  }
0x1d: {  	[tilespmem:$0x50B0] =	vst v1  }
0x1e: {  	[tilespmem:$0x50C0] =	vst v1  }
0x1f: {  	[tilespmem:$0x50D0] =	vst v1  }
0x20: {  	[tilespmem:$0x50E0] =	vst v1  }
0x21: {  	[tilespmem:$0x50F0] =	vst v1  }
0x22: {  	[tilespmem:$0x5100] =	vst v1  }
0x23: {  	[tilespmem:$0x5110] =	vst v1  }
0x24: {  	[tilespmem:$0x5120] =	vst v1  }
0x25: {  	[tilespmem:$0x5130] =	vst v1  }
0x26: {  	[tilespmem:$0x5140] =	vst v1  }
0x27: {  	[tilespmem:$0x5150] =	vst v1  }
0x28: {  	[tilespmem:$0x5160] =	vst v1  }
0x29: {  	[tilespmem:$0x5170] =	vst v1  }
0x2a: {  	[tilespmem:$0x5180] =	vst v1  }
0x2b: {  	[tilespmem:$0x5190] =	vst v1  }
0x2c: {  	[tilespmem:$0x51A0] =	vst v1  }
0x2d: {  	[tilespmem:$0x51B0] =	vst v1  }
0x2e: {  	[tilespmem:$0x51C0] =	vst v1  }
0x2f: {  	[tilespmem:$0x51D0] =	vst v1  }
0x30: {  	[tilespmem:$0x51E0] =	vst v1  }
0x31: {  	[tilespmem:$0x51F0] =	vst v1  }
0x32: {  	[tilespmem:$0x5200] =	vst v1  }
0x33: {  	[tilespmem:$0x5210] =	vst v1  }
0x34: {  	[tilespmem:$0x5220] =	vst v1  }
0x35: {  	[tilespmem:$0x5230] =	vst v1  }
0x36: {  	[tilespmem:$0x5240] =	vst v1  }
0x37: {  	[tilespmem:$0x5250] =	vst v1  }
0x38: {  	[tilespmem:$0x5260] =	vst v1  }
0x39: {  	[tilespmem:$0x5270] =	vst v1  }
0x3a: {  	[tilespmem:$0x5280] =	vst v1  }
0x3b: {  	[tilespmem:$0x5290] =	vst v1  }
0x3c: {  	[tilespmem:$0x52A0] =	vst v1  }
0x3d: {  	[tilespmem:$0x52B0] =	vst v1  }
0x3e: {  	[tilespmem:$0x52C0] =	vst v1  }
0x3f: {  	[tilespmem:$0x52D0] =	vst v1  }
0x40: {  	[tilespmem:$0x52E0] =	vst v1  }
0x41: {  	[tilespmem:$0x52F0] =	vst v1  }
0x42: {  	[spmem:s5] =	stream.linear.scatter [tilespmem:s12], [sflag:$0x1], $0x280, $0x38;
	[tilespmem:$0x5800] =	vst v63  }
0x43: {  	_ =	swait.ge [sflag:s13], $0x280  }
0x44: {  	[sflag:s13] =	ssyncset.done $0x0  }
0x45: {  	[sflag:s13] =	ssyncadd.s32 $0xFFFFFD80  }
0x46: {  	[spmem:s6] =	stream.linear.scatter [tilespmem:s12], [sflag:$0x1], $0x280, $0x38;
	[tilespmem:$0x5800] =	vst v63  }
0x47: {  	_ =	swait.ge [sflag:s13], $0x280  }
0x48: {  	[sflag:s13] =	ssyncset.done $0x0  }
0x49: {  	[sflag:s13] =	ssyncadd.s32 $0xFFFFFD80  }
0x4a: {  	[bflag:$0x0] =	sbarrier.arrive $0xFFFF  }
0x4b: {  	[tilespmem:s4], [sflag:$0x1] =	stream.linear.gather [hbm4b:s7+s4], $0x2800, $0x38;
	[tilespmem:$0x5800] =	vst v63  }
0x4c: {  	_ =	swait.ge [sflag:s13], $0x2800  }
0x4d: {  	[sflag:s13] =	ssyncset.done $0x0  }
0x4e: {  	[sflag:s13] =	ssyncadd.s32 $0xFFFFD800  }
0x4f: {  	[tilespmem:s14], [sflag:$0x1] =	stream.linear.gather [hbm4b:s8+s4], $0x2800, $0x38;
	[tilespmem:$0x5800] =	vst v63  }
0x50: {  	_ =	swait.ge [sflag:s13], $0x2800  }
0x51: {  	[sflag:s13] =	ssyncset.done $0x0  }
0x52: {  	s23 =	simm.s32 $0x0;
	[sflag:s13] =	ssyncadd.s32 $0xFFFFD800  }
0x53: {  	[spmem:s1] =	stream.indirect.scatter.add.f32 [tilespmem:s16], [sflag:$0x1], $0x1, s23, s15, $0xb8;
	[tilespmem:$0x5800] =	vst v63  }
0x54: {  	_ =	swait.ge [sflag:s13], $0x80  }
0x55: {  	[sflag:s13] =	ssyncset.done $0x0  }
0x56: {  	s31 =	simm.s32 $0x2800;
	[sflag:s13] =	ssyncadd.s32 $0xFFFFFF80  }
0x57: {  	[spmem:s2] =	stream.indirect.scatter.add.f32 [tilespmem:s16], [sflag:$0x1], $0x1, s31, s15, $0xb8;
	[tilespmem:$0x5800] =	vst v63  }
0x58: {  	_ =	swait.ge [sflag:s13], $0x80  }
0x59: {  	s24 =	simm.s32 $0x400;
	s23 =	simm.s32 $0x200;
	[sflag:s13] =	ssyncset.done $0x0  }
.LBB2_2:
0x5a: {  	s25 =	sshra.s32 s23, $0x2  }
0x5b: {  	[sflag:s13] =	ssyncadd.s32 $0xFFFFFF80;
	s23 =	smov.u32 s24;
	s26 =	sadd.s32 $0x200, s24  }
0x5c: {  	[spmem:s1] =	stream.indirect.scatter.add.f32 [tilespmem:s16], [sflag:$0x1], $0x1, s25, s15, $0xb8;
	[tilespmem:$0x5800] =	vst v63  }
0x5d: {  	p0 =	sne.s32 s24, $0x9E00;
	_ =	swait.ge [sflag:s13], $0x80  }
.Ltmp0:
0x5e: {  	[sflag:s13] =	ssyncset.done $0x0;
	(pc) =	sbr.rel @p0 .LBB2_2-.Ltmp0, $4  }
0x5f: {  	s24 =	sadd.s32 $0x2800, s25;
	[sflag:s13] =	ssyncadd.s32 $0xFFFFFF80  }
0x60: {  	[spmem:s2] =	stream.indirect.scatter.add.f32 [tilespmem:s16], [sflag:$0x1], $0x1, s24, s15, $0xb8;
	[tilespmem:$0x5800] =	vst v63  }
0x61: {  	_ =	swait.ge [sflag:s13], $0x80  }
0x62: {  	s24 =	smov.u32 s26;
	[sflag:s13] =	ssyncset.done $0x0  }
0x63: {  	s23 =	sshra.s32 s23, $0x2;
	[sflag:s13] =	ssyncadd.s32 $0xFFFFFF80  }
0x64: {  	[spmem:s1] =	stream.indirect.scatter.add.f32 [tilespmem:s16], [sflag:$0x1], $0x1, s23, s15, $0xb8;
	[tilespmem:$0x5800] =	vst v63  }
0x65: {  	_ =	swait.ge [sflag:s13], $0x80  }
0x66: {  	[sflag:s13] =	ssyncset.done $0x0  }
0x67: {  	s23 =	sadd.s32 $0x2800, s23;
	[sflag:s13] =	ssyncadd.s32 $0xFFFFFF80  }
0x68: {  	[spmem:s2] =	stream.indirect.scatter.add.f32 [tilespmem:s16], [sflag:$0x1], $0x1, s23, s15, $0xb8;
	[tilespmem:$0x5800] =	vst v63  }
0x69: {  	_ =	swait.ge [sflag:s13], $0x80  }
0x6a: {  	[sflag:s13] =	ssyncset.done $0x0  }
0x6b: {  	[sflag:s13] =	ssyncadd.s32 $0xFFFFFF80  }
0x6c: {  	[bflag:$0x0] =	sbarrier.arrive $0xFFFF  }
0x6d: {  	[hbm:s9@s19], [sflag:s17] =	dma.strided [spmem:s18@s20], $0x50, s13, $0x10   }
0x6e: {  	s22 =	sadd.s32 $0x1, s22;
	_ =	swait.ge [sflag:s13], $0x50  }
0x6f: {  	p0 =	sne.s32 s22, s11;
	[sflag:s13] =	ssyncset.done $0x0  }
.Ltmp1:
0x70: {  	[sflag:s13] =	ssyncadd.s32 $0xFFFFFFB0;
	(pc) =	sbr.rel @p0 .LBB2_1-.Ltmp1, $4  }
0x71: {  	[hbm:s10@s19], [sflag:s17] =	dma.strided [spmem:s21@s20], $0x50, s13, $0x10   }
0x72: {  	_ =	swait.ge [sflag:s13], $0x50  }
0x73: {  	[sflag:s13] =	ssyncset.done $0x0  }
0x74: {  	[sflag:s13] =	ssyncadd.s32 $0xFFFFFFB0  }
0x75: {  	_ =	sfence.sel $0x180000  }
0x76: {  	[bflag:$0x0] =	sbarrier.arrive $0xFFFF  }
0x77: {  	p0 =	sne.s32 s3, $0x0;
	_ =	strace $0x90000047  }
0x78: {  	s0 =	sadd.s32 @!p0 $0x100000, s0;
	[bflag:$0x2] =	sbarrier.arrive $0xFFFF  }
0x79: {  	[sflag:s0] =	ssyncadd.tile.s32 @!p0 $0x1;
	_ =	shalt  }
.Lfunc_end2:
_tile_overlayer_lowered:
.L_overlay_start_2:
0x7a: {  	(tag) =	ssettag $0x2  }
0x7b: {  	s0 =	rddreg [dreg:$0x0];
	s2 =	stileid.u32  }
0x7c: {  	s1 =	rddreg [dreg:$0x1];
	p0 =	sne.s32 s2, $0x0  }
0x7d: {  	s3 =	rddreg [dreg:$0x2];
	[bflag:$0x3] =	sbarrier.arrive $0xFFFF;
	s2 =	simm.s32 @!p0 $0x1C01  }
0x7e: {  	[timem:s3], [sflag:s2] =	dma.local @!p0 [hbm:s0], s1  }
0x7f: {  	s0 =	simm.s32 @!p0 $0x1  }
0x80: {  	_ =	swait.ge @!p0 [sflag:s0], s1  }
0x81: {  	s1 =	ssub.s32 @!p0 $0x0, s1;
	[sflag:s0] =	ssyncset.done @!p0 $0x0  }
0x82: {  	[sflag:s0] =	ssyncadd.s32 @!p0 s1  }
0x83: {  	[bflag:$0x3] =	sbarrier.arrive $0xFFFF  }
0x84: {  	_ =	shalt  }

// kernel: kernel.14.cloned.1.call-start
scs
__scs_entry_jumppad:
0x0: {  	(pc) =	sbr.rel $0x88, $3  }
0x1: {  	(tag) =	ssettag $0x0;
	lr =	simm.s32 $0x1  }
0x2: {  	[smem:$0x3F95] =	sst lr;
	_ =	strace $0xD0000000  }
0x3: {  	_ = 	snop  }
0x4: {  	_ = 	snop  }
0x5: {  	_ = 	snop  }
0x6: {  	_ = 	snop  }
0x7: {  	_ = 	snop  }
__scs_overlays_trampoline_lowered:
0x8: {  	[smem:$0x3FA4] =	sst s0  }
0x9: {  	[smem:$0x3FA5] =	sst s1  }
0xa: {  	[smem:$0x3FA6] =	sst s2  }
0xb: {  	[smem:$0x3FA7] =	sst s3  }
0xc: {  	[smem:$0x3FA8] =	sst s4  }
0xd: {  	[smem:$0x3FA9] =	sst s5  }
0xe: {  	[smem:$0x3FAA] =	sst s6  }
0xf: {  	[smem:$0x3FAB] =	sst s7  }
0x10: {  	[smem:$0x3FAC] =	sst s8  }
0x11: {  	[smem:$0x3FAD] =	sst s9;
	s0 =	simm.s32 @!p0 $0x0  }
0x12: {  	s1 =	sld [smem:$0x3F93];
	s0 =	simm.s32 @p0 $0x1  }
0x13: {  	[smem:$0x3FAE] =	sst s0;
	s0 =	simm.s32 @!p1 $0x0  }
0x14: {  	s2 =	sld [smem:$0x3F92];
	s0 =	simm.s32 @p1 $0x1  }
0x15: {  	[smem:$0x3FAF] =	sst s0;
	s0 =	simm.s32 @!p2 $0x0  }
0x16: {  	s3 =	sld [smem:$0x3FDB];
	s0 =	simm.s32 @p2 $0x1  }
0x17: {  	s4 =	simm.s32 $0x1BF5;
	[smem:$0x3FB1] =	sst s0  }
0x18: {  	s0 =	sld [smem:$0x3F94];
	_ =	swait.ge [sflag:s4], $0x0  }
0x19: {  	s7 =	sld [smem:$0x3F95]  }
0x1a: {  	s8 =	sadd.s32 $0xFFFFE003, lr  }
0x1b: {  	s9 =	sadd.s32 $0xFFFFFEF7, lr;
	s5 =	simm.s32 $0xFFFFFFFF;
	p2 =	slt.u32 s8, $0xFFFFF086  }
0x1c: {  	p1 =	slt.u32 s9, $0xF7A;
	s5 =	simm.s32 @!p2 $0x0  }
0x1d: {  	s5 =	simm.s32 @p1 $0x1;
	p0 =	seq.s32 s7, s2  }
0x1e: {  	s7 =	smul.u32 @!p0 $0xF7A, s2;
	p2 =	seq.s32 @!p0 s5, $0x0  }
0x1f: {  	s9 =	smul.u32 $0xF7A, s1;
	s8 =	simm.s32 @!p0 $0x1BF5;
	p2 =	por !p2, p0  }
0x20: {  	[sflag:s8] =	ssyncset.s32 @!p0 $0xFFFFF086;
	s6 =	sadd.s32 @!p0 s3, s7;
	s7 =	simm.s32 @!p0 $0x108  }
0x21: {  	s3 =	sadd.s32 s3, s9;
	s6 =	sadd.s32 @!p0 $0x88, s6;
	s7 =	simm.s32 @p2 $0x1082  }
0x22: {  	[simem:s7], [sflag:s8] =	dma.local @!p0 [hbm:s6], $0xF7A  }
0x23: {  	s9 =	sor.u32 $0xD0000000, s2;
	s6 =	simm.s32 $0x108;
	_ =	swait.ge @!p0 [sflag:s8], $0x0  }
0x24: {  	s3 =	sadd.s32 $0x88, s3;
	s6 =	simm.s32 @!p1 $0x1082;
	[sflag:s4] =	ssyncset.s32 $0xFFFFF086  }
0x25: {  	[simem:s6], [sflag:s4] =	dma.local [hbm:s3], $0xF7A  }
0x26: {  	[smem:$0x3F95] =	sst s1;
	(tag) =	ssettag s2;
	_ =	strace s9  }
0x27: {  	s1 =	sld [smem:$0x3FA5]  }
0x28: {  	s2 =	sld [smem:$0x3FA6]  }
0x29: {  	s4 =	sld [smem:$0x3FA8]  }
0x2a: {  	p0 =	seq.s32 s5, $0x0;
	s5 =	sld [smem:$0x3FA9]  }
0x2b: {  	s6 =	sld [smem:$0x3FAA]  }
0x2c: {  	s7 =	sld [smem:$0x3FAB]  }
0x2d: {  	s3 =	simm.s32 $0x108;
	s8 =	sld [smem:$0x3FAC]  }
0x2e: {  	s3 =	simm.s32 @!p0 $0x1082;
	s9 =	sld [smem:$0x3FAD]  }
0x2f: {  	lr =	sadd.s32 s0, s3;
	s0 =	sld [smem:$0x3FA4]  }
0x30: {  	s3 =	sld [smem:$0x3FA7]  }
0x31: {  	[smem:$0x3FB0] =	sst s10  }
0x32: {  	s10 =	sld [smem:$0x3FAE];
	_ =	sdelay $0x3  }
0x33: {  	p0 =	seq.s32 s10, $0x1;
	s10 =	sld [smem:$0x3FB0];
	_ =	sdelay $0x3  }
0x34: {  	[smem:$0x3FB0] =	sst s10  }
0x35: {  	s10 =	sld [smem:$0x3FAF];
	_ =	sdelay $0x3  }
0x36: {  	p1 =	seq.s32 s10, $0x1;
	s10 =	sld [smem:$0x3FB0];
	_ =	sdelay $0x3  }
0x37: {  	[smem:$0x3FB0] =	sst s10  }
0x38: {  	s10 =	sld [smem:$0x3FB1]  }
0x39: {  	_ = 	snop;
	(pc) =	sbr.ind lr, $3  }
0x3a: {  	_ = 	snop  }
0x3b: {  	_ = 	snop  }
0x3c: {  	p2 =	seq.s32 s10, $0x1;
	s10 =	sld [smem:$0x3FB0]  }
0x3d: {  	_ =	shalt  }
0x3e: {  	_ =	shalt  }
0x3f: {  	_ =	shalt  }
0x40: {  	_ =	shalt  }
0x41: {  	_ =	shalt  }
0x42: {  	_ =	shalt  }
0x43: {  	_ =	shalt  }
0x44: {  	_ =	shalt  }
0x45: {  	_ =	shalt  }
0x46: {  	_ =	shalt  }
0x47: {  	_ =	shalt  }
0x48: {  	_ =	shalt  }
0x49: {  	_ =	shalt  }
0x4a: {  	_ =	shalt  }
0x4b: {  	_ =	shalt  }
0x4c: {  	_ =	shalt  }
0x4d: {  	_ =	shalt  }
0x4e: {  	_ =	shalt  }
0x4f: {  	_ =	shalt  }
0x50: {  	_ =	shalt  }
0x51: {  	_ =	shalt  }
0x52: {  	_ =	shalt  }
0x53: {  	_ =	shalt  }
0x54: {  	_ =	shalt  }
0x55: {  	_ =	shalt  }
0x56: {  	_ =	shalt  }
0x57: {  	_ =	shalt  }
0x58: {  	_ =	shalt  }
0x59: {  	_ =	shalt  }
0x5a: {  	_ =	shalt  }
0x5b: {  	_ =	shalt  }
0x5c: {  	_ =	shalt  }
0x5d: {  	_ =	shalt  }
0x5e: {  	_ =	shalt  }
0x5f: {  	_ =	shalt  }
0x60: {  	_ =	shalt  }
0x61: {  	_ =	shalt  }
0x62: {  	_ =	shalt  }
0x63: {  	_ =	shalt  }
0x64: {  	_ =	shalt  }
0x65: {  	_ =	shalt  }
0x66: {  	_ =	shalt  }
0x67: {  	_ =	shalt  }
0x68: {  	_ =	shalt  }
0x69: {  	_ =	shalt  }
0x6a: {  	_ =	shalt  }
0x6b: {  	_ =	shalt  }
0x6c: {  	_ =	shalt  }
0x6d: {  	_ =	shalt  }
0x6e: {  	_ =	shalt  }
0x6f: {  	_ =	shalt  }
0x70: {  	_ =	shalt  }
0x71: {  	_ =	shalt  }
0x72: {  	_ =	shalt  }
0x73: {  	_ =	shalt  }
0x74: {  	_ =	shalt  }
0x75: {  	_ =	shalt  }
0x76: {  	_ =	shalt  }
0x77: {  	_ =	shalt  }
0x78: {  	_ =	shalt  }
0x79: {  	_ =	shalt  }
0x7a: {  	_ =	shalt  }
0x7b: {  	_ =	shalt  }
0x7c: {  	_ =	shalt  }
0x7d: {  	_ =	shalt  }
0x7e: {  	_ =	shalt  }
0x7f: {  	_ =	shalt  }
0x80: {  	_ =	shalt  }
0x81: {  	_ =	shalt  }
0x82: {  	_ =	shalt  }
0x83: {  	_ =	shalt  }
0x84: {  	_ =	shalt  }
0x85: {  	_ =	shalt  }
0x86: {  	_ =	shalt  }
0x87: {  	_ =	shalt  }
.Lfunc_end0:
.L_simem_size_0:
called_computation.1_lowered:
.L_overlay_start_0:
0x88: {  	s2 =	sld [smem:$0x3FD9]  }
0x89: {  	s3 =	sld [smem:$0x3FFE];
	_ =	sdelay $0x1  }
0x8a: {  	s1 =	srdreg.scid  }
0x8b: {  	s0 =	sand.u32 $0x1, s1  }
0x8c: {  	s17 =	sshll.u32 s0, $0xA;
	s2 =	sadd.s32 s3, s2  }
0x8d: {  	s2 =	sadd.s32 s2, s17  }
0x8e: {  	[smem:$0x3FBC] =	sst s2  }
0x8f: {  	_ = 	snop  }
0x90: {  	s2 =	sld [smem:$0x3FD0];
	(tm) =	ssettm $0x1  }
0x91: {  	s18 =	sld [smem:$0x3FFB];
	_ =	sdelay $0x3  }
0x92: {  	_ =	strace s18  }
0x93: {  	s3 =	sld [smem:$0x3FFC];
	_ =	sdelay $0x3  }
0x94: {  	_ =	strace s3  }
0x95: {  	s3 =	sld [smem:$0x3FFD];
	_ =	sdelay $0x3  }
0x96: {  	_ =	strace s3  }
0x97: {  	_ =	strace $0x8FFFFFFF  }
0x98: {  	s19 =	sld [smem:$0x3FDB];
	_ =	sdelay $0x1  }
0x99: {  	s4 =	simm.s32 $_scs_section_size  }
0x9a: {  	s5 =	simm.s32 $_size__tile_overlayer_lowered;
	s6 =	simm.s32 $_tile_overlayer_lowered  }
0x9b: {  	s22 =	simm.s32 $0x1BFF;
	s21 =	sshll.u32 s6, $0x1;
	s3 =	sadd.s32 s4, s19  }
0x9c: {  	s7 =	simm.s32 $0x0;
	s20 =	sshll.u32 s5, $0x1;
	s5 =	sadd.s32 s21, s3  }
0x9d: {  	[timem:s7], [sflag:s22] =	dma.local [hbm:s5], s20  }
0x9e: {  	_ =	swait.ge [sflag:s22], s20  }
0x9f: {  	s4 =	ssub.s32 $0x0, s20;
	[sflag:s22] =	ssyncset.done $0x0  }
0xa0: {  	[sflag:s22] =	ssyncadd.s32 s4;
	_ =	sdelay $0x1  }
0xa1: {  	s23 =	simm.s32 $0x1B8B  }
0xa2: {  	_ =	swait.ge [sflag:s23], $0x1  }
0xa3: {  	[sflag:s23] =	ssyncset.done $0x0  }
0xa4: {  	s25 =	simm.s32 $0x1B8E;
	s24 =	sld [smem:$0x3FFE];
	[sflag:s23] =	ssyncadd.s32 $0xFFFFFFFF  }
0xa5: {  	s26 =	simm.s32 $execute0_lowered;
	[smem:$0x3FD2] =	sst s25  }
0xa6: {  	s5 =	sshll.u32 s26, $0x1;
	_ =	strace $0x80000049;
	[dreg:$0x1] =	wrdreg $0xFFFFFFFF  }
0xa7: {  	s28 =	simm.s32 $_size_execute0_lowered;
	s3 =	sadd.s32 s3, s5;
	[dreg:$0x0] =	wrdreg $0x0  }
0xa8: {  	s5 =	sshll.u32 s28, $0x1;
	[dreg:$0x2] =	wrdreg s3  }
0xa9: {  	[dreg:$0x3] =	wrdreg s5  }
0xaa: {  	[dreg:$0x4] =	wrdreg $0xC0  }
0xab: {  	_ =	task [dreg:s7], $0x5FFFF  }
0xac: {  	[dreg:$0x1] =	wrdreg $0xFFFFFFFF  }
0xad: {  	[dreg:$0x0] =	wrdreg $0x60  }
0xae: {  	[dreg:$0x2] =	wrdreg s24  }
0xaf: {  	[dreg:$0x3] =	wrdreg s2  }
0xb0: {  	[dreg:$0x4] =	wrdreg $0x90000  }
0xb1: {  	[dreg:$0x5] =	wrdreg $0x9  }
0xb2: {  	_ =	task.clear_ibuf [dreg:s7], $0x6FFFF;
	_ =	strace $0x90000049  }
0xb3: {  	s29 =	simm.s32 $0x9;
	_ =	strace $0x8000004B  }
0xb4: {  	_ =	swait.ge [sflag:s29], $0x1  }
0xb5: {  	[sflag:s29] =	ssyncadd.s32 $0xFFFFFFFF  }
0xb6: {  	_ =	strace $0x9000004B  }
0xb7: {  	_ =	sfence  }
0xb8: {  	s30 =	sld [smem:$0x0];
	_ =	sdelay $0x2  }
0xb9: {  	s31 =	sshll.u32 s1, $0xD;
	s1 =	sshrl.u32 s1, $0x2  }
0xba: {  	s3 =	sand.u32 $0x4000, s31;
	s1 =	sadd.s32 s1, s30  }
0xbb: {  	s0 =	sor.u32 s3, s0;
	s1 =	sshll.u32 s1, $0x11  }
0xbc: {  	s0 =	sor.u32 s1, s0  }
0xbd: {  	s0 =	sadd.s32 $0x8F2B, s0  }
0xbe: {  	[sflag:s0] =	ssyncadd.remote.s32 $0x1  }
0xbf: {  	_ =	sfence.sel $0xFFFF  }
0xc0: {  	[dreg:$0x0] =	wrdreg $0xFFFFFFFF;
	(pc) =	sbr.abs _section_cstart, $3  }
0xc1: {  	[dreg:$0x1] =	wrdreg $0xFFFFFFFF  }
0xc2: {  	_ =	task.clear_ibuf [dreg:s7], $0x2FFFF;
	_ =	strace $0x9FFFFFFF  }
0xc3: {  	(tm) =	ssettm $0x7FFFFFFF  }
tec
execute0_lowered:
.L_overlay_start_1:
0x0: {  	(tag) =	ssettag $0x1  }
0x1: {  	s6 =	rddreg [dreg:$0x0]  }
0x2: {  	s0 =	srdreg.scid;
	s11 =	rddreg [dreg:$0x1]  }
0x3: {  	s2 =	rddreg [dreg:$0x2];
	s3 =	simm.s32 $0x0;
	s15 =	simm.s32 $0x2  }
0x4: {  	s16 =	simm.s32 $0x2800;
	s17 =	simm.s32 $0x80;
	s5 =	sand.u32 $0x1, s0  }
0x5: {  	s18 =	simm.s32 $0x1;
	s0 =	stileid.u32;
	s7 =	smul.u32 $0x140000, s5  }
0x6: {  	[smem:$0x7FF] =	sst s3;
	s4 =	sadd.s32 $0xD200, s6;
	s8 =	smul.u32 $0x14000, s0  }
0x7: {  	s1 =	sshll.u32 s5, $0x4;
	s9 =	smul.u32 $0x50000, s0;
	s29 =	ssub.s32 $0x2, s5  }
0x8: {  	s19 =	sshll.u32 s0, $0x6;
	s1 =	sor.u32 s0, s1;
	s31 =	sshrl.u32 s29, $0x1  }
0x9: {  	s19 =	sor.u32 $0x1C02, s19;
	s12 =	smul.u32 $0x500, s1;
	s1 =	rddreg [dreg:$0x3]  }
0xa: {  	_ =	strace $0x8000004A;
	s7 =	sadd.s32 s8, s7;
	s30 =	sshrl.u32 s9, $0x2  }
0xb: {  	s14 =	ssub.s32 s29, s31;
	s7 =	sshrl.u32 s7, $0x3;
	s5 =	sadd.s32 s30, s2  }
0xc: {  	s10 =	sadd.s32 s12, s6;
	s13 =	sadd.s32 s7, s6;
	s6 =	sadd.s32 $0x4000, s5  }
0xd: {  	s7 =	sadd.s32 $0x8000, s5;
	s8 =	sadd.s32 $0xC000, s5;
	s9 =	sadd.s32 $0x10000, s5  }
0xe: {  	s11 =	sadd.s32 s11, s12;
	s20 =	sshrl.u32 s5, $0x3;
	s10 =	sadd.s32 $0x3200, s10  }
0xf: {  	v0 =	vimm.f32 $0.0e+00;
	s12 =	sadd.s32 $0x35200, s13;
	s13 =	smax.u32 s14, $0x1;
	s14 =	simm.s32 $0x5000  }
.LBB2_1:
0x10: {  	s21 =	simm.s32 $0x0;
	s22 =	simm.s32 $0x200  }
.LBB2_2:
0x11: {  	p0 =	sne.s32 s22, $0xFE00;
	[tilespmem:s21+$0x5070] =	vst v0  }
0x12: {  	[tilespmem:s21+$0x5000] =	vst v0  }
0x13: {  	[tilespmem:s21+$0x5010] =	vst v0  }
.Ltmp0:
0x14: {  	[tilespmem:s21+$0x5020] =	vst v0;
	(pc) =	sbr.rel @p0 .LBB2_2-.Ltmp0, $4  }
0x15: {  	[tilespmem:s21+$0x5030] =	vst v0  }
0x16: {  	[tilespmem:s21+$0x5040] =	vst v0  }
0x17: {  	[tilespmem:s21+$0x5050] =	vst v0  }
0x18: {  	[tilespmem:s21+$0x5060] =	vst v0;
	s21 =	sshra.s32 s22, $0x2;
	s22 =	sadd.s32 $0x200, s22  }
0x19: {  	[tilespmem:s21+$0x5070] =	vst v0  }
0x1a: {  	[tilespmem:s21+$0x5000] =	vst v0  }
0x1b: {  	[tilespmem:s21+$0x5010] =	vst v0  }
0x1c: {  	[tilespmem:s21+$0x5020] =	vst v0  }
0x1d: {  	[tilespmem:s21+$0x5030] =	vst v0  }
0x1e: {  	[tilespmem:s21+$0x5040] =	vst v0  }
0x1f: {  	[tilespmem:s21+$0x5050] =	vst v0  }
0x20: {  	[tilespmem:s21+$0x5060] =	vst v0  }
0x21: {  	[spmem:s5] =	stream.linear.scatter [tilespmem:s14], [sflag:$0x2], $0x4000, $0x38;
	[tilespmem:$0x1D000] =	vst v63  }
0x22: {  	_ =	swait.ge [sflag:s15], $0x4000  }
0x23: {  	[sflag:s15] =	ssyncset.done $0x0  }
0x24: {  	[sflag:s15] =	ssyncadd.s32 $0xFFFFC000  }
0x25: {  	[spmem:s6] =	stream.linear.scatter [tilespmem:s14], [sflag:$0x2], $0x4000, $0x38;
	[tilespmem:$0x1D000] =	vst v63  }
0x26: {  	_ =	swait.ge [sflag:s15], $0x4000  }
0x27: {  	[sflag:s15] =	ssyncset.done $0x0  }
0x28: {  	[sflag:s15] =	ssyncadd.s32 $0xFFFFC000  }
0x29: {  	[spmem:s7] =	stream.linear.scatter [tilespmem:s14], [sflag:$0x2], $0x4000, $0x38;
	[tilespmem:$0x1D000] =	vst v63  }
0x2a: {  	_ =	swait.ge [sflag:s15], $0x4000  }
0x2b: {  	[sflag:s15] =	ssyncset.done $0x0  }
0x2c: {  	[sflag:s15] =	ssyncadd.s32 $0xFFFFC000  }
0x2d: {  	[spmem:s8] =	stream.linear.scatter [tilespmem:s14], [sflag:$0x2], $0x4000, $0x38;
	[tilespmem:$0x1D000] =	vst v63  }
0x2e: {  	_ =	swait.ge [sflag:s15], $0x4000  }
0x2f: {  	[sflag:s15] =	ssyncset.done $0x0  }
0x30: {  	[sflag:s15] =	ssyncadd.s32 $0xFFFFC000  }
0x31: {  	[spmem:s9] =	stream.linear.scatter [tilespmem:s14], [sflag:$0x2], $0x4000, $0x38;
	[tilespmem:$0x1D000] =	vst v63  }
0x32: {  	_ =	swait.ge [sflag:s15], $0x4000  }
0x33: {  	[sflag:s15] =	ssyncset.done $0x0  }
0x34: {  	[sflag:s15] =	ssyncadd.s32 $0xFFFFC000  }
0x35: {  	s29 =	simm.s32 $0x0;
	[bflag:$0x0] =	sbarrier.arrive $0xFFFF  }
0x36: {  	[tilespmem:s29], [sflag:$0x2] =	stream.linear.gather [hbm4b:s10+s29], $0x2800, $0x38;
	[tilespmem:$0x1D000] =	vst v63  }
0x37: {  	_ =	swait.ge [sflag:s15], $0x2800  }
0x38: {  	[sflag:s15] =	ssyncset.done $0x0  }
0x39: {  	[sflag:s15] =	ssyncadd.s32 $0xFFFFD800  }
0x3a: {  	[tilespmem:s16], [sflag:$0x2] =	stream.linear.gather [hbm4b:s11+s29], $0x2800, $0x38;
	[tilespmem:$0x1D000] =	vst v63  }
0x3b: {  	_ =	swait.ge [sflag:s15], $0x2800  }
0x3c: {  	[sflag:s15] =	ssyncset.done $0x0  }
0x3d: {  	s30 =	simm.s32 $0x0;
	[sflag:s15] =	ssyncadd.s32 $0xFFFFD800  }
0x3e: {  	[tilespmem:s14], [sflag:$0x1] =	stream.indirect.gather [hbm4b:s4+s17], $0x80, s30, s17, $0xb8;
	[tilespmem:$0x1D000] =	vst v63  }
0x3f: {  	_ =	swait.ge [sflag:s18], $0x4000  }
0x40: {  	[sflag:s18] =	ssyncset.done $0x0  }
0x41: {  	s31 =	simm.s32 $0x2800;
	[sflag:s18] =	ssyncadd.s32 $0xFFFFC000  }
0x42: {  	[spmem:s2] =	stream.indirect.scatter.add.f32 [tilespmem:s14], [sflag:$0x2], $0x80, s31, s17, $0xb8;
	[tilespmem:$0x1D000] =	vst v63  }
0x43: {  	_ =	swait.ge [sflag:s15], $0x4000  }
0x44: {  	s21 =	simm.s32 $0x200;
	s22 =	simm.s32 $0x400;
	[sflag:s15] =	ssyncset.done $0x0  }
.LBB2_4:
0x45: {  	s23 =	sshra.s32 s21, $0x2  }
0x46: {  	[sflag:s15] =	ssyncadd.s32 $0xFFFFC000;
	s21 =	smov.u32 s22;
	s24 =	sadd.s32 $0x200, s22  }
0x47: {  	[tilespmem:s14], [sflag:$0x1] =	stream.indirect.gather [hbm4b:s4+s17], $0x80, s23, s17, $0xb8;
	[tilespmem:$0x1D000] =	vst v63  }
0x48: {  	p0 =	sne.s32 s22, $0x9E00;
	_ =	swait.ge [sflag:s18], $0x4000  }
.Ltmp1:
0x49: {  	[sflag:s18] =	ssyncset.done $0x0;
	(pc) =	sbr.rel @p0 .LBB2_4-.Ltmp1, $4  }
0x4a: {  	s22 =	sadd.s32 $0x2800, s23;
	[sflag:s18] =	ssyncadd.s32 $0xFFFFC000  }
0x4b: {  	[spmem:s2] =	stream.indirect.scatter.add.f32 [tilespmem:s14], [sflag:$0x2], $0x80, s22, s17, $0xb8;
	[tilespmem:$0x1D000] =	vst v63  }
0x4c: {  	_ =	swait.ge [sflag:s15], $0x4000  }
0x4d: {  	s22 =	smov.u32 s24;
	[sflag:s15] =	ssyncset.done $0x0  }
0x4e: {  	s21 =	sshra.s32 s21, $0x2;
	[sflag:s15] =	ssyncadd.s32 $0xFFFFC000  }
0x4f: {  	[tilespmem:s14], [sflag:$0x1] =	stream.indirect.gather [hbm4b:s4+s17], $0x80, s21, s17, $0xb8;
	[tilespmem:$0x1D000] =	vst v63  }
0x50: {  	_ =	swait.ge [sflag:s18], $0x4000  }
0x51: {  	[sflag:s18] =	ssyncset.done $0x0  }
0x52: {  	s21 =	sadd.s32 $0x2800, s21;
	[sflag:s18] =	ssyncadd.s32 $0xFFFFC000  }
0x53: {  	[spmem:s2] =	stream.indirect.scatter.add.f32 [tilespmem:s14], [sflag:$0x2], $0x80, s21, s17, $0xb8;
	[tilespmem:$0x1D000] =	vst v63  }
0x54: {  	_ =	swait.ge [sflag:s15], $0x4000  }
0x55: {  	s3 =	sadd.s32 $0x1, s3;
	[sflag:s15] =	ssyncset.done $0x0  }
0x56: {  	p0 =	sne.s32 s3, s13;
	[sflag:s15] =	ssyncadd.s32 $0xFFFFC000  }
.Ltmp2:
0x57: {  	[bflag:$0x0] =	sbarrier.arrive $0xFFFF;
	(pc) =	sbr.rel @p0 .LBB2_1-.Ltmp2, $4  }
0x58: {  	[hbm:s12], [sflag:s19] =	dma.local [spmem:s20], $0x2800  }
0x59: {  	_ =	swait.ge [sflag:s15], $0x2800  }
0x5a: {  	[sflag:s15] =	ssyncset.done $0x0  }
0x5b: {  	[sflag:s15] =	ssyncadd.s32 $0xFFFFD800  }
0x5c: {  	_ =	sfence.sel $0x180000  }
0x5d: {  	[bflag:$0x0] =	sbarrier.arrive $0xFFFF  }
0x5e: {  	p0 =	sne.s32 s0, $0x0;
	_ =	strace $0x9000004A  }
0x5f: {  	s0 =	sadd.s32 @!p0 $0x100000, s1;
	[bflag:$0x2] =	sbarrier.arrive $0xFFFF  }
0x60: {  	[sflag:s0] =	ssyncadd.tile.s32 @!p0 $0x1;
	_ =	shalt  }
.Lfunc_end2:
_tile_overlayer_lowered:
.L_overlay_start_2:
0x61: {  	(tag) =	ssettag $0x2  }
0x62: {  	s0 =	rddreg [dreg:$0x0];
	s2 =	stileid.u32  }
0x63: {  	s1 =	rddreg [dreg:$0x1];
	p0 =	sne.s32 s2, $0x0  }
0x64: {  	s3 =	rddreg [dreg:$0x2];
	[bflag:$0x3] =	sbarrier.arrive $0xFFFF;
	s2 =	simm.s32 @!p0 $0x1C02  }
0x65: {  	[timem:s3], [sflag:s2] =	dma.local @!p0 [hbm:s0], s1  }
0x66: {  	s0 =	simm.s32 @!p0 $0x2  }
0x67: {  	_ =	swait.ge @!p0 [sflag:s0], s1  }
0x68: {  	s1 =	ssub.s32 @!p0 $0x0, s1;
	[sflag:s0] =	ssyncset.done @!p0 $0x0  }
0x69: {  	[sflag:s0] =	ssyncadd.s32 @!p0 s1  }
0x6a: {  	[bflag:$0x3] =	sbarrier.arrive $0xFFFF  }
0x6b: {  	_ =	shalt  }

// kernel: kernel.17.cloned.1.call-start
scs
__scs_entry_jumppad:
0x0: {  	(pc) =	sbr.rel $0x88, $3  }
0x1: {  	(tag) =	ssettag $0x0;
	lr =	simm.s32 $0x1  }
0x2: {  	[smem:$0x3F95] =	sst lr;
	_ =	strace $0xD0000000  }
0x3: {  	_ = 	snop  }
0x4: {  	_ = 	snop  }
0x5: {  	_ = 	snop  }
0x6: {  	_ = 	snop  }
0x7: {  	_ = 	snop  }
__scs_overlays_trampoline_lowered:
0x8: {  	[smem:$0x3FA4] =	sst s0  }
0x9: {  	[smem:$0x3FA5] =	sst s1  }
0xa: {  	[smem:$0x3FA6] =	sst s2  }
0xb: {  	[smem:$0x3FA7] =	sst s3  }
0xc: {  	[smem:$0x3FA8] =	sst s4  }
0xd: {  	[smem:$0x3FA9] =	sst s5  }
0xe: {  	[smem:$0x3FAA] =	sst s6  }
0xf: {  	[smem:$0x3FAB] =	sst s7  }
0x10: {  	[smem:$0x3FAC] =	sst s8  }
0x11: {  	[smem:$0x3FAD] =	sst s9;
	s0 =	simm.s32 @!p0 $0x0  }
0x12: {  	s1 =	sld [smem:$0x3F93];
	s0 =	simm.s32 @p0 $0x1  }
0x13: {  	[smem:$0x3FAE] =	sst s0;
	s0 =	simm.s32 @!p1 $0x0  }
0x14: {  	s2 =	sld [smem:$0x3F92];
	s0 =	simm.s32 @p1 $0x1  }
0x15: {  	[smem:$0x3FAF] =	sst s0;
	s0 =	simm.s32 @!p2 $0x0  }
0x16: {  	s3 =	sld [smem:$0x3FDB];
	s0 =	simm.s32 @p2 $0x1  }
0x17: {  	s4 =	simm.s32 $0x1BF5;
	[smem:$0x3FB1] =	sst s0  }
0x18: {  	s0 =	sld [smem:$0x3F94];
	_ =	swait.ge [sflag:s4], $0x0  }
0x19: {  	s7 =	sld [smem:$0x3F95]  }
0x1a: {  	s8 =	sadd.s32 $0xFFFFE003, lr  }
0x1b: {  	s9 =	sadd.s32 $0xFFFFFEF7, lr;
	s5 =	simm.s32 $0xFFFFFFFF;
	p2 =	slt.u32 s8, $0xFFFFF086  }
0x1c: {  	p1 =	slt.u32 s9, $0xF7A;
	s5 =	simm.s32 @!p2 $0x0  }
0x1d: {  	s5 =	simm.s32 @p1 $0x1;
	p0 =	seq.s32 s7, s2  }
0x1e: {  	s7 =	smul.u32 @!p0 $0xF7A, s2;
	p2 =	seq.s32 @!p0 s5, $0x0  }
0x1f: {  	s9 =	smul.u32 $0xF7A, s1;
	s8 =	simm.s32 @!p0 $0x1BF5;
	p2 =	por !p2, p0  }
0x20: {  	[sflag:s8] =	ssyncset.s32 @!p0 $0xFFFFF086;
	s6 =	sadd.s32 @!p0 s3, s7;
	s7 =	simm.s32 @!p0 $0x108  }
0x21: {  	s3 =	sadd.s32 s3, s9;
	s6 =	sadd.s32 @!p0 $0x88, s6;
	s7 =	simm.s32 @p2 $0x1082  }
0x22: {  	[simem:s7], [sflag:s8] =	dma.local @!p0 [hbm:s6], $0xF7A  }
0x23: {  	s9 =	sor.u32 $0xD0000000, s2;
	s6 =	simm.s32 $0x108;
	_ =	swait.ge @!p0 [sflag:s8], $0x0  }
0x24: {  	s3 =	sadd.s32 $0x88, s3;
	s6 =	simm.s32 @!p1 $0x1082;
	[sflag:s4] =	ssyncset.s32 $0xFFFFF086  }
0x25: {  	[simem:s6], [sflag:s4] =	dma.local [hbm:s3], $0xF7A  }
0x26: {  	[smem:$0x3F95] =	sst s1;
	(tag) =	ssettag s2;
	_ =	strace s9  }
0x27: {  	s1 =	sld [smem:$0x3FA5]  }
0x28: {  	s2 =	sld [smem:$0x3FA6]  }
0x29: {  	s4 =	sld [smem:$0x3FA8]  }
0x2a: {  	p0 =	seq.s32 s5, $0x0;
	s5 =	sld [smem:$0x3FA9]  }
0x2b: {  	s6 =	sld [smem:$0x3FAA]  }
0x2c: {  	s7 =	sld [smem:$0x3FAB]  }
0x2d: {  	s3 =	simm.s32 $0x108;
	s8 =	sld [smem:$0x3FAC]  }
0x2e: {  	s3 =	simm.s32 @!p0 $0x1082;
	s9 =	sld [smem:$0x3FAD]  }
0x2f: {  	lr =	sadd.s32 s0, s3;
	s0 =	sld [smem:$0x3FA4]  }
0x30: {  	s3 =	sld [smem:$0x3FA7]  }
0x31: {  	[smem:$0x3FB0] =	sst s10  }
0x32: {  	s10 =	sld [smem:$0x3FAE];
	_ =	sdelay $0x3  }
0x33: {  	p0 =	seq.s32 s10, $0x1;
	s10 =	sld [smem:$0x3FB0];
	_ =	sdelay $0x3  }
0x34: {  	[smem:$0x3FB0] =	sst s10  }
0x35: {  	s10 =	sld [smem:$0x3FAF];
	_ =	sdelay $0x3  }
0x36: {  	p1 =	seq.s32 s10, $0x1;
	s10 =	sld [smem:$0x3FB0];
	_ =	sdelay $0x3  }
0x37: {  	[smem:$0x3FB0] =	sst s10  }
0x38: {  	s10 =	sld [smem:$0x3FB1]  }
0x39: {  	_ = 	snop;
	(pc) =	sbr.ind lr, $3  }
0x3a: {  	_ = 	snop  }
0x3b: {  	_ = 	snop  }
0x3c: {  	p2 =	seq.s32 s10, $0x1;
	s10 =	sld [smem:$0x3FB0]  }
0x3d: {  	_ =	shalt  }
0x3e: {  	_ =	shalt  }
0x3f: {  	_ =	shalt  }
0x40: {  	_ =	shalt  }
0x41: {  	_ =	shalt  }
0x42: {  	_ =	shalt  }
0x43: {  	_ =	shalt  }
0x44: {  	_ =	shalt  }
0x45: {  	_ =	shalt  }
0x46: {  	_ =	shalt  }
0x47: {  	_ =	shalt  }
0x48: {  	_ =	shalt  }
0x49: {  	_ =	shalt  }
0x4a: {  	_ =	shalt  }
0x4b: {  	_ =	shalt  }
0x4c: {  	_ =	shalt  }
0x4d: {  	_ =	shalt  }
0x4e: {  	_ =	shalt  }
0x4f: {  	_ =	shalt  }
0x50: {  	_ =	shalt  }
0x51: {  	_ =	shalt  }
0x52: {  	_ =	shalt  }
0x53: {  	_ =	shalt  }
0x54: {  	_ =	shalt  }
0x55: {  	_ =	shalt  }
0x56: {  	_ =	shalt  }
0x57: {  	_ =	shalt  }
0x58: {  	_ =	shalt  }
0x59: {  	_ =	shalt  }
0x5a: {  	_ =	shalt  }
0x5b: {  	_ =	shalt  }
0x5c: {  	_ =	shalt  }
0x5d: {  	_ =	shalt  }
0x5e: {  	_ =	shalt  }
0x5f: {  	_ =	shalt  }
0x60: {  	_ =	shalt  }
0x61: {  	_ =	shalt  }
0x62: {  	_ =	shalt  }
0x63: {  	_ =	shalt  }
0x64: {  	_ =	shalt  }
0x65: {  	_ =	shalt  }
0x66: {  	_ =	shalt  }
0x67: {  	_ =	shalt  }
0x68: {  	_ =	shalt  }
0x69: {  	_ =	shalt  }
0x6a: {  	_ =	shalt  }
0x6b: {  	_ =	shalt  }
0x6c: {  	_ =	shalt  }
0x6d: {  	_ =	shalt  }
0x6e: {  	_ =	shalt  }
0x6f: {  	_ =	shalt  }
0x70: {  	_ =	shalt  }
0x71: {  	_ =	shalt  }
0x72: {  	_ =	shalt  }
0x73: {  	_ =	shalt  }
0x74: {  	_ =	shalt  }
0x75: {  	_ =	shalt  }
0x76: {  	_ =	shalt  }
0x77: {  	_ =	shalt  }
0x78: {  	_ =	shalt  }
0x79: {  	_ =	shalt  }
0x7a: {  	_ =	shalt  }
0x7b: {  	_ =	shalt  }
0x7c: {  	_ =	shalt  }
0x7d: {  	_ =	shalt  }
0x7e: {  	_ =	shalt  }
0x7f: {  	_ =	shalt  }
0x80: {  	_ =	shalt  }
0x81: {  	_ =	shalt  }
0x82: {  	_ =	shalt  }
0x83: {  	_ =	shalt  }
0x84: {  	_ =	shalt  }
0x85: {  	_ =	shalt  }
0x86: {  	_ =	shalt  }
0x87: {  	_ =	shalt  }
.Lfunc_end0:
.L_simem_size_0:
called_computation.2_lowered:
.L_overlay_start_0:
0x88: {  	s2 =	sld [smem:$0x3FD9]  }
0x89: {  	s3 =	sld [smem:$0x3FFE];
	_ =	sdelay $0x1  }
0x8a: {  	s1 =	srdreg.scid  }
0x8b: {  	s0 =	sand.u32 $0x1, s1  }
0x8c: {  	s17 =	sshll.u32 s0, $0xA;
	s2 =	sadd.s32 s3, s2  }
0x8d: {  	s2 =	sadd.s32 s2, s17  }
0x8e: {  	[smem:$0x3FBC] =	sst s2  }
0x8f: {  	_ = 	snop  }
0x90: {  	s2 =	sld [smem:$0x3FD0];
	(tm) =	ssettm $0x1  }
0x91: {  	s18 =	sld [smem:$0x3FFB];
	_ =	sdelay $0x3  }
0x92: {  	_ =	strace s18  }
0x93: {  	s3 =	sld [smem:$0x3FFC];
	_ =	sdelay $0x3  }
0x94: {  	_ =	strace s3  }
0x95: {  	s3 =	sld [smem:$0x3FFD];
	_ =	sdelay $0x3  }
0x96: {  	_ =	strace s3  }
0x97: {  	_ =	strace $0x8FFFFFFF  }
0x98: {  	s19 =	sld [smem:$0x3FDB];
	_ =	sdelay $0x1  }
0x99: {  	s4 =	simm.s32 $_scs_section_size  }
0x9a: {  	s5 =	simm.s32 $_size__tile_overlayer_lowered;
	s6 =	simm.s32 $_tile_overlayer_lowered  }
0x9b: {  	s22 =	simm.s32 $0x1BFF;
	s21 =	sshll.u32 s6, $0x1;
	s3 =	sadd.s32 s4, s19  }
0x9c: {  	s7 =	simm.s32 $0x0;
	s20 =	sshll.u32 s5, $0x1;
	s5 =	sadd.s32 s21, s3  }
0x9d: {  	[timem:s7], [sflag:s22] =	dma.local [hbm:s5], s20  }
0x9e: {  	_ =	swait.ge [sflag:s22], s20  }
0x9f: {  	s4 =	ssub.s32 $0x0, s20;
	[sflag:s22] =	ssyncset.done $0x0  }
0xa0: {  	[sflag:s22] =	ssyncadd.s32 s4;
	_ =	sdelay $0x1  }
0xa1: {  	s23 =	simm.s32 $0x1B8B  }
0xa2: {  	_ =	swait.ge [sflag:s23], $0x1  }
0xa3: {  	[sflag:s23] =	ssyncset.done $0x0  }
0xa4: {  	s25 =	simm.s32 $0x1B8E;
	s24 =	sld [smem:$0x3FFE];
	[sflag:s23] =	ssyncadd.s32 $0xFFFFFFFF  }
0xa5: {  	s26 =	simm.s32 $execute0_lowered;
	[smem:$0x3FD2] =	sst s25  }
0xa6: {  	s5 =	sshll.u32 s26, $0x1;
	_ =	strace $0x8000004C;
	[dreg:$0x1] =	wrdreg $0xFFFFFFFF  }
0xa7: {  	s28 =	simm.s32 $_size_execute0_lowered;
	s3 =	sadd.s32 s3, s5;
	[dreg:$0x0] =	wrdreg $0x0  }
0xa8: {  	s5 =	sshll.u32 s28, $0x1;
	[dreg:$0x2] =	wrdreg s3  }
0xa9: {  	[dreg:$0x3] =	wrdreg s5  }
0xaa: {  	[dreg:$0x4] =	wrdreg $0xC0  }
0xab: {  	_ =	task [dreg:s7], $0x5FFFF  }
0xac: {  	[dreg:$0x1] =	wrdreg $0xFFFFFFFF  }
0xad: {  	[dreg:$0x0] =	wrdreg $0x60  }
0xae: {  	[dreg:$0x2] =	wrdreg s24  }
0xaf: {  	[dreg:$0x3] =	wrdreg s2  }
0xb0: {  	[dreg:$0x4] =	wrdreg $0x90000  }
0xb1: {  	[dreg:$0x5] =	wrdreg $0x9  }
0xb2: {  	_ =	task.clear_ibuf [dreg:s7], $0x6FFFF;
	_ =	strace $0x9000004C  }
0xb3: {  	s29 =	simm.s32 $0x9;
	_ =	strace $0x8000004E  }
0xb4: {  	_ =	swait.ge [sflag:s29], $0x1  }
0xb5: {  	[sflag:s29] =	ssyncadd.s32 $0xFFFFFFFF  }
0xb6: {  	_ =	strace $0x9000004E  }
0xb7: {  	_ =	sfence  }
0xb8: {  	s30 =	sld [smem:$0x0];
	_ =	sdelay $0x2  }
0xb9: {  	s31 =	sshll.u32 s1, $0xD;
	s1 =	sshrl.u32 s1, $0x2  }
0xba: {  	s3 =	sand.u32 $0x4000, s31;
	s1 =	sadd.s32 s1, s30  }
0xbb: {  	s0 =	sor.u32 s3, s0;
	s1 =	sshll.u32 s1, $0x11  }
0xbc: {  	s0 =	sor.u32 s1, s0  }
0xbd: {  	s0 =	sadd.s32 $0x8F2B, s0  }
0xbe: {  	[sflag:s0] =	ssyncadd.remote.s32 $0x1  }
0xbf: {  	_ =	sfence.sel $0xFFFF  }
0xc0: {  	[dreg:$0x0] =	wrdreg $0xFFFFFFFF;
	(pc) =	sbr.abs _section_cstart, $3  }
0xc1: {  	[dreg:$0x1] =	wrdreg $0xFFFFFFFF  }
0xc2: {  	_ =	task.clear_ibuf [dreg:s7], $0x2FFFF;
	_ =	strace $0x9FFFFFFF  }
0xc3: {  	(tm) =	ssettm $0x7FFFFFFF  }
tec
execute0_lowered:
.L_overlay_start_1:
0x0: {  	(tag) =	ssettag $0x1  }
0x1: {  	s6 =	rddreg [dreg:$0x0]  }
0x2: {  	s0 =	srdreg.scid;
	s11 =	rddreg [dreg:$0x1]  }
0x3: {  	s2 =	rddreg [dreg:$0x2];
	s3 =	simm.s32 $0x0;
	s15 =	simm.s32 $0x2  }
0x4: {  	s16 =	simm.s32 $0x2800;
	s17 =	simm.s32 $0x80;
	s5 =	sand.u32 $0x1, s0  }
0x5: {  	s18 =	simm.s32 $0x1;
	s0 =	stileid.u32;
	s7 =	smul.u32 $0x140000, s5  }
0x6: {  	[smem:$0x7FF] =	sst s3;
	s4 =	sadd.s32 $0xD200, s6;
	s8 =	smul.u32 $0x14000, s0  }
0x7: {  	s1 =	sshll.u32 s5, $0x4;
	s9 =	smul.u32 $0x50000, s0;
	s29 =	ssub.s32 $0x2, s5  }
0x8: {  	s19 =	sshll.u32 s0, $0x6;
	s1 =	sor.u32 s0, s1;
	s31 =	sshrl.u32 s29, $0x1  }
0x9: {  	s19 =	sor.u32 $0x1C02, s19;
	s12 =	smul.u32 $0x500, s1;
	s1 =	rddreg [dreg:$0x3]  }
0xa: {  	_ =	strace $0x8000004D;
	s7 =	sadd.s32 s8, s7;
	s30 =	sshrl.u32 s9, $0x2  }
0xb: {  	s14 =	ssub.s32 s29, s31;
	s7 =	sshrl.u32 s7, $0x3;
	s5 =	sadd.s32 s30, s2  }
0xc: {  	s10 =	sadd.s32 s12, s6;
	s13 =	sadd.s32 s7, s6;
	s6 =	sadd.s32 $0x4000, s5  }
0xd: {  	s7 =	sadd.s32 $0x8000, s5;
	s8 =	sadd.s32 $0xC000, s5;
	s9 =	sadd.s32 $0x10000, s5  }
0xe: {  	s11 =	sadd.s32 s11, s12;
	s20 =	sshrl.u32 s5, $0x3;
	s10 =	sadd.s32 $0x3200, s10  }
0xf: {  	v0 =	vimm.f32 $0.0e+00;
	s12 =	sadd.s32 $0x35200, s13;
	s13 =	smax.u32 s14, $0x1;
	s14 =	simm.s32 $0x5000  }
.LBB2_1:
0x10: {  	s21 =	simm.s32 $0x0;
	s22 =	simm.s32 $0x200  }
.LBB2_2:
0x11: {  	p0 =	sne.s32 s22, $0xFE00;
	[tilespmem:s21+$0x5070] =	vst v0  }
0x12: {  	[tilespmem:s21+$0x5000] =	vst v0  }
0x13: {  	[tilespmem:s21+$0x5010] =	vst v0  }
.Ltmp0:
0x14: {  	[tilespmem:s21+$0x5020] =	vst v0;
	(pc) =	sbr.rel @p0 .LBB2_2-.Ltmp0, $4  }
0x15: {  	[tilespmem:s21+$0x5030] =	vst v0  }
0x16: {  	[tilespmem:s21+$0x5040] =	vst v0  }
0x17: {  	[tilespmem:s21+$0x5050] =	vst v0  }
0x18: {  	[tilespmem:s21+$0x5060] =	vst v0;
	s21 =	sshra.s32 s22, $0x2;
	s22 =	sadd.s32 $0x200, s22  }
0x19: {  	[tilespmem:s21+$0x5070] =	vst v0  }
0x1a: {  	[tilespmem:s21+$0x5000] =	vst v0  }
0x1b: {  	[tilespmem:s21+$0x5010] =	vst v0  }
0x1c: {  	[tilespmem:s21+$0x5020] =	vst v0  }
0x1d: {  	[tilespmem:s21+$0x5030] =	vst v0  }
0x1e: {  	[tilespmem:s21+$0x5040] =	vst v0  }
0x1f: {  	[tilespmem:s21+$0x5050] =	vst v0  }
0x20: {  	[tilespmem:s21+$0x5060] =	vst v0  }
0x21: {  	[spmem:s5] =	stream.linear.scatter [tilespmem:s14], [sflag:$0x2], $0x4000, $0x38;
	[tilespmem:$0x1D000] =	vst v63  }
0x22: {  	_ =	swait.ge [sflag:s15], $0x4000  }
0x23: {  	[sflag:s15] =	ssyncset.done $0x0  }
0x24: {  	[sflag:s15] =	ssyncadd.s32 $0xFFFFC000  }
0x25: {  	[spmem:s6] =	stream.linear.scatter [tilespmem:s14], [sflag:$0x2], $0x4000, $0x38;
	[tilespmem:$0x1D000] =	vst v63  }
0x26: {  	_ =	swait.ge [sflag:s15], $0x4000  }
0x27: {  	[sflag:s15] =	ssyncset.done $0x0  }
0x28: {  	[sflag:s15] =	ssyncadd.s32 $0xFFFFC000  }
0x29: {  	[spmem:s7] =	stream.linear.scatter [tilespmem:s14], [sflag:$0x2], $0x4000, $0x38;
	[tilespmem:$0x1D000] =	vst v63  }
0x2a: {  	_ =	swait.ge [sflag:s15], $0x4000  }
0x2b: {  	[sflag:s15] =	ssyncset.done $0x0  }
0x2c: {  	[sflag:s15] =	ssyncadd.s32 $0xFFFFC000  }
0x2d: {  	[spmem:s8] =	stream.linear.scatter [tilespmem:s14], [sflag:$0x2], $0x4000, $0x38;
	[tilespmem:$0x1D000] =	vst v63  }
0x2e: {  	_ =	swait.ge [sflag:s15], $0x4000  }
0x2f: {  	[sflag:s15] =	ssyncset.done $0x0  }
0x30: {  	[sflag:s15] =	ssyncadd.s32 $0xFFFFC000  }
0x31: {  	[spmem:s9] =	stream.linear.scatter [tilespmem:s14], [sflag:$0x2], $0x4000, $0x38;
	[tilespmem:$0x1D000] =	vst v63  }
0x32: {  	_ =	swait.ge [sflag:s15], $0x4000  }
0x33: {  	[sflag:s15] =	ssyncset.done $0x0  }
0x34: {  	[sflag:s15] =	ssyncadd.s32 $0xFFFFC000  }
0x35: {  	s29 =	simm.s32 $0x0;
	[bflag:$0x0] =	sbarrier.arrive $0xFFFF  }
0x36: {  	[tilespmem:s29], [sflag:$0x2] =	stream.linear.gather [hbm4b:s10+s29], $0x2800, $0x38;
	[tilespmem:$0x1D000] =	vst v63  }
0x37: {  	_ =	swait.ge [sflag:s15], $0x2800  }
0x38: {  	[sflag:s15] =	ssyncset.done $0x0  }
0x39: {  	[sflag:s15] =	ssyncadd.s32 $0xFFFFD800  }
0x3a: {  	[tilespmem:s16], [sflag:$0x2] =	stream.linear.gather [hbm4b:s11+s29], $0x2800, $0x38;
	[tilespmem:$0x1D000] =	vst v63  }
0x3b: {  	_ =	swait.ge [sflag:s15], $0x2800  }
0x3c: {  	[sflag:s15] =	ssyncset.done $0x0  }
0x3d: {  	s30 =	simm.s32 $0x0;
	[sflag:s15] =	ssyncadd.s32 $0xFFFFD800  }
0x3e: {  	[tilespmem:s14], [sflag:$0x1] =	stream.indirect.gather [hbm4b:s4+s17], $0x80, s30, s17, $0xb8;
	[tilespmem:$0x1D000] =	vst v63  }
0x3f: {  	_ =	swait.ge [sflag:s18], $0x4000  }
0x40: {  	[sflag:s18] =	ssyncset.done $0x0  }
0x41: {  	s31 =	simm.s32 $0x2800;
	[sflag:s18] =	ssyncadd.s32 $0xFFFFC000  }
0x42: {  	[spmem:s2] =	stream.indirect.scatter.add.f32 [tilespmem:s14], [sflag:$0x2], $0x80, s31, s17, $0xb8;
	[tilespmem:$0x1D000] =	vst v63  }
0x43: {  	_ =	swait.ge [sflag:s15], $0x4000  }
0x44: {  	s21 =	simm.s32 $0x200;
	s22 =	simm.s32 $0x400;
	[sflag:s15] =	ssyncset.done $0x0  }
.LBB2_4:
0x45: {  	s23 =	sshra.s32 s21, $0x2  }
0x46: {  	[sflag:s15] =	ssyncadd.s32 $0xFFFFC000;
	s21 =	smov.u32 s22;
	s24 =	sadd.s32 $0x200, s22  }
0x47: {  	[tilespmem:s14], [sflag:$0x1] =	stream.indirect.gather [hbm4b:s4+s17], $0x80, s23, s17, $0xb8;
	[tilespmem:$0x1D000] =	vst v63  }
0x48: {  	p0 =	sne.s32 s22, $0x9E00;
	_ =	swait.ge [sflag:s18], $0x4000  }
.Ltmp1:
0x49: {  	[sflag:s18] =	ssyncset.done $0x0;
	(pc) =	sbr.rel @p0 .LBB2_4-.Ltmp1, $4  }
0x4a: {  	s22 =	sadd.s32 $0x2800, s23;
	[sflag:s18] =	ssyncadd.s32 $0xFFFFC000  }
0x4b: {  	[spmem:s2] =	stream.indirect.scatter.add.f32 [tilespmem:s14], [sflag:$0x2], $0x80, s22, s17, $0xb8;
	[tilespmem:$0x1D000] =	vst v63  }
0x4c: {  	_ =	swait.ge [sflag:s15], $0x4000  }
0x4d: {  	s22 =	smov.u32 s24;
	[sflag:s15] =	ssyncset.done $0x0  }
0x4e: {  	s21 =	sshra.s32 s21, $0x2;
	[sflag:s15] =	ssyncadd.s32 $0xFFFFC000  }
0x4f: {  	[tilespmem:s14], [sflag:$0x1] =	stream.indirect.gather [hbm4b:s4+s17], $0x80, s21, s17, $0xb8;
	[tilespmem:$0x1D000] =	vst v63  }
0x50: {  	_ =	swait.ge [sflag:s18], $0x4000  }
0x51: {  	[sflag:s18] =	ssyncset.done $0x0  }
0x52: {  	s21 =	sadd.s32 $0x2800, s21;
	[sflag:s18] =	ssyncadd.s32 $0xFFFFC000  }
0x53: {  	[spmem:s2] =	stream.indirect.scatter.add.f32 [tilespmem:s14], [sflag:$0x2], $0x80, s21, s17, $0xb8;
	[tilespmem:$0x1D000] =	vst v63  }
0x54: {  	_ =	swait.ge [sflag:s15], $0x4000  }
0x55: {  	s3 =	sadd.s32 $0x1, s3;
	[sflag:s15] =	ssyncset.done $0x0  }
0x56: {  	p0 =	sne.s32 s3, s13;
	[sflag:s15] =	ssyncadd.s32 $0xFFFFC000  }
.Ltmp2:
0x57: {  	[bflag:$0x0] =	sbarrier.arrive $0xFFFF;
	(pc) =	sbr.rel @p0 .LBB2_1-.Ltmp2, $4  }
0x58: {  	[hbm:s12], [sflag:s19] =	dma.local [spmem:s20], $0x2800  }
0x59: {  	_ =	swait.ge [sflag:s15], $0x2800  }
0x5a: {  	[sflag:s15] =	ssyncset.done $0x0  }
0x5b: {  	[sflag:s15] =	ssyncadd.s32 $0xFFFFD800  }
0x5c: {  	_ =	sfence.sel $0x180000  }
0x5d: {  	[bflag:$0x0] =	sbarrier.arrive $0xFFFF  }
0x5e: {  	p0 =	sne.s32 s0, $0x0;
	_ =	strace $0x9000004D  }
0x5f: {  	s0 =	sadd.s32 @!p0 $0x100000, s1;
	[bflag:$0x2] =	sbarrier.arrive $0xFFFF  }
0x60: {  	[sflag:s0] =	ssyncadd.tile.s32 @!p0 $0x1;
	_ =	shalt  }
.Lfunc_end2:
_tile_overlayer_lowered:
.L_overlay_start_2:
0x61: {  	(tag) =	ssettag $0x2  }
0x62: {  	s0 =	rddreg [dreg:$0x0];
	s2 =	stileid.u32  }
0x63: {  	s1 =	rddreg [dreg:$0x1];
	p0 =	sne.s32 s2, $0x0  }
0x64: {  	s3 =	rddreg [dreg:$0x2];
	[bflag:$0x3] =	sbarrier.arrive $0xFFFF;
	s2 =	simm.s32 @!p0 $0x1C02  }
0x65: {  	[timem:s3], [sflag:s2] =	dma.local @!p0 [hbm:s0], s1  }
0x66: {  	s0 =	simm.s32 @!p0 $0x2  }
0x67: {  	_ =	swait.ge @!p0 [sflag:s0], s1  }
0x68: {  	s1 =	ssub.s32 @!p0 $0x0, s1;
	[sflag:s0] =	ssyncset.done @!p0 $0x0  }
0x69: {  	[sflag:s0] =	ssyncadd.s32 @!p0 s1  }
0x6a: {  	[bflag:$0x3] =	sbarrier.arrive $0xFFFF  }
0x6b: {  	_ =	shalt  }

// kernel: kernel.20.cloned.1.call-start
scs
__scs_entry_jumppad:
0x0: {  	(pc) =	sbr.rel $0x88, $3  }
0x1: {  	(tag) =	ssettag $0x0;
	lr =	simm.s32 $0x1  }
0x2: {  	[smem:$0x3F95] =	sst lr;
	_ =	strace $0xD0000000  }
0x3: {  	_ = 	snop  }
0x4: {  	_ = 	snop  }
0x5: {  	_ = 	snop  }
0x6: {  	_ = 	snop  }
0x7: {  	_ = 	snop  }
__scs_overlays_trampoline_lowered:
0x8: {  	[smem:$0x3FA4] =	sst s0  }
0x9: {  	[smem:$0x3FA5] =	sst s1  }
0xa: {  	[smem:$0x3FA6] =	sst s2  }
0xb: {  	[smem:$0x3FA7] =	sst s3  }
0xc: {  	[smem:$0x3FA8] =	sst s4  }
0xd: {  	[smem:$0x3FA9] =	sst s5  }
0xe: {  	[smem:$0x3FAA] =	sst s6  }
0xf: {  	[smem:$0x3FAB] =	sst s7  }
0x10: {  	[smem:$0x3FAC] =	sst s8  }
0x11: {  	[smem:$0x3FAD] =	sst s9;
	s0 =	simm.s32 @!p0 $0x0  }
0x12: {  	s1 =	sld [smem:$0x3F93];
	s0 =	simm.s32 @p0 $0x1  }
0x13: {  	[smem:$0x3FAE] =	sst s0;
	s0 =	simm.s32 @!p1 $0x0  }
0x14: {  	s2 =	sld [smem:$0x3F92];
	s0 =	simm.s32 @p1 $0x1  }
0x15: {  	[smem:$0x3FAF] =	sst s0;
	s0 =	simm.s32 @!p2 $0x0  }
0x16: {  	s3 =	sld [smem:$0x3FDB];
	s0 =	simm.s32 @p2 $0x1  }
0x17: {  	s4 =	simm.s32 $0x1BF5;
	[smem:$0x3FB1] =	sst s0  }
0x18: {  	s0 =	sld [smem:$0x3F94];
	_ =	swait.ge [sflag:s4], $0x0  }
0x19: {  	s7 =	sld [smem:$0x3F95]  }
0x1a: {  	s8 =	sadd.s32 $0xFFFFE003, lr  }
0x1b: {  	s9 =	sadd.s32 $0xFFFFFEF7, lr;
	s5 =	simm.s32 $0xFFFFFFFF;
	p2 =	slt.u32 s8, $0xFFFFF086  }
0x1c: {  	p1 =	slt.u32 s9, $0xF7A;
	s5 =	simm.s32 @!p2 $0x0  }
0x1d: {  	s5 =	simm.s32 @p1 $0x1;
	p0 =	seq.s32 s7, s2  }
0x1e: {  	s7 =	smul.u32 @!p0 $0xF7A, s2;
	p2 =	seq.s32 @!p0 s5, $0x0  }
0x1f: {  	s9 =	smul.u32 $0xF7A, s1;
	s8 =	simm.s32 @!p0 $0x1BF5;
	p2 =	por !p2, p0  }
0x20: {  	[sflag:s8] =	ssyncset.s32 @!p0 $0xFFFFF086;
	s6 =	sadd.s32 @!p0 s3, s7;
	s7 =	simm.s32 @!p0 $0x108  }
0x21: {  	s3 =	sadd.s32 s3, s9;
	s6 =	sadd.s32 @!p0 $0x88, s6;
	s7 =	simm.s32 @p2 $0x1082  }
0x22: {  	[simem:s7], [sflag:s8] =	dma.local @!p0 [hbm:s6], $0xF7A  }
0x23: {  	s9 =	sor.u32 $0xD0000000, s2;
	s6 =	simm.s32 $0x108;
	_ =	swait.ge @!p0 [sflag:s8], $0x0  }
0x24: {  	s3 =	sadd.s32 $0x88, s3;
	s6 =	simm.s32 @!p1 $0x1082;
	[sflag:s4] =	ssyncset.s32 $0xFFFFF086  }
0x25: {  	[simem:s6], [sflag:s4] =	dma.local [hbm:s3], $0xF7A  }
0x26: {  	[smem:$0x3F95] =	sst s1;
	(tag) =	ssettag s2;
	_ =	strace s9  }
0x27: {  	s1 =	sld [smem:$0x3FA5]  }
0x28: {  	s2 =	sld [smem:$0x3FA6]  }
0x29: {  	s4 =	sld [smem:$0x3FA8]  }
0x2a: {  	p0 =	seq.s32 s5, $0x0;
	s5 =	sld [smem:$0x3FA9]  }
0x2b: {  	s6 =	sld [smem:$0x3FAA]  }
0x2c: {  	s7 =	sld [smem:$0x3FAB]  }
0x2d: {  	s3 =	simm.s32 $0x108;
	s8 =	sld [smem:$0x3FAC]  }
0x2e: {  	s3 =	simm.s32 @!p0 $0x1082;
	s9 =	sld [smem:$0x3FAD]  }
0x2f: {  	lr =	sadd.s32 s0, s3;
	s0 =	sld [smem:$0x3FA4]  }
0x30: {  	s3 =	sld [smem:$0x3FA7]  }
0x31: {  	[smem:$0x3FB0] =	sst s10  }
0x32: {  	s10 =	sld [smem:$0x3FAE];
	_ =	sdelay $0x3  }
0x33: {  	p0 =	seq.s32 s10, $0x1;
	s10 =	sld [smem:$0x3FB0];
	_ =	sdelay $0x3  }
0x34: {  	[smem:$0x3FB0] =	sst s10  }
0x35: {  	s10 =	sld [smem:$0x3FAF];
	_ =	sdelay $0x3  }
0x36: {  	p1 =	seq.s32 s10, $0x1;
	s10 =	sld [smem:$0x3FB0];
	_ =	sdelay $0x3  }
0x37: {  	[smem:$0x3FB0] =	sst s10  }
0x38: {  	s10 =	sld [smem:$0x3FB1]  }
0x39: {  	_ = 	snop;
	(pc) =	sbr.ind lr, $3  }
0x3a: {  	_ = 	snop  }
0x3b: {  	_ = 	snop  }
0x3c: {  	p2 =	seq.s32 s10, $0x1;
	s10 =	sld [smem:$0x3FB0]  }
0x3d: {  	_ =	shalt  }
0x3e: {  	_ =	shalt  }
0x3f: {  	_ =	shalt  }
0x40: {  	_ =	shalt  }
0x41: {  	_ =	shalt  }
0x42: {  	_ =	shalt  }
0x43: {  	_ =	shalt  }
0x44: {  	_ =	shalt  }
0x45: {  	_ =	shalt  }
0x46: {  	_ =	shalt  }
0x47: {  	_ =	shalt  }
0x48: {  	_ =	shalt  }
0x49: {  	_ =	shalt  }
0x4a: {  	_ =	shalt  }
0x4b: {  	_ =	shalt  }
0x4c: {  	_ =	shalt  }
0x4d: {  	_ =	shalt  }
0x4e: {  	_ =	shalt  }
0x4f: {  	_ =	shalt  }
0x50: {  	_ =	shalt  }
0x51: {  	_ =	shalt  }
0x52: {  	_ =	shalt  }
0x53: {  	_ =	shalt  }
0x54: {  	_ =	shalt  }
0x55: {  	_ =	shalt  }
0x56: {  	_ =	shalt  }
0x57: {  	_ =	shalt  }
0x58: {  	_ =	shalt  }
0x59: {  	_ =	shalt  }
0x5a: {  	_ =	shalt  }
0x5b: {  	_ =	shalt  }
0x5c: {  	_ =	shalt  }
0x5d: {  	_ =	shalt  }
0x5e: {  	_ =	shalt  }
0x5f: {  	_ =	shalt  }
0x60: {  	_ =	shalt  }
0x61: {  	_ =	shalt  }
0x62: {  	_ =	shalt  }
0x63: {  	_ =	shalt  }
0x64: {  	_ =	shalt  }
0x65: {  	_ =	shalt  }
0x66: {  	_ =	shalt  }
0x67: {  	_ =	shalt  }
0x68: {  	_ =	shalt  }
0x69: {  	_ =	shalt  }
0x6a: {  	_ =	shalt  }
0x6b: {  	_ =	shalt  }
0x6c: {  	_ =	shalt  }
0x6d: {  	_ =	shalt  }
0x6e: {  	_ =	shalt  }
0x6f: {  	_ =	shalt  }
0x70: {  	_ =	shalt  }
0x71: {  	_ =	shalt  }
0x72: {  	_ =	shalt  }
0x73: {  	_ =	shalt  }
0x74: {  	_ =	shalt  }
0x75: {  	_ =	shalt  }
0x76: {  	_ =	shalt  }
0x77: {  	_ =	shalt  }
0x78: {  	_ =	shalt  }
0x79: {  	_ =	shalt  }
0x7a: {  	_ =	shalt  }
0x7b: {  	_ =	shalt  }
0x7c: {  	_ =	shalt  }
0x7d: {  	_ =	shalt  }
0x7e: {  	_ =	shalt  }
0x7f: {  	_ =	shalt  }
0x80: {  	_ =	shalt  }
0x81: {  	_ =	shalt  }
0x82: {  	_ =	shalt  }
0x83: {  	_ =	shalt  }
0x84: {  	_ =	shalt  }
0x85: {  	_ =	shalt  }
0x86: {  	_ =	shalt  }
0x87: {  	_ =	shalt  }
.Lfunc_end0:
.L_simem_size_0:
called_computation.3_lowered:
.L_overlay_start_0:
0x88: {  	s2 =	sld [smem:$0x3FD9]  }
0x89: {  	s3 =	sld [smem:$0x3FFE];
	_ =	sdelay $0x1  }
0x8a: {  	s1 =	srdreg.scid  }
0x8b: {  	s0 =	sand.u32 $0x1, s1  }
0x8c: {  	s17 =	sshll.u32 s0, $0xA;
	s2 =	sadd.s32 s3, s2  }
0x8d: {  	s2 =	sadd.s32 s2, s17  }
0x8e: {  	[smem:$0x3FBC] =	sst s2  }
0x8f: {  	_ = 	snop  }
0x90: {  	s2 =	sld [smem:$0x3FD0];
	(tm) =	ssettm $0x1  }
0x91: {  	s18 =	sld [smem:$0x3FFB];
	_ =	sdelay $0x3  }
0x92: {  	_ =	strace s18  }
0x93: {  	s3 =	sld [smem:$0x3FFC];
	_ =	sdelay $0x3  }
0x94: {  	_ =	strace s3  }
0x95: {  	s3 =	sld [smem:$0x3FFD];
	_ =	sdelay $0x3  }
0x96: {  	_ =	strace s3  }
0x97: {  	_ =	strace $0x8FFFFFFF  }
0x98: {  	s19 =	sld [smem:$0x3FDB];
	_ =	sdelay $0x1  }
0x99: {  	s4 =	simm.s32 $_scs_section_size  }
0x9a: {  	s5 =	simm.s32 $_size__tile_overlayer_lowered;
	s6 =	simm.s32 $_tile_overlayer_lowered  }
0x9b: {  	s22 =	simm.s32 $0x1BFF;
	s21 =	sshll.u32 s6, $0x1;
	s3 =	sadd.s32 s4, s19  }
0x9c: {  	s7 =	simm.s32 $0x0;
	s20 =	sshll.u32 s5, $0x1;
	s5 =	sadd.s32 s21, s3  }
0x9d: {  	[timem:s7], [sflag:s22] =	dma.local [hbm:s5], s20  }
0x9e: {  	_ =	swait.ge [sflag:s22], s20  }
0x9f: {  	s4 =	ssub.s32 $0x0, s20;
	[sflag:s22] =	ssyncset.done $0x0  }
0xa0: {  	[sflag:s22] =	ssyncadd.s32 s4;
	_ =	sdelay $0x1  }
0xa1: {  	s23 =	simm.s32 $0x1B8B  }
0xa2: {  	_ =	swait.ge [sflag:s23], $0x1  }
0xa3: {  	[sflag:s23] =	ssyncset.done $0x0  }
0xa4: {  	s25 =	simm.s32 $0x1B8E;
	s24 =	sld [smem:$0x3FFE];
	[sflag:s23] =	ssyncadd.s32 $0xFFFFFFFF  }
0xa5: {  	s26 =	simm.s32 $execute0_lowered;
	[smem:$0x3FD2] =	sst s25  }
0xa6: {  	s5 =	sshll.u32 s26, $0x1;
	_ =	strace $0x8000004F;
	[dreg:$0x1] =	wrdreg $0xFFFFFFFF  }
0xa7: {  	s28 =	simm.s32 $_size_execute0_lowered;
	s3 =	sadd.s32 s3, s5;
	[dreg:$0x0] =	wrdreg $0x0  }
0xa8: {  	s5 =	sshll.u32 s28, $0x1;
	[dreg:$0x2] =	wrdreg s3  }
0xa9: {  	[dreg:$0x3] =	wrdreg s5  }
0xaa: {  	[dreg:$0x4] =	wrdreg $0xC0  }
0xab: {  	_ =	task [dreg:s7], $0x5FFFF  }
0xac: {  	[dreg:$0x1] =	wrdreg $0xFFFFFFFF  }
0xad: {  	[dreg:$0x0] =	wrdreg $0x60  }
0xae: {  	[dreg:$0x2] =	wrdreg s24  }
0xaf: {  	[dreg:$0x3] =	wrdreg s2  }
0xb0: {  	[dreg:$0x4] =	wrdreg $0x90000  }
0xb1: {  	[dreg:$0x5] =	wrdreg $0x9  }
0xb2: {  	_ =	task.clear_ibuf [dreg:s7], $0x6FFFF;
	_ =	strace $0x9000004F  }
0xb3: {  	s29 =	simm.s32 $0x9;
	_ =	strace $0x80000051  }
0xb4: {  	_ =	swait.ge [sflag:s29], $0x1  }
0xb5: {  	[sflag:s29] =	ssyncadd.s32 $0xFFFFFFFF  }
0xb6: {  	_ =	strace $0x90000051  }
0xb7: {  	_ =	sfence  }
0xb8: {  	s30 =	sld [smem:$0x0];
	_ =	sdelay $0x2  }
0xb9: {  	s31 =	sshll.u32 s1, $0xD;
	s1 =	sshrl.u32 s1, $0x2  }
0xba: {  	s3 =	sand.u32 $0x4000, s31;
	s1 =	sadd.s32 s1, s30  }
0xbb: {  	s0 =	sor.u32 s3, s0;
	s1 =	sshll.u32 s1, $0x11  }
0xbc: {  	s0 =	sor.u32 s1, s0  }
0xbd: {  	s0 =	sadd.s32 $0x8F2B, s0  }
0xbe: {  	[sflag:s0] =	ssyncadd.remote.s32 $0x1  }
0xbf: {  	_ =	sfence.sel $0xFFFF  }
0xc0: {  	[dreg:$0x0] =	wrdreg $0xFFFFFFFF;
	(pc) =	sbr.abs _section_cstart, $3  }
0xc1: {  	[dreg:$0x1] =	wrdreg $0xFFFFFFFF  }
0xc2: {  	_ =	task.clear_ibuf [dreg:s7], $0x2FFFF;
	_ =	strace $0x9FFFFFFF  }
0xc3: {  	(tm) =	ssettm $0x7FFFFFFF  }
tec
execute0_lowered:
.L_overlay_start_1:
0x0: {  	(tag) =	ssettag $0x1  }
0x1: {  	s6 =	rddreg [dreg:$0x0]  }
0x2: {  	s0 =	srdreg.scid;
	s11 =	rddreg [dreg:$0x1]  }
0x3: {  	s2 =	rddreg [dreg:$0x2];
	s3 =	simm.s32 $0x0;
	s15 =	simm.s32 $0x2  }
0x4: {  	s16 =	simm.s32 $0x2800;
	s17 =	simm.s32 $0x80;
	s5 =	sand.u32 $0x1, s0  }
0x5: {  	s18 =	simm.s32 $0x1;
	s0 =	stileid.u32;
	s7 =	smul.u32 $0x140000, s5  }
0x6: {  	[smem:$0x7FF] =	sst s3;
	s4 =	sadd.s32 $0xD200, s6;
	s8 =	smul.u32 $0x14000, s0  }
0x7: {  	s1 =	sshll.u32 s5, $0x4;
	s9 =	smul.u32 $0x50000, s0;
	s29 =	ssub.s32 $0x2, s5  }
0x8: {  	s19 =	sshll.u32 s0, $0x6;
	s1 =	sor.u32 s0, s1;
	s31 =	sshrl.u32 s29, $0x1  }
0x9: {  	s19 =	sor.u32 $0x1C02, s19;
	s12 =	smul.u32 $0x500, s1;
	s1 =	rddreg [dreg:$0x3]  }
0xa: {  	_ =	strace $0x80000050;
	s7 =	sadd.s32 s8, s7;
	s30 =	sshrl.u32 s9, $0x2  }
0xb: {  	s14 =	ssub.s32 s29, s31;
	s7 =	sshrl.u32 s7, $0x3;
	s5 =	sadd.s32 s30, s2  }
0xc: {  	s10 =	sadd.s32 s12, s6;
	s13 =	sadd.s32 s7, s6;
	s6 =	sadd.s32 $0x4000, s5  }
0xd: {  	s7 =	sadd.s32 $0x8000, s5;
	s8 =	sadd.s32 $0xC000, s5;
	s9 =	sadd.s32 $0x10000, s5  }
0xe: {  	s11 =	sadd.s32 s11, s12;
	s20 =	sshrl.u32 s5, $0x3;
	s10 =	sadd.s32 $0x3200, s10  }
0xf: {  	v0 =	vimm.f32 $0.0e+00;
	s12 =	sadd.s32 $0x35200, s13;
	s13 =	smax.u32 s14, $0x1;
	s14 =	simm.s32 $0x5000  }
.LBB2_1:
0x10: {  	s21 =	simm.s32 $0x0;
	s22 =	simm.s32 $0x200  }
.LBB2_2:
0x11: {  	p0 =	sne.s32 s22, $0xFE00;
	[tilespmem:s21+$0x5070] =	vst v0  }
0x12: {  	[tilespmem:s21+$0x5000] =	vst v0  }
0x13: {  	[tilespmem:s21+$0x5010] =	vst v0  }
.Ltmp0:
0x14: {  	[tilespmem:s21+$0x5020] =	vst v0;
	(pc) =	sbr.rel @p0 .LBB2_2-.Ltmp0, $4  }
0x15: {  	[tilespmem:s21+$0x5030] =	vst v0  }
0x16: {  	[tilespmem:s21+$0x5040] =	vst v0  }
0x17: {  	[tilespmem:s21+$0x5050] =	vst v0  }
0x18: {  	[tilespmem:s21+$0x5060] =	vst v0;
	s21 =	sshra.s32 s22, $0x2;
	s22 =	sadd.s32 $0x200, s22  }
0x19: {  	[tilespmem:s21+$0x5070] =	vst v0  }
0x1a: {  	[tilespmem:s21+$0x5000] =	vst v0  }
0x1b: {  	[tilespmem:s21+$0x5010] =	vst v0  }
0x1c: {  	[tilespmem:s21+$0x5020] =	vst v0  }
0x1d: {  	[tilespmem:s21+$0x5030] =	vst v0  }
0x1e: {  	[tilespmem:s21+$0x5040] =	vst v0  }
0x1f: {  	[tilespmem:s21+$0x5050] =	vst v0  }
0x20: {  	[tilespmem:s21+$0x5060] =	vst v0  }
0x21: {  	[spmem:s5] =	stream.linear.scatter [tilespmem:s14], [sflag:$0x2], $0x4000, $0x38;
	[tilespmem:$0x1D000] =	vst v63  }
0x22: {  	_ =	swait.ge [sflag:s15], $0x4000  }
0x23: {  	[sflag:s15] =	ssyncset.done $0x0  }
0x24: {  	[sflag:s15] =	ssyncadd.s32 $0xFFFFC000  }
0x25: {  	[spmem:s6] =	stream.linear.scatter [tilespmem:s14], [sflag:$0x2], $0x4000, $0x38;
	[tilespmem:$0x1D000] =	vst v63  }
0x26: {  	_ =	swait.ge [sflag:s15], $0x4000  }
0x27: {  	[sflag:s15] =	ssyncset.done $0x0  }
0x28: {  	[sflag:s15] =	ssyncadd.s32 $0xFFFFC000  }
0x29: {  	[spmem:s7] =	stream.linear.scatter [tilespmem:s14], [sflag:$0x2], $0x4000, $0x38;
	[tilespmem:$0x1D000] =	vst v63  }
0x2a: {  	_ =	swait.ge [sflag:s15], $0x4000  }
0x2b: {  	[sflag:s15] =	ssyncset.done $0x0  }
0x2c: {  	[sflag:s15] =	ssyncadd.s32 $0xFFFFC000  }
0x2d: {  	[spmem:s8] =	stream.linear.scatter [tilespmem:s14], [sflag:$0x2], $0x4000, $0x38;
	[tilespmem:$0x1D000] =	vst v63  }
0x2e: {  	_ =	swait.ge [sflag:s15], $0x4000  }
0x2f: {  	[sflag:s15] =	ssyncset.done $0x0  }
0x30: {  	[sflag:s15] =	ssyncadd.s32 $0xFFFFC000  }
0x31: {  	[spmem:s9] =	stream.linear.scatter [tilespmem:s14], [sflag:$0x2], $0x4000, $0x38;
	[tilespmem:$0x1D000] =	vst v63  }
0x32: {  	_ =	swait.ge [sflag:s15], $0x4000  }
0x33: {  	[sflag:s15] =	ssyncset.done $0x0  }
0x34: {  	[sflag:s15] =	ssyncadd.s32 $0xFFFFC000  }
0x35: {  	s29 =	simm.s32 $0x0;
	[bflag:$0x0] =	sbarrier.arrive $0xFFFF  }
0x36: {  	[tilespmem:s29], [sflag:$0x2] =	stream.linear.gather [hbm4b:s10+s29], $0x2800, $0x38;
	[tilespmem:$0x1D000] =	vst v63  }
0x37: {  	_ =	swait.ge [sflag:s15], $0x2800  }
0x38: {  	[sflag:s15] =	ssyncset.done $0x0  }
0x39: {  	[sflag:s15] =	ssyncadd.s32 $0xFFFFD800  }
0x3a: {  	[tilespmem:s16], [sflag:$0x2] =	stream.linear.gather [hbm4b:s11+s29], $0x2800, $0x38;
	[tilespmem:$0x1D000] =	vst v63  }
0x3b: {  	_ =	swait.ge [sflag:s15], $0x2800  }
0x3c: {  	[sflag:s15] =	ssyncset.done $0x0  }
0x3d: {  	s30 =	simm.s32 $0x0;
	[sflag:s15] =	ssyncadd.s32 $0xFFFFD800  }
0x3e: {  	[tilespmem:s14], [sflag:$0x1] =	stream.indirect.gather [hbm4b:s4+s17], $0x80, s30, s17, $0xb8;
	[tilespmem:$0x1D000] =	vst v63  }
0x3f: {  	_ =	swait.ge [sflag:s18], $0x4000  }
0x40: {  	[sflag:s18] =	ssyncset.done $0x0  }
0x41: {  	s31 =	simm.s32 $0x2800;
	[sflag:s18] =	ssyncadd.s32 $0xFFFFC000  }
0x42: {  	[spmem:s2] =	stream.indirect.scatter.add.f32 [tilespmem:s14], [sflag:$0x2], $0x80, s31, s17, $0xb8;
	[tilespmem:$0x1D000] =	vst v63  }
0x43: {  	_ =	swait.ge [sflag:s15], $0x4000  }
0x44: {  	s21 =	simm.s32 $0x200;
	s22 =	simm.s32 $0x400;
	[sflag:s15] =	ssyncset.done $0x0  }
.LBB2_4:
0x45: {  	s23 =	sshra.s32 s21, $0x2  }
0x46: {  	[sflag:s15] =	ssyncadd.s32 $0xFFFFC000;
	s21 =	smov.u32 s22;
	s24 =	sadd.s32 $0x200, s22  }
0x47: {  	[tilespmem:s14], [sflag:$0x1] =	stream.indirect.gather [hbm4b:s4+s17], $0x80, s23, s17, $0xb8;
	[tilespmem:$0x1D000] =	vst v63  }
0x48: {  	p0 =	sne.s32 s22, $0x9E00;
	_ =	swait.ge [sflag:s18], $0x4000  }
.Ltmp1:
0x49: {  	[sflag:s18] =	ssyncset.done $0x0;
	(pc) =	sbr.rel @p0 .LBB2_4-.Ltmp1, $4  }
0x4a: {  	s22 =	sadd.s32 $0x2800, s23;
	[sflag:s18] =	ssyncadd.s32 $0xFFFFC000  }
0x4b: {  	[spmem:s2] =	stream.indirect.scatter.add.f32 [tilespmem:s14], [sflag:$0x2], $0x80, s22, s17, $0xb8;
	[tilespmem:$0x1D000] =	vst v63  }
0x4c: {  	_ =	swait.ge [sflag:s15], $0x4000  }
0x4d: {  	s22 =	smov.u32 s24;
	[sflag:s15] =	ssyncset.done $0x0  }
0x4e: {  	s21 =	sshra.s32 s21, $0x2;
	[sflag:s15] =	ssyncadd.s32 $0xFFFFC000  }
0x4f: {  	[tilespmem:s14], [sflag:$0x1] =	stream.indirect.gather [hbm4b:s4+s17], $0x80, s21, s17, $0xb8;
	[tilespmem:$0x1D000] =	vst v63  }
0x50: {  	_ =	swait.ge [sflag:s18], $0x4000  }
0x51: {  	[sflag:s18] =	ssyncset.done $0x0  }
0x52: {  	s21 =	sadd.s32 $0x2800, s21;
	[sflag:s18] =	ssyncadd.s32 $0xFFFFC000  }
0x53: {  	[spmem:s2] =	stream.indirect.scatter.add.f32 [tilespmem:s14], [sflag:$0x2], $0x80, s21, s17, $0xb8;
	[tilespmem:$0x1D000] =	vst v63  }
0x54: {  	_ =	swait.ge [sflag:s15], $0x4000  }
0x55: {  	s3 =	sadd.s32 $0x1, s3;
	[sflag:s15] =	ssyncset.done $0x0  }
0x56: {  	p0 =	sne.s32 s3, s13;
	[sflag:s15] =	ssyncadd.s32 $0xFFFFC000  }
.Ltmp2:
0x57: {  	[bflag:$0x0] =	sbarrier.arrive $0xFFFF;
	(pc) =	sbr.rel @p0 .LBB2_1-.Ltmp2, $4  }
0x58: {  	[hbm:s12], [sflag:s19] =	dma.local [spmem:s20], $0x2800  }
0x59: {  	_ =	swait.ge [sflag:s15], $0x2800  }
0x5a: {  	[sflag:s15] =	ssyncset.done $0x0  }
0x5b: {  	[sflag:s15] =	ssyncadd.s32 $0xFFFFD800  }
0x5c: {  	_ =	sfence.sel $0x180000  }
0x5d: {  	[bflag:$0x0] =	sbarrier.arrive $0xFFFF  }
0x5e: {  	p0 =	sne.s32 s0, $0x0;
	_ =	strace $0x90000050  }
0x5f: {  	s0 =	sadd.s32 @!p0 $0x100000, s1;
	[bflag:$0x2] =	sbarrier.arrive $0xFFFF  }
0x60: {  	[sflag:s0] =	ssyncadd.tile.s32 @!p0 $0x1;
	_ =	shalt  }
.Lfunc_end2:
_tile_overlayer_lowered:
.L_overlay_start_2:
0x61: {  	(tag) =	ssettag $0x2  }
0x62: {  	s0 =	rddreg [dreg:$0x0];
	s2 =	stileid.u32  }
0x63: {  	s1 =	rddreg [dreg:$0x1];
	p0 =	sne.s32 s2, $0x0  }
0x64: {  	s3 =	rddreg [dreg:$0x2];
	[bflag:$0x3] =	sbarrier.arrive $0xFFFF;
	s2 =	simm.s32 @!p0 $0x1C02  }
0x65: {  	[timem:s3], [sflag:s2] =	dma.local @!p0 [hbm:s0], s1  }
0x66: {  	s0 =	simm.s32 @!p0 $0x2  }
0x67: {  	_ =	swait.ge @!p0 [sflag:s0], s1  }
0x68: {  	s1 =	ssub.s32 @!p0 $0x0, s1;
	[sflag:s0] =	ssyncset.done @!p0 $0x0  }
0x69: {  	[sflag:s0] =	ssyncadd.s32 @!p0 s1  }
0x6a: {  	[bflag:$0x3] =	sbarrier.arrive $0xFFFF  }
0x6b: {  	_ =	shalt  }

</sc_bundles>
